<compile_context>
chip_gen: v7x
topology: tpu7x:2x2x1
jax: 0.10.2.dev20260603
libtpu: 0.0.44.dev20260713+nightly
codegen_flags: <defaults>
</compile_context>

<pallas_src>
import functools

import jax
import jax.numpy as jnp
from jax import lax
from jax.experimental import pallas as pl
from jax.experimental.pallas import tpu as pltpu
from jax.experimental.pallas import tpu_sc as plsc

N = 10000
D = 128
E = 320000

NC = 2
NS = 16
NW = NC * NS

N_PAD = 10240
ROWS_PER_TILE = N_PAD // NS
CH = 128
E_PER_TILE = 10240
E_PAD = NW * E_PER_TILE
N_CH = E_PER_TILE // CH

BLK = 1024
GRID = N_PAD // BLK


def _dotT(a, w):
    return lax.dot_general(a, w, (((1,), (1,)), ((), ())),
                           precision=lax.Precision.HIGHEST,
                           preferred_element_type=jnp.float32)



def _proj_body(x_ref, w_ref, b_ref, o_ref):
    o_ref[...] = jnp.maximum(_dotT(x_ref[...], w_ref[...]) + b_ref[...], 0.0)


def _tc_proj(x, w, b):
    return pl.pallas_call(
        _proj_body,
        grid=(GRID,),
        in_specs=[
            pl.BlockSpec((BLK, D), lambda i: (i, 0)),
            pl.BlockSpec((D, D), lambda i: (0, 0)),
            pl.BlockSpec((1, D), lambda i: (0, 0)),
        ],
        out_specs=pl.BlockSpec((BLK, D), lambda i: (i, 0)),
        out_shape=jax.ShapeDtypeStruct((N_PAD, D), jnp.float32),
    )(x, w, b.reshape(1, D))


def _combine(parts_ref, cnt_ref, x_ref, wl_ref, bl_ref, wr_ref, g_ref, b_ref):
    p = parts_ref[0] + parts_ref[1]
    c = jnp.sum(cnt_ref[...], axis=0)[:, None]
    agg = p / jnp.maximum(c, 1.0)
    out = _dotT(agg, wl_ref[...]) + bl_ref[...] + _dotT(x_ref[...], wr_ref[...])
    mu = jnp.mean(out, axis=-1, keepdims=True)
    d = out - mu
    var = jnp.mean(d * d, axis=-1, keepdims=True)
    return d / jnp.sqrt(var + 1e-5) * g_ref[...] + b_ref[...]


def _mid_body(parts_ref, cnt_ref, x_ref, wl_ref, bl_ref, wr_ref, g_ref, b_ref,
              wp_ref, bp_ref, y_ref, h_ref):
    y = _combine(parts_ref, cnt_ref, x_ref, wl_ref, bl_ref, wr_ref, g_ref, b_ref)
    y_ref[...] = y
    h_ref[...] = jnp.maximum(_dotT(y, wp_ref[...]) + bp_ref[...], 0.0)


def _final_body(parts_ref, cnt_ref, x_ref, wl_ref, bl_ref, wr_ref, g_ref,
                b_ref, y_ref):
    y_ref[...] = _combine(parts_ref, cnt_ref, x_ref, wl_ref, bl_ref, wr_ref,
                          g_ref, b_ref)


_W_SPEC = pl.BlockSpec((D, D), lambda i: (0, 0))
_V_SPEC = pl.BlockSpec((1, D), lambda i: (0, 0))
_ROW_SPEC = pl.BlockSpec((BLK, D), lambda i: (i, 0))
_PARTS_SPEC = pl.BlockSpec((NC, BLK, D), lambda i: (0, i, 0))
_CNT_SPEC = pl.BlockSpec((NW, BLK), lambda i: (0, i))


def _tc_mid(parts, cnt, x, wl, bl, wr, g, b, wp, bp):
    return pl.pallas_call(
        _mid_body,
        grid=(GRID,),
        in_specs=[_PARTS_SPEC, _CNT_SPEC, _ROW_SPEC, _W_SPEC, _V_SPEC,
                  _W_SPEC, _V_SPEC, _V_SPEC, _W_SPEC, _V_SPEC],
        out_specs=(_ROW_SPEC, _ROW_SPEC),
        out_shape=(jax.ShapeDtypeStruct((N_PAD, D), jnp.float32),
                   jax.ShapeDtypeStruct((N_PAD, D), jnp.float32)),
    )(parts, cnt, x, wl, bl.reshape(1, D), wr, g.reshape(1, D),
      b.reshape(1, D), wp, bp.reshape(1, D))


def _tc_final(parts, cnt, x, wl, bl, wr, g, b):
    return pl.pallas_call(
        _final_body,
        grid=(GRID,),
        in_specs=[_PARTS_SPEC, _CNT_SPEC, _ROW_SPEC, _W_SPEC, _V_SPEC,
                  _W_SPEC, _V_SPEC, _V_SPEC],
        out_specs=_ROW_SPEC,
        out_shape=jax.ShapeDtypeStruct((N_PAD, D), jnp.float32),
    )(parts, cnt, x, wl, bl.reshape(1, D), wr, g.reshape(1, D),
      b.reshape(1, D))



_MESH = plsc.VectorSubcoreMesh(core_axis_name="c", subcore_axis_name="s",
                               num_cores=NC, num_subcores=NS)


GRP = 8
NB = 2
N_GRP_TOTAL = E_PAD // (NC * NS * GRP * CH)
K0 = 20
K1 = 2 * N_GRP_TOTAL - K0


def _tile_layout(c, s):
    n_grp = jnp.where(c == 0, K0, K1)
    row_base = jnp.where(c == 0, s * (K0 * GRP),
                         16 * (K0 * GRP) + s * (K1 * GRP))
    return n_grp, row_base


def _edge_group(i, row_base, h_hbm, src2d_hbm, dst2d_hbm, src_g, dst_g, rows,
                agg_sh):
    row0 = pl.multiple_of(row_base + i * GRP, 8)
    pltpu.sync_copy(src2d_hbm.at[pl.ds(row0, GRP)], src_g)
    pltpu.sync_copy(dst2d_hbm.at[pl.ds(row0, GRP)], dst_g)

    for k in range(GRP):
        b = k % NB
        pltpu.sync_copy(h_hbm.at[src_g.at[k]], rows[b])
        pltpu.sync_copy(rows[b], agg_sh.at[dst_g.at[k]], add=True)


def _sc_body_cnt(h_hbm, src2d_hbm, dst2d_hbm, zrows_hbm, zcnt_hbm,
                 parts_out, cnt_out, src_g, dst_g, r0, r1,
                 cnt_v, agg_sh):
    rows = (r0, r1)
    c = lax.axis_index("c")
    s = lax.axis_index("s")
    wid = s * NC + c
    rbase = s * ROWS_PER_TILE
    pltpu.sync_copy(zrows_hbm.at[pl.ds(rbase, ROWS_PER_TILE)],
                    agg_sh.at[pl.ds(rbase, ROWS_PER_TILE)])
    pltpu.sync_copy(zcnt_hbm, cnt_v)
    plsc.subcore_barrier()

    ones16 = jnp.full((16,), 1.0, jnp.float32)
    n_grp, row_base = _tile_layout(c, s)

    @pl.loop(0, n_grp)
    def body(i):
        _edge_group(i, row_base, h_hbm, src2d_hbm, dst2d_hbm, src_g, dst_g,
                    rows, agg_sh)
        for k in range(GRP):
            for j in range(CH // 16):
                plsc.addupdate_scatter(
                    cnt_v, [dst_g[k, pl.ds(j * 16, 16)]], ones16)

    plsc.subcore_barrier()
    pltpu.sync_copy(agg_sh.at[pl.ds(rbase, ROWS_PER_TILE)],
                    parts_out.at[c, pl.ds(rbase, ROWS_PER_TILE)])
    pltpu.sync_copy(cnt_v, cnt_out.at[wid])


def _sc_body_nocnt(h_hbm, src2d_hbm, dst2d_hbm, zrows_hbm, parts_out, src_g,
                   dst_g, r0, r1, agg_sh):
    rows = (r0, r1)
    c = lax.axis_index("c")
    s = lax.axis_index("s")
    wid = s * NC + c
    rbase = s * ROWS_PER_TILE
    pltpu.sync_copy(zrows_hbm.at[pl.ds(rbase, ROWS_PER_TILE)],
                    agg_sh.at[pl.ds(rbase, ROWS_PER_TILE)])
    plsc.subcore_barrier()

    n_grp, row_base = _tile_layout(c, s)

    @pl.loop(0, n_grp)
    def body(i):
        _edge_group(i, row_base, h_hbm, src2d_hbm, dst2d_hbm, src_g, dst_g,
                    rows, agg_sh)

    plsc.subcore_barrier()
    pltpu.sync_copy(agg_sh.at[pl.ds(rbase, ROWS_PER_TILE)],
                    parts_out.at[c, pl.ds(rbase, ROWS_PER_TILE)])


_sc_edges_cnt = functools.partial(
    pl.kernel,
    _sc_body_cnt,
    out_type=(jax.ShapeDtypeStruct((NC, N_PAD, D), jnp.float32),
              jax.ShapeDtypeStruct((NW, N_PAD), jnp.float32)),
    mesh=_MESH,
    scratch_types=[
        pltpu.VMEM((GRP, CH), jnp.int32),
        pltpu.VMEM((GRP, CH), jnp.int32),
        pltpu.VMEM((CH, D), jnp.float32),
        pltpu.VMEM((CH, D), jnp.float32),
        pltpu.VMEM((N_PAD,), jnp.float32),
        pltpu.VMEM_SHARED((N_PAD, D), jnp.float32),
    ],
    compiler_params=pltpu.CompilerParams(needs_layout_passes=False),
)()

_sc_edges_nocnt = functools.partial(
    pl.kernel,
    _sc_body_nocnt,
    out_type=jax.ShapeDtypeStruct((NC, N_PAD, D), jnp.float32),
    mesh=_MESH,
    scratch_types=[
        pltpu.VMEM((GRP, CH), jnp.int32),
        pltpu.VMEM((GRP, CH), jnp.int32),
        pltpu.VMEM((CH, D), jnp.float32),
        pltpu.VMEM((CH, D), jnp.float32),
        pltpu.VMEM_SHARED((N_PAD, D), jnp.float32),
    ],
)()



@jax.jit
def kernel(x, edge_index, Wp0, bp0, Wl0, bl0, Wr0, g0, b0,
           Wp1, bp1, Wl1, bl1, Wr1, g1, b1):
    x_pad = jnp.pad(x, ((0, N_PAD - N), (0, 0)))
    src = jnp.pad(edge_index[0], (0, E_PAD - E))
    dst = jnp.pad(edge_index[1], (0, E_PAD - E), constant_values=N_PAD - 1)
    zrows = jnp.zeros((N_PAD, D), jnp.float32)
    zcnt = jnp.zeros((N_PAD,), jnp.float32)

    src2d = src.reshape(E_PAD // CH, CH)
    dst2d = dst.reshape(E_PAD // CH, CH)

    h0p = _tc_proj(x_pad, Wp0, bp0)
    parts0, cnt = _sc_edges_cnt(h0p, src2d, dst2d, zrows, zcnt)
    h0, h1p = _tc_mid(parts0, cnt, x_pad, Wl0, bl0, Wr0, g0, b0, Wp1, bp1)
    parts1 = _sc_edges_nocnt(h1p, src2d, dst2d, zrows)
    h1 = _tc_final(parts1, cnt, h0, Wl1, bl1, Wr1, g1, b1)
    return h1[:N]

# --- scband reference (transcript-rebuilt; emitter-appended) ---
"""Pipeline reference for scband-gconv-12249246728621 (READ-ONLY COPY).

The authoritative reference and input builder live on the scoring server;
editing this copy changes nothing except your own understanding.
"""

import jax, jax.numpy as jnp
import numpy as np

N = 10000
E = 320000
D = 128


def setup_inputs(seed: int = 0) -> dict:
    key = jax.random.key(seed)
    ks = jax.random.split(key, 16)
    inp = {}
    inp["x"] = jax.random.normal(ks[0], (N, D), dtype=jnp.float32)
    inp["edge_index"] = jax.random.randint(ks[1], (2, E), 0, N, dtype=jnp.int32)
    # Per-layer params for SAGEConv(project=True) + LayerNorm
    # lin_proj (weight+bias), lin_l (weight+bias), lin_r (weight, no bias), LN gamma/beta
    def w(k, shape):
        return jax.random.normal(k, shape, dtype=jnp.float32) * 0.05
    inp["Wp0"] = w(ks[2], (D, D)); inp["bp0"] = jnp.zeros((D,), jnp.float32)
    inp["Wl0"] = w(ks[3], (D, D)); inp["bl0"] = jnp.zeros((D,), jnp.float32)
    inp["Wr0"] = w(ks[4], (D, D))
    inp["g0"] = jnp.ones((D,), jnp.float32); inp["b0"] = jnp.zeros((D,), jnp.float32)
    inp["Wp1"] = w(ks[5], (D, D)); inp["bp1"] = jnp.zeros((D,), jnp.float32)
    inp["Wl1"] = w(ks[6], (D, D)); inp["bl1"] = jnp.zeros((D,), jnp.float32)
    inp["Wr1"] = w(ks[7], (D, D))
    inp["g1"] = jnp.ones((D,), jnp.float32); inp["b1"] = jnp.zeros((D,), jnp.float32)
    return inp


def _sage_ln(x, edge_index, Wp, bp, Wl, bl, Wr, g, b):
    # SAGEConv with project=True: project + relu source features
    h = jax.nn.relu(x @ Wp.T + bp)
    src = edge_index[0]
    dst = edge_index[1]
    msg = jnp.take(h, src, axis=0)
    agg = jax.ops.segment_sum(msg, dst, num_segments=x.shape[0])
    cnt = jax.ops.segment_sum(jnp.ones((msg.shape[0],), x.dtype), dst, num_segments=x.shape[0])
    agg = agg / jnp.clip(cnt, 1.0, None)[:, None]
    out = agg @ Wl.T + bl + x @ Wr.T  # mean-aggregated neighbors + root weight
    # LayerNorm
    mu = jnp.mean(out, axis=-1, keepdims=True)
    var = jnp.var(out, axis=-1, keepdims=True)
    out = (out - mu) / jnp.sqrt(var + 1e-5) * g + b
    return out


def reference(x, edge_index, Wp0, bp0, Wl0, bl0, Wr0, g0, b0, Wp1, bp1, Wl1, bl1, Wr1, g1, b1):
    h0 = _sage_ln(x, edge_index, Wp0, bp0, Wl0, bl0, Wr0, g0, b0)
    h1 = _sage_ln(h0, edge_index, Wp1, bp1, Wl1, bl1, Wr1, g1, b1)
    return h1

if __name__ == "__main__":
    import jax
    _d = setup_inputs()
    print(jax.jit(kernel)(*tuple(_d.values())))

</pallas_src>

<mosaic_0001>
#map = affine_map<(d0, d1) -> (0, 0)>
#map1 = affine_map<(d0, d1) -> (0)>
#map2 = affine_map<(d0, d1) -> (0, 0, 0)>
module attributes {stable_mosaic.version = 14 : i64} {
  func.func @_sc_body_cnt(%arg0: i32, %arg1: i32, %arg2: memref<10240x128xf32, #tpu.memory_space<hbm>>, %arg3: memref<2560x128xi32, #tpu.memory_space<hbm>>, %arg4: memref<2560x128xi32, #tpu.memory_space<hbm>>, %arg5: memref<10240x128xf32, #tpu.memory_space<hbm>>, %arg6: memref<10240xf32, #tpu.memory_space<hbm>>, %arg7: memref<2x10240x128xf32, #tpu.memory_space<hbm>>, %arg8: memref<32x10240xf32, #tpu.memory_space<hbm>>, %arg9: memref<8x128xi32, #tpu.memory_space<vmem>>, %arg10: memref<8x128xi32, #tpu.memory_space<vmem>>, %arg11: memref<128x128xf32, #tpu.memory_space<vmem>>, %arg12: memref<128x128xf32, #tpu.memory_space<vmem>>, %arg13: memref<10240xf32, #tpu.memory_space<vmem>>, %arg14: memref<10240x128xf32, #tpu.memory_space<vmem_shared>>) attributes {dimension_semantics = [#tpu.dimension_semantics<core_parallel>, #tpu.dimension_semantics<subcore_parallel>], iteration_bounds = array<i64: 2, 16>, scalar_prefetch = 0 : i64, scratch_operands = 6 : i64, tpu.core_type = #tpu.core_type<sc_vector_subcore>, window_params = [{transform_indices = #map}, {transform_indices = #map}, {transform_indices = #map}, {transform_indices = #map}, {transform_indices = #map1}, {transform_indices = #map2}, {transform_indices = #map}]} {
    %mul3A = arith.constant 2 : i32
    %mul3A_0 = arith.muli %arg1, %mul3A : i32
    %add3A = arith.addi %mul3A_0, %arg0 : i32
    %mul3A_1 = arith.constant 640 : i32
    %mul3A_2 = arith.muli %arg1, %mul3A_1 : i32
    "tpu.region"() ({
      %run_scoped3A = tpu.sem_alloc : memref<!tpu.dma_semaphore, #tpu.memory_space<semaphore_mem>>
      %dma_start3A = arith.constant 0 : i32
      %dma_start3A_32 = tpu.memref_slice %arg14[%mul3A_2, %dma_start3A] : memref<10240x128xf32, #tpu.memory_space<vmem_shared>> -> memref<640x128xf32, #tpu.memory_space<vmem_shared>>
      %dma_start3A_33 = arith.constant 0 : i32
      %dma_start3A_34 = tpu.memref_slice %arg5[%mul3A_2, %dma_start3A_33] : memref<10240x128xf32, #tpu.memory_space<hbm>> -> memref<640x128xf32, #tpu.memory_space<hbm>>
      tpu.enqueue_dma source(%dma_start3A_34 : memref<640x128xf32, #tpu.memory_space<hbm>>) target(%dma_start3A_32 : memref<640x128xf32, #tpu.memory_space<vmem_shared>>) target_semaphore(%run_scoped3A : memref<!tpu.dma_semaphore, #tpu.memory_space<semaphore_mem>>)
      %dma_wait3A = arith.constant 0 : i32
      %dma_wait3A_35 = tpu.memref_slice %arg14[%mul3A_2, %dma_wait3A] : memref<10240x128xf32, #tpu.memory_space<vmem_shared>> -> memref<640x128xf32, #tpu.memory_space<vmem_shared>>
      %dma_wait3A_36 = arith.constant 0 : i32
      %dma_wait3A_37 = tpu.memref_slice %arg5[%mul3A_2, %dma_wait3A_36] : memref<10240x128xf32, #tpu.memory_space<hbm>> -> memref<640x128xf32, #tpu.memory_space<hbm>>
      tpu.wait_dma2 semaphore(%run_scoped3A : memref<!tpu.dma_semaphore, #tpu.memory_space<semaphore_mem>>) src(%dma_wait3A_37 : memref<640x128xf32, #tpu.memory_space<hbm>>) dst(%dma_wait3A_35 : memref<640x128xf32, #tpu.memory_space<vmem_shared>>)
      tpu.yield
    }) : () -> ()
    "tpu.region"() ({
      %run_scoped3A = tpu.sem_alloc : memref<!tpu.dma_semaphore, #tpu.memory_space<semaphore_mem>>
      tpu.enqueue_dma source(%arg6 : memref<10240xf32, #tpu.memory_space<hbm>>) target(%arg13 : memref<10240xf32, #tpu.memory_space<vmem>>) target_semaphore(%run_scoped3A : memref<!tpu.dma_semaphore, #tpu.memory_space<semaphore_mem>>)
      tpu.wait_dma2 semaphore(%run_scoped3A : memref<!tpu.dma_semaphore, #tpu.memory_space<semaphore_mem>>) src(%arg6 : memref<10240xf32, #tpu.memory_space<hbm>>) dst(%arg13 : memref<10240xf32, #tpu.memory_space<vmem>>)
      tpu.yield
    }) : () -> ()
    %barrier3A = arith.constant 0 : index
    tpu.barrier barrier_id(%barrier3A)
    %broadcast_in_dim3A = arith.constant 1.000000e+00 : f32
    %broadcast_in_dim3A_3 = vector.broadcast %broadcast_in_dim3A : f32 to vector<16xf32>
    %eq3A = arith.constant 0 : i32
    %eq3A_4 = arith.cmpi eq, %arg0, %eq3A : i32
    %jit3A = arith.constant 20 : i32
    %jit3A_5 = arith.constant 0 : i32
    %select_n3A = arith.select %eq3A_4, %jit3A, %jit3A_5 : i32
    %eq3A_6 = arith.constant 0 : i32
    %eq3A_7 = arith.cmpi eq, %arg0, %eq3A_6 : i32
    %mul3A_8 = arith.constant 160 : i32
    %mul3A_9 = arith.muli %arg1, %mul3A_8 : i32
    %mul3A_10 = arith.constant 0 : i32
    %mul3A_11 = arith.muli %arg1, %mul3A_10 : i32
    %add3A_12 = arith.constant 2560 : i32
    %add3A_13 = arith.addi %add3A_12, %mul3A_11 : i32
    %select_n3A_14 = arith.select %eq3A_7, %mul3A_9, %add3A_13 : i32
    %sub3A = arith.constant 0 : i32
    %sub3A_15 = arith.subi %select_n3A, %sub3A : i32
    %sub3A_16 = arith.constant 1 : i32
    %sub3A_17 = arith.constant 1 : i32
    %sub3A_18 = arith.subi %sub3A_16, %sub3A_17 : i32
    %add3A_19 = arith.addi %sub3A_15, %sub3A_18 : i32
    %div3A = arith.constant 1 : i32
    %div3A_20 = arith.divsi %add3A_19, %div3A : i32
    %while3A = arith.constant 1 : i32
    %while3A_21 = arith.constant 0 : i32
    %while3A_22 = arith.constant 0 : i32
    %while3A_23 = arith.subi %div3A_20, %while3A_22 : i32
    %while3A_24 = arith.addi %while3A_22, %while3A_23 : i32
    %while3A_25 = arith.constant 1 : i32
    %while3A_26 = arith.divsi %while3A_23, %while3A_25 : i32
    %while3A_27 = arith.muli %while3A_26, %while3A_25 : i32
    %while3A_28 = arith.addi %while3A_22, %while3A_27 : i32
    %while3A_29 = arith.constant 1 : i32
    scf.for %while3A_32 = %while3A_22 to %while3A_28 step %while3A_29  : i32 {
      %mul3A_33 = arith.muli %while3A_32, %while3A : i32
      %add3A_34 = arith.addi %while3A_21, %mul3A_33 : i32
      %mul3A_35 = arith.constant 8 : i32
      %mul3A_36 = arith.muli %add3A_34, %mul3A_35 : i32
      %add3A_37 = arith.addi %select_n3A_14, %mul3A_36 : i32
      %multiple_of3A = tpu.assume_multiple %add3A_37, 8 : i32
      "tpu.region"() ({
        %run_scoped3A_308 = tpu.sem_alloc : memref<!tpu.dma_semaphore, #tpu.memory_space<semaphore_mem>>
        %dma_start3A = arith.constant 0 : i32
        %dma_start3A_309 = tpu.memref_slice %arg3[%multiple_of3A, %dma_start3A] : memref<2560x128xi32, #tpu.memory_space<hbm>> -> memref<8x128xi32, #tpu.memory_space<hbm>>
        %dma_start3A_310 = arith.constant 0 : i32
        %dma_start3A_311 = tpu.memref_slice %arg3[%multiple_of3A, %dma_start3A_310] : memref<2560x128xi32, #tpu.memory_space<hbm>> -> memref<8x128xi32, #tpu.memory_space<hbm>>
        tpu.enqueue_dma source(%dma_start3A_311 : memref<8x128xi32, #tpu.memory_space<hbm>>) target(%arg9 : memref<8x128xi32, #tpu.memory_space<vmem>>) target_semaphore(%run_scoped3A_308 : memref<!tpu.dma_semaphore, #tpu.memory_space<semaphore_mem>>)
        %dma_wait3A = arith.constant 0 : i32
        %dma_wait3A_312 = tpu.memref_slice %arg3[%multiple_of3A, %dma_wait3A] : memref<2560x128xi32, #tpu.memory_space<hbm>> -> memref<8x128xi32, #tpu.memory_space<hbm>>
        %dma_wait3A_313 = arith.constant 0 : i32
        %dma_wait3A_314 = tpu.memref_slice %arg3[%multiple_of3A, %dma_wait3A_313] : memref<2560x128xi32, #tpu.memory_space<hbm>> -> memref<8x128xi32, #tpu.memory_space<hbm>>
        tpu.wait_dma2 semaphore(%run_scoped3A_308 : memref<!tpu.dma_semaphore, #tpu.memory_space<semaphore_mem>>) src(%dma_wait3A_314 : memref<8x128xi32, #tpu.memory_space<hbm>>) dst(%arg9 : memref<8x128xi32, #tpu.memory_space<vmem>>)
        tpu.yield
      }) : () -> ()
      "tpu.region"() ({
        %run_scoped3A_308 = tpu.sem_alloc : memref<!tpu.dma_semaphore, #tpu.memory_space<semaphore_mem>>
        %dma_start3A = arith.constant 0 : i32
        %dma_start3A_309 = tpu.memref_slice %arg4[%multiple_of3A, %dma_start3A] : memref<2560x128xi32, #tpu.memory_space<hbm>> -> memref<8x128xi32, #tpu.memory_space<hbm>>
        %dma_start3A_310 = arith.constant 0 : i32
        %dma_start3A_311 = tpu.memref_slice %arg4[%multiple_of3A, %dma_start3A_310] : memref<2560x128xi32, #tpu.memory_space<hbm>> -> memref<8x128xi32, #tpu.memory_space<hbm>>
        tpu.enqueue_dma source(%dma_start3A_311 : memref<8x128xi32, #tpu.memory_space<hbm>>) target(%arg10 : memref<8x128xi32, #tpu.memory_space<vmem>>) target_semaphore(%run_scoped3A_308 : memref<!tpu.dma_semaphore, #tpu.memory_space<semaphore_mem>>)
        %dma_wait3A = arith.constant 0 : i32
        %dma_wait3A_312 = tpu.memref_slice %arg4[%multiple_of3A, %dma_wait3A] : memref<2560x128xi32, #tpu.memory_space<hbm>> -> memref<8x128xi32, #tpu.memory_space<hbm>>
        %dma_wait3A_313 = arith.constant 0 : i32
        %dma_wait3A_314 = tpu.memref_slice %arg4[%multiple_of3A, %dma_wait3A_313] : memref<2560x128xi32, #tpu.memory_space<hbm>> -> memref<8x128xi32, #tpu.memory_space<hbm>>
        tpu.wait_dma2 semaphore(%run_scoped3A_308 : memref<!tpu.dma_semaphore, #tpu.memory_space<semaphore_mem>>) src(%dma_wait3A_314 : memref<8x128xi32, #tpu.memory_space<hbm>>) dst(%arg10 : memref<8x128xi32, #tpu.memory_space<vmem>>)
        tpu.yield
      }) : () -> ()
      %run_scoped3A = arith.constant 0 : i32
      "tpu.region"() ({
        %run_scoped3A_308 = tpu.sem_alloc : memref<!tpu.dma_semaphore, #tpu.memory_space<semaphore_mem>>
        %dma_start3A = arith.constant 0 : i32
        %dma_start3A_309 = tpu.memref_slice %arg9[%run_scoped3A, %dma_start3A] : memref<8x128xi32, #tpu.memory_space<vmem>> -> memref<1x128xi32, #tpu.memory_space<vmem>>
        %dma_start3A_310 = tpu.memref_squeeze %dma_start3A_309 : memref<1x128xi32, #tpu.memory_space<vmem>> -> memref<128xi32, #tpu.memory_space<vmem>>
        %dma_start3A_311 = arith.constant 0 : i32
        %dma_start3A_312 = arith.constant 0 : i32
        %dma_start3A_313 = tpu.memref_slice %arg2[%dma_start3A_311, %dma_start3A_312] : memref<10240x128xf32, #tpu.memory_space<hbm>> -> memref<10240x128xf32, #tpu.memory_space<hbm>>
        tpu.enqueue_indirect_dma source(%dma_start3A_313 : memref<10240x128xf32, #tpu.memory_space<hbm>>) target(%arg11 : memref<128x128xf32, #tpu.memory_space<vmem>>) offsets(%dma_start3A_310 : memref<128xi32, #tpu.memory_space<vmem>>) semaphore(%run_scoped3A_308 : memref<!tpu.dma_semaphore, #tpu.memory_space<semaphore_mem>>)
        %dma_wait3A = arith.constant 0 : i32
        %dma_wait3A_314 = tpu.memref_slice %arg9[%run_scoped3A, %dma_wait3A] : memref<8x128xi32, #tpu.memory_space<vmem>> -> memref<1x128xi32, #tpu.memory_space<vmem>>
        %dma_wait3A_315 = tpu.memref_squeeze %dma_wait3A_314 : memref<1x128xi32, #tpu.memory_space<vmem>> -> memref<128xi32, #tpu.memory_space<vmem>>
        %dma_wait3A_316 = arith.constant 0 : i32
        %dma_wait3A_317 = arith.constant 0 : i32
        %dma_wait3A_318 = tpu.memref_slice %arg2[%dma_wait3A_316, %dma_wait3A_317] : memref<10240x128xf32, #tpu.memory_space<hbm>> -> memref<10240x128xf32, #tpu.memory_space<hbm>>
        tpu.wait_indirect_dma semaphore(%run_scoped3A_308 : memref<!tpu.dma_semaphore, #tpu.memory_space<semaphore_mem>>) src(%dma_wait3A_318 : memref<10240x128xf32, #tpu.memory_space<hbm>>) dst(%arg11 : memref<128x128xf32, #tpu.memory_space<vmem>>)
        tpu.yield
      }) : () -> ()
      %run_scoped3A_38 = arith.constant 0 : i32
      "tpu.region"() ({
        %run_scoped3A_308 = tpu.sem_alloc : memref<!tpu.dma_semaphore, #tpu.memory_space<semaphore_mem>>
        %dma_start3A = arith.constant 0 : i32
        %dma_start3A_309 = tpu.memref_slice %arg10[%run_scoped3A_38, %dma_start3A] : memref<8x128xi32, #tpu.memory_space<vmem>> -> memref<1x128xi32, #tpu.memory_space<vmem>>
        %dma_start3A_310 = tpu.memref_squeeze %dma_start3A_309 : memref<1x128xi32, #tpu.memory_space<vmem>> -> memref<128xi32, #tpu.memory_space<vmem>>
        %dma_start3A_311 = arith.constant 0 : i32
        %dma_start3A_312 = arith.constant 0 : i32
        %dma_start3A_313 = tpu.memref_slice %arg14[%dma_start3A_311, %dma_start3A_312] : memref<10240x128xf32, #tpu.memory_space<vmem_shared>> -> memref<10240x128xf32, #tpu.memory_space<vmem_shared>>
        tpu.enqueue_indirect_dma source(%arg11 : memref<128x128xf32, #tpu.memory_space<vmem>>) target(%dma_start3A_313 : memref<10240x128xf32, #tpu.memory_space<vmem_shared>>) offsets(%dma_start3A_310 : memref<128xi32, #tpu.memory_space<vmem>>) semaphore(%run_scoped3A_308 : memref<!tpu.dma_semaphore, #tpu.memory_space<semaphore_mem>>) {add = true}
        %dma_wait3A = arith.constant 0 : i32
        %dma_wait3A_314 = tpu.memref_slice %arg10[%run_scoped3A_38, %dma_wait3A] : memref<8x128xi32, #tpu.memory_space<vmem>> -> memref<1x128xi32, #tpu.memory_space<vmem>>
        %dma_wait3A_315 = tpu.memref_squeeze %dma_wait3A_314 : memref<1x128xi32, #tpu.memory_space<vmem>> -> memref<128xi32, #tpu.memory_space<vmem>>
        %dma_wait3A_316 = arith.constant 0 : i32
        %dma_wait3A_317 = arith.constant 0 : i32
        %dma_wait3A_318 = tpu.memref_slice %arg14[%dma_wait3A_316, %dma_wait3A_317] : memref<10240x128xf32, #tpu.memory_space<vmem_shared>> -> memref<10240x128xf32, #tpu.memory_space<vmem_shared>>
        tpu.wait_indirect_dma semaphore(%run_scoped3A_308 : memref<!tpu.dma_semaphore, #tpu.memory_space<semaphore_mem>>) src(%arg11 : memref<128x128xf32, #tpu.memory_space<vmem>>) dst(%dma_wait3A_318 : memref<10240x128xf32, #tpu.memory_space<vmem_shared>>)
        tpu.yield
      }) : () -> ()
      %run_scoped3A_39 = arith.constant 1 : i32
      "tpu.region"() ({
        %run_scoped3A_308 = tpu.sem_alloc : memref<!tpu.dma_semaphore, #tpu.memory_space<semaphore_mem>>
        %dma_start3A = arith.constant 0 : i32
        %dma_start3A_309 = tpu.memref_slice %arg9[%run_scoped3A_39, %dma_start3A] : memref<8x128xi32, #tpu.memory_space<vmem>> -> memref<1x128xi32, #tpu.memory_space<vmem>>
        %dma_start3A_310 = tpu.memref_squeeze %dma_start3A_309 : memref<1x128xi32, #tpu.memory_space<vmem>> -> memref<128xi32, #tpu.memory_space<vmem>>
        %dma_start3A_311 = arith.constant 0 : i32
        %dma_start3A_312 = arith.constant 0 : i32
        %dma_start3A_313 = tpu.memref_slice %arg2[%dma_start3A_311, %dma_start3A_312] : memref<10240x128xf32, #tpu.memory_space<hbm>> -> memref<10240x128xf32, #tpu.memory_space<hbm>>
        tpu.enqueue_indirect_dma source(%dma_start3A_313 : memref<10240x128xf32, #tpu.memory_space<hbm>>) target(%arg12 : memref<128x128xf32, #tpu.memory_space<vmem>>) offsets(%dma_start3A_310 : memref<128xi32, #tpu.memory_space<vmem>>) semaphore(%run_scoped3A_308 : memref<!tpu.dma_semaphore, #tpu.memory_space<semaphore_mem>>)
        %dma_wait3A = arith.constant 0 : i32
        %dma_wait3A_314 = tpu.memref_slice %arg9[%run_scoped3A_39, %dma_wait3A] : memref<8x128xi32, #tpu.memory_space<vmem>> -> memref<1x128xi32, #tpu.memory_space<vmem>>
        %dma_wait3A_315 = tpu.memref_squeeze %dma_wait3A_314 : memref<1x128xi32, #tpu.memory_space<vmem>> -> memref<128xi32, #tpu.memory_space<vmem>>
        %dma_wait3A_316 = arith.constant 0 : i32
        %dma_wait3A_317 = arith.constant 0 : i32
        %dma_wait3A_318 = tpu.memref_slice %arg2[%dma_wait3A_316, %dma_wait3A_317] : memref<10240x128xf32, #tpu.memory_space<hbm>> -> memref<10240x128xf32, #tpu.memory_space<hbm>>
        tpu.wait_indirect_dma semaphore(%run_scoped3A_308 : memref<!tpu.dma_semaphore, #tpu.memory_space<semaphore_mem>>) src(%dma_wait3A_318 : memref<10240x128xf32, #tpu.memory_space<hbm>>) dst(%arg12 : memref<128x128xf32, #tpu.memory_space<vmem>>)
        tpu.yield
      }) : () -> ()
      %run_scoped3A_40 = arith.constant 1 : i32
      "tpu.region"() ({
        %run_scoped3A_308 = tpu.sem_alloc : memref<!tpu.dma_semaphore, #tpu.memory_space<semaphore_mem>>
        %dma_start3A = arith.constant 0 : i32
        %dma_start3A_309 = tpu.memref_slice %arg10[%run_scoped3A_40, %dma_start3A] : memref<8x128xi32, #tpu.memory_space<vmem>> -> memref<1x128xi32, #tpu.memory_space<vmem>>
        %dma_start3A_310 = tpu.memref_squeeze %dma_start3A_309 : memref<1x128xi32, #tpu.memory_space<vmem>> -> memref<128xi32, #tpu.memory_space<vmem>>
        %dma_start3A_311 = arith.constant 0 : i32
        %dma_start3A_312 = arith.constant 0 : i32
        %dma_start3A_313 = tpu.memref_slice %arg14[%dma_start3A_311, %dma_start3A_312] : memref<10240x128xf32, #tpu.memory_space<vmem_shared>> -> memref<10240x128xf32, #tpu.memory_space<vmem_shared>>
        tpu.enqueue_indirect_dma source(%arg12 : memref<128x128xf32, #tpu.memory_space<vmem>>) target(%dma_start3A_313 : memref<10240x128xf32, #tpu.memory_space<vmem_shared>>) offsets(%dma_start3A_310 : memref<128xi32, #tpu.memory_space<vmem>>) semaphore(%run_scoped3A_308 : memref<!tpu.dma_semaphore, #tpu.memory_space<semaphore_mem>>) {add = true}
        %dma_wait3A = arith.constant 0 : i32
        %dma_wait3A_314 = tpu.memref_slice %arg10[%run_scoped3A_40, %dma_wait3A] : memref<8x128xi32, #tpu.memory_space<vmem>> -> memref<1x128xi32, #tpu.memory_space<vmem>>
        %dma_wait3A_315 = tpu.memref_squeeze %dma_wait3A_314 : memref<1x128xi32, #tpu.memory_space<vmem>> -> memref<128xi32, #tpu.memory_space<vmem>>
        %dma_wait3A_316 = arith.constant 0 : i32
        %dma_wait3A_317 = arith.constant 0 : i32
        %dma_wait3A_318 = tpu.memref_slice %arg14[%dma_wait3A_316, %dma_wait3A_317] : memref<10240x128xf32, #tpu.memory_space<vmem_shared>> -> memref<10240x128xf32, #tpu.memory_space<vmem_shared>>
        tpu.wait_indirect_dma semaphore(%run_scoped3A_308 : memref<!tpu.dma_semaphore, #tpu.memory_space<semaphore_mem>>) src(%arg12 : memref<128x128xf32, #tpu.memory_space<vmem>>) dst(%dma_wait3A_318 : memref<10240x128xf32, #tpu.memory_space<vmem_shared>>)
        tpu.yield
      }) : () -> ()
      %run_scoped3A_41 = arith.constant 2 : i32
      "tpu.region"() ({
        %run_scoped3A_308 = tpu.sem_alloc : memref<!tpu.dma_semaphore, #tpu.memory_space<semaphore_mem>>
        %dma_start3A = arith.constant 0 : i32
        %dma_start3A_309 = tpu.memref_slice %arg9[%run_scoped3A_41, %dma_start3A] : memref<8x128xi32, #tpu.memory_space<vmem>> -> memref<1x128xi32, #tpu.memory_space<vmem>>
        %dma_start3A_310 = tpu.memref_squeeze %dma_start3A_309 : memref<1x128xi32, #tpu.memory_space<vmem>> -> memref<128xi32, #tpu.memory_space<vmem>>
        %dma_start3A_311 = arith.constant 0 : i32
        %dma_start3A_312 = arith.constant 0 : i32
        %dma_start3A_313 = tpu.memref_slice %arg2[%dma_start3A_311, %dma_start3A_312] : memref<10240x128xf32, #tpu.memory_space<hbm>> -> memref<10240x128xf32, #tpu.memory_space<hbm>>
        tpu.enqueue_indirect_dma source(%dma_start3A_313 : memref<10240x128xf32, #tpu.memory_space<hbm>>) target(%arg11 : memref<128x128xf32, #tpu.memory_space<vmem>>) offsets(%dma_start3A_310 : memref<128xi32, #tpu.memory_space<vmem>>) semaphore(%run_scoped3A_308 : memref<!tpu.dma_semaphore, #tpu.memory_space<semaphore_mem>>)
        %dma_wait3A = arith.constant 0 : i32
        %dma_wait3A_314 = tpu.memref_slice %arg9[%run_scoped3A_41, %dma_wait3A] : memref<8x128xi32, #tpu.memory_space<vmem>> -> memref<1x128xi32, #tpu.memory_space<vmem>>
        %dma_wait3A_315 = tpu.memref_squeeze %dma_wait3A_314 : memref<1x128xi32, #tpu.memory_space<vmem>> -> memref<128xi32, #tpu.memory_space<vmem>>
        %dma_wait3A_316 = arith.constant 0 : i32
        %dma_wait3A_317 = arith.constant 0 : i32
        %dma_wait3A_318 = tpu.memref_slice %arg2[%dma_wait3A_316, %dma_wait3A_317] : memref<10240x128xf32, #tpu.memory_space<hbm>> -> memref<10240x128xf32, #tpu.memory_space<hbm>>
        tpu.wait_indirect_dma semaphore(%run_scoped3A_308 : memref<!tpu.dma_semaphore, #tpu.memory_space<semaphore_mem>>) src(%dma_wait3A_318 : memref<10240x128xf32, #tpu.memory_space<hbm>>) dst(%arg11 : memref<128x128xf32, #tpu.memory_space<vmem>>)
        tpu.yield
      }) : () -> ()
      %run_scoped3A_42 = arith.constant 2 : i32
      "tpu.region"() ({
        %run_scoped3A_308 = tpu.sem_alloc : memref<!tpu.dma_semaphore, #tpu.memory_space<semaphore_mem>>
        %dma_start3A = arith.constant 0 : i32
        %dma_start3A_309 = tpu.memref_slice %arg10[%run_scoped3A_42, %dma_start3A] : memref<8x128xi32, #tpu.memory_space<vmem>> -> memref<1x128xi32, #tpu.memory_space<vmem>>
        %dma_start3A_310 = tpu.memref_squeeze %dma_start3A_309 : memref<1x128xi32, #tpu.memory_space<vmem>> -> memref<128xi32, #tpu.memory_space<vmem>>
        %dma_start3A_311 = arith.constant 0 : i32
        %dma_start3A_312 = arith.constant 0 : i32
        %dma_start3A_313 = tpu.memref_slice %arg14[%dma_start3A_311, %dma_start3A_312] : memref<10240x128xf32, #tpu.memory_space<vmem_shared>> -> memref<10240x128xf32, #tpu.memory_space<vmem_shared>>
        tpu.enqueue_indirect_dma source(%arg11 : memref<128x128xf32, #tpu.memory_space<vmem>>) target(%dma_start3A_313 : memref<10240x128xf32, #tpu.memory_space<vmem_shared>>) offsets(%dma_start3A_310 : memref<128xi32, #tpu.memory_space<vmem>>) semaphore(%run_scoped3A_308 : memref<!tpu.dma_semaphore, #tpu.memory_space<semaphore_mem>>) {add = true}
        %dma_wait3A = arith.constant 0 : i32
        %dma_wait3A_314 = tpu.memref_slice %arg10[%run_scoped3A_42, %dma_wait3A] : memref<8x128xi32, #tpu.memory_space<vmem>> -> memref<1x128xi32, #tpu.memory_space<vmem>>
        %dma_wait3A_315 = tpu.memref_squeeze %dma_wait3A_314 : memref<1x128xi32, #tpu.memory_space<vmem>> -> memref<128xi32, #tpu.memory_space<vmem>>
        %dma_wait3A_316 = arith.constant 0 : i32
        %dma_wait3A_317 = arith.constant 0 : i32
        %dma_wait3A_318 = tpu.memref_slice %arg14[%dma_wait3A_316, %dma_wait3A_317] : memref<10240x128xf32, #tpu.memory_space<vmem_shared>> -> memref<10240x128xf32, #tpu.memory_space<vmem_shared>>
        tpu.wait_indirect_dma semaphore(%run_scoped3A_308 : memref<!tpu.dma_semaphore, #tpu.memory_space<semaphore_mem>>) src(%arg11 : memref<128x128xf32, #tpu.memory_space<vmem>>) dst(%dma_wait3A_318 : memref<10240x128xf32, #tpu.memory_space<vmem_shared>>)
        tpu.yield
      }) : () -> ()
      %run_scoped3A_43 = arith.constant 3 : i32
      "tpu.region"() ({
        %run_scoped3A_308 = tpu.sem_alloc : memref<!tpu.dma_semaphore, #tpu.memory_space<semaphore_mem>>
        %dma_start3A = arith.constant 0 : i32
        %dma_start3A_309 = tpu.memref_slice %arg9[%run_scoped3A_43, %dma_start3A] : memref<8x128xi32, #tpu.memory_space<vmem>> -> memref<1x128xi32, #tpu.memory_space<vmem>>
        %dma_start3A_310 = tpu.memref_squeeze %dma_start3A_309 : memref<1x128xi32, #tpu.memory_space<vmem>> -> memref<128xi32, #tpu.memory_space<vmem>>
        %dma_start3A_311 = arith.constant 0 : i32
        %dma_start3A_312 = arith.constant 0 : i32
        %dma_start3A_313 = tpu.memref_slice %arg2[%dma_start3A_311, %dma_start3A_312] : memref<10240x128xf32, #tpu.memory_space<hbm>> -> memref<10240x128xf32, #tpu.memory_space<hbm>>
        tpu.enqueue_indirect_dma source(%dma_start3A_313 : memref<10240x128xf32, #tpu.memory_space<hbm>>) target(%arg12 : memref<128x128xf32, #tpu.memory_space<vmem>>) offsets(%dma_start3A_310 : memref<128xi32, #tpu.memory_space<vmem>>) semaphore(%run_scoped3A_308 : memref<!tpu.dma_semaphore, #tpu.memory_space<semaphore_mem>>)
        %dma_wait3A = arith.constant 0 : i32
        %dma_wait3A_314 = tpu.memref_slice %arg9[%run_scoped3A_43, %dma_wait3A] : memref<8x128xi32, #tpu.memory_space<vmem>> -> memref<1x128xi32, #tpu.memory_space<vmem>>
        %dma_wait3A_315 = tpu.memref_squeeze %dma_wait3A_314 : memref<1x128xi32, #tpu.memory_space<vmem>> -> memref<128xi32, #tpu.memory_space<vmem>>
        %dma_wait3A_316 = arith.constant 0 : i32
        %dma_wait3A_317 = arith.constant 0 : i32
        %dma_wait3A_318 = tpu.memref_slice %arg2[%dma_wait3A_316, %dma_wait3A_317] : memref<10240x128xf32, #tpu.memory_space<hbm>> -> memref<10240x128xf32, #tpu.memory_space<hbm>>
        tpu.wait_indirect_dma semaphore(%run_scoped3A_308 : memref<!tpu.dma_semaphore, #tpu.memory_space<semaphore_mem>>) src(%dma_wait3A_318 : memref<10240x128xf32, #tpu.memory_space<hbm>>) dst(%arg12 : memref<128x128xf32, #tpu.memory_space<vmem>>)
        tpu.yield
      }) : () -> ()
      %run_scoped3A_44 = arith.constant 3 : i32
      "tpu.region"() ({
        %run_scoped3A_308 = tpu.sem_alloc : memref<!tpu.dma_semaphore, #tpu.memory_space<semaphore_mem>>
        %dma_start3A = arith.constant 0 : i32
        %dma_start3A_309 = tpu.memref_slice %arg10[%run_scoped3A_44, %dma_start3A] : memref<8x128xi32, #tpu.memory_space<vmem>> -> memref<1x128xi32, #tpu.memory_space<vmem>>
        %dma_start3A_310 = tpu.memref_squeeze %dma_start3A_309 : memref<1x128xi32, #tpu.memory_space<vmem>> -> memref<128xi32, #tpu.memory_space<vmem>>
        %dma_start3A_311 = arith.constant 0 : i32
        %dma_start3A_312 = arith.constant 0 : i32
        %dma_start3A_313 = tpu.memref_slice %arg14[%dma_start3A_311, %dma_start3A_312] : memref<10240x128xf32, #tpu.memory_space<vmem_shared>> -> memref<10240x128xf32, #tpu.memory_space<vmem_shared>>
        tpu.enqueue_indirect_dma source(%arg12 : memref<128x128xf32, #tpu.memory_space<vmem>>) target(%dma_start3A_313 : memref<10240x128xf32, #tpu.memory_space<vmem_shared>>) offsets(%dma_start3A_310 : memref<128xi32, #tpu.memory_space<vmem>>) semaphore(%run_scoped3A_308 : memref<!tpu.dma_semaphore, #tpu.memory_space<semaphore_mem>>) {add = true}
        %dma_wait3A = arith.constant 0 : i32
        %dma_wait3A_314 = tpu.memref_slice %arg10[%run_scoped3A_44, %dma_wait3A] : memref<8x128xi32, #tpu.memory_space<vmem>> -> memref<1x128xi32, #tpu.memory_space<vmem>>
        %dma_wait3A_315 = tpu.memref_squeeze %dma_wait3A_314 : memref<1x128xi32, #tpu.memory_space<vmem>> -> memref<128xi32, #tpu.memory_space<vmem>>
        %dma_wait3A_316 = arith.constant 0 : i32
        %dma_wait3A_317 = arith.constant 0 : i32
        %dma_wait3A_318 = tpu.memref_slice %arg14[%dma_wait3A_316, %dma_wait3A_317] : memref<10240x128xf32, #tpu.memory_space<vmem_shared>> -> memref<10240x128xf32, #tpu.memory_space<vmem_shared>>
        tpu.wait_indirect_dma semaphore(%run_scoped3A_308 : memref<!tpu.dma_semaphore, #tpu.memory_space<semaphore_mem>>) src(%arg12 : memref<128x128xf32, #tpu.memory_space<vmem>>) dst(%dma_wait3A_318 : memref<10240x128xf32, #tpu.memory_space<vmem_shared>>)
        tpu.yield
      }) : () -> ()
      %run_scoped3A_45 = arith.constant 4 : i32
      "tpu.region"() ({
        %run_scoped3A_308 = tpu.sem_alloc : memref<!tpu.dma_semaphore, #tpu.memory_space<semaphore_mem>>
        %dma_start3A = arith.constant 0 : i32
        %dma_start3A_309 = tpu.memref_slice %arg9[%run_scoped3A_45, %dma_start3A] : memref<8x128xi32, #tpu.memory_space<vmem>> -> memref<1x128xi32, #tpu.memory_space<vmem>>
        %dma_start3A_310 = tpu.memref_squeeze %dma_start3A_309 : memref<1x128xi32, #tpu.memory_space<vmem>> -> memref<128xi32, #tpu.memory_space<vmem>>
        %dma_start3A_311 = arith.constant 0 : i32
        %dma_start3A_312 = arith.constant 0 : i32
        %dma_start3A_313 = tpu.memref_slice %arg2[%dma_start3A_311, %dma_start3A_312] : memref<10240x128xf32, #tpu.memory_space<hbm>> -> memref<10240x128xf32, #tpu.memory_space<hbm>>
        tpu.enqueue_indirect_dma source(%dma_start3A_313 : memref<10240x128xf32, #tpu.memory_space<hbm>>) target(%arg11 : memref<128x128xf32, #tpu.memory_space<vmem>>) offsets(%dma_start3A_310 : memref<128xi32, #tpu.memory_space<vmem>>) semaphore(%run_scoped3A_308 : memref<!tpu.dma_semaphore, #tpu.memory_space<semaphore_mem>>)
        %dma_wait3A = arith.constant 0 : i32
        %dma_wait3A_314 = tpu.memref_slice %arg9[%run_scoped3A_45, %dma_wait3A] : memref<8x128xi32, #tpu.memory_space<vmem>> -> memref<1x128xi32, #tpu.memory_space<vmem>>
        %dma_wait3A_315 = tpu.memref_squeeze %dma_wait3A_314 : memref<1x128xi32, #tpu.memory_space<vmem>> -> memref<128xi32, #tpu.memory_space<vmem>>
        %dma_wait3A_316 = arith.constant 0 : i32
        %dma_wait3A_317 = arith.constant 0 : i32
        %dma_wait3A_318 = tpu.memref_slice %arg2[%dma_wait3A_316, %dma_wait3A_317] : memref<10240x128xf32, #tpu.memory_space<hbm>> -> memref<10240x128xf32, #tpu.memory_space<hbm>>
        tpu.wait_indirect_dma semaphore(%run_scoped3A_308 : memref<!tpu.dma_semaphore, #tpu.memory_space<semaphore_mem>>) src(%dma_wait3A_318 : memref<10240x128xf32, #tpu.memory_space<hbm>>) dst(%arg11 : memref<128x128xf32, #tpu.memory_space<vmem>>)
        tpu.yield
      }) : () -> ()
      %run_scoped3A_46 = arith.constant 4 : i32
      "tpu.region"() ({
        %run_scoped3A_308 = tpu.sem_alloc : memref<!tpu.dma_semaphore, #tpu.memory_space<semaphore_mem>>
        %dma_start3A = arith.constant 0 : i32
        %dma_start3A_309 = tpu.memref_slice %arg10[%run_scoped3A_46, %dma_start3A] : memref<8x128xi32, #tpu.memory_space<vmem>> -> memref<1x128xi32, #tpu.memory_space<vmem>>
        %dma_start3A_310 = tpu.memref_squeeze %dma_start3A_309 : memref<1x128xi32, #tpu.memory_space<vmem>> -> memref<128xi32, #tpu.memory_space<vmem>>
        %dma_start3A_311 = arith.constant 0 : i32
        %dma_start3A_312 = arith.constant 0 : i32
        %dma_start3A_313 = tpu.memref_slice %arg14[%dma_start3A_311, %dma_start3A_312] : memref<10240x128xf32, #tpu.memory_space<vmem_shared>> -> memref<10240x128xf32, #tpu.memory_space<vmem_shared>>
        tpu.enqueue_indirect_dma source(%arg11 : memref<128x128xf32, #tpu.memory_space<vmem>>) target(%dma_start3A_313 : memref<10240x128xf32, #tpu.memory_space<vmem_shared>>) offsets(%dma_start3A_310 : memref<128xi32, #tpu.memory_space<vmem>>) semaphore(%run_scoped3A_308 : memref<!tpu.dma_semaphore, #tpu.memory_space<semaphore_mem>>) {add = true}
        %dma_wait3A = arith.constant 0 : i32
        %dma_wait3A_314 = tpu.memref_slice %arg10[%run_scoped3A_46, %dma_wait3A] : memref<8x128xi32, #tpu.memory_space<vmem>> -> memref<1x128xi32, #tpu.memory_space<vmem>>
        %dma_wait3A_315 = tpu.memref_squeeze %dma_wait3A_314 : memref<1x128xi32, #tpu.memory_space<vmem>> -> memref<128xi32, #tpu.memory_space<vmem>>
        %dma_wait3A_316 = arith.constant 0 : i32
        %dma_wait3A_317 = arith.constant 0 : i32
        %dma_wait3A_318 = tpu.memref_slice %arg14[%dma_wait3A_316, %dma_wait3A_317] : memref<10240x128xf32, #tpu.memory_space<vmem_shared>> -> memref<10240x128xf32, #tpu.memory_space<vmem_shared>>
        tpu.wait_indirect_dma semaphore(%run_scoped3A_308 : memref<!tpu.dma_semaphore, #tpu.memory_space<semaphore_mem>>) src(%arg11 : memref<128x128xf32, #tpu.memory_space<vmem>>) dst(%dma_wait3A_318 : memref<10240x128xf32, #tpu.memory_space<vmem_shared>>)
        tpu.yield
      }) : () -> ()
      %run_scoped3A_47 = arith.constant 5 : i32
      "tpu.region"() ({
        %run_scoped3A_308 = tpu.sem_alloc : memref<!tpu.dma_semaphore, #tpu.memory_space<semaphore_mem>>
        %dma_start3A = arith.constant 0 : i32
        %dma_start3A_309 = tpu.memref_slice %arg9[%run_scoped3A_47, %dma_start3A] : memref<8x128xi32, #tpu.memory_space<vmem>> -> memref<1x128xi32, #tpu.memory_space<vmem>>
        %dma_start3A_310 = tpu.memref_squeeze %dma_start3A_309 : memref<1x128xi32, #tpu.memory_space<vmem>> -> memref<128xi32, #tpu.memory_space<vmem>>
        %dma_start3A_311 = arith.constant 0 : i32
        %dma_start3A_312 = arith.constant 0 : i32
        %dma_start3A_313 = tpu.memref_slice %arg2[%dma_start3A_311, %dma_start3A_312] : memref<10240x128xf32, #tpu.memory_space<hbm>> -> memref<10240x128xf32, #tpu.memory_space<hbm>>
        tpu.enqueue_indirect_dma source(%dma_start3A_313 : memref<10240x128xf32, #tpu.memory_space<hbm>>) target(%arg12 : memref<128x128xf32, #tpu.memory_space<vmem>>) offsets(%dma_start3A_310 : memref<128xi32, #tpu.memory_space<vmem>>) semaphore(%run_scoped3A_308 : memref<!tpu.dma_semaphore, #tpu.memory_space<semaphore_mem>>)
        %dma_wait3A = arith.constant 0 : i32
        %dma_wait3A_314 = tpu.memref_slice %arg9[%run_scoped3A_47, %dma_wait3A] : memref<8x128xi32, #tpu.memory_space<vmem>> -> memref<1x128xi32, #tpu.memory_space<vmem>>
        %dma_wait3A_315 = tpu.memref_squeeze %dma_wait3A_314 : memref<1x128xi32, #tpu.memory_space<vmem>> -> memref<128xi32, #tpu.memory_space<vmem>>
        %dma_wait3A_316 = arith.constant 0 : i32
        %dma_wait3A_317 = arith.constant 0 : i32
        %dma_wait3A_318 = tpu.memref_slice %arg2[%dma_wait3A_316, %dma_wait3A_317] : memref<10240x128xf32, #tpu.memory_space<hbm>> -> memref<10240x128xf32, #tpu.memory_space<hbm>>
        tpu.wait_indirect_dma semaphore(%run_scoped3A_308 : memref<!tpu.dma_semaphore, #tpu.memory_space<semaphore_mem>>) src(%dma_wait3A_318 : memref<10240x128xf32, #tpu.memory_space<hbm>>) dst(%arg12 : memref<128x128xf32, #tpu.memory_space<vmem>>)
        tpu.yield
      }) : () -> ()
      %run_scoped3A_48 = arith.constant 5 : i32
      "tpu.region"() ({
        %run_scoped3A_308 = tpu.sem_alloc : memref<!tpu.dma_semaphore, #tpu.memory_space<semaphore_mem>>
        %dma_start3A = arith.constant 0 : i32
        %dma_start3A_309 = tpu.memref_slice %arg10[%run_scoped3A_48, %dma_start3A] : memref<8x128xi32, #tpu.memory_space<vmem>> -> memref<1x128xi32, #tpu.memory_space<vmem>>
        %dma_start3A_310 = tpu.memref_squeeze %dma_start3A_309 : memref<1x128xi32, #tpu.memory_space<vmem>> -> memref<128xi32, #tpu.memory_space<vmem>>
        %dma_start3A_311 = arith.constant 0 : i32
        %dma_start3A_312 = arith.constant 0 : i32
        %dma_start3A_313 = tpu.memref_slice %arg14[%dma_start3A_311, %dma_start3A_312] : memref<10240x128xf32, #tpu.memory_space<vmem_shared>> -> memref<10240x128xf32, #tpu.memory_space<vmem_shared>>
        tpu.enqueue_indirect_dma source(%arg12 : memref<128x128xf32, #tpu.memory_space<vmem>>) target(%dma_start3A_313 : memref<10240x128xf32, #tpu.memory_space<vmem_shared>>) offsets(%dma_start3A_310 : memref<128xi32, #tpu.memory_space<vmem>>) semaphore(%run_scoped3A_308 : memref<!tpu.dma_semaphore, #tpu.memory_space<semaphore_mem>>) {add = true}
        %dma_wait3A = arith.constant 0 : i32
        %dma_wait3A_314 = tpu.memref_slice %arg10[%run_scoped3A_48, %dma_wait3A] : memref<8x128xi32, #tpu.memory_space<vmem>> -> memref<1x128xi32, #tpu.memory_space<vmem>>
        %dma_wait3A_315 = tpu.memref_squeeze %dma_wait3A_314 : memref<1x128xi32, #tpu.memory_space<vmem>> -> memref<128xi32, #tpu.memory_space<vmem>>
        %dma_wait3A_316 = arith.constant 0 : i32
        %dma_wait3A_317 = arith.constant 0 : i32
        %dma_wait3A_318 = tpu.memref_slice %arg14[%dma_wait3A_316, %dma_wait3A_317] : memref<10240x128xf32, #tpu.memory_space<vmem_shared>> -> memref<10240x128xf32, #tpu.memory_space<vmem_shared>>
        tpu.wait_indirect_dma semaphore(%run_scoped3A_308 : memref<!tpu.dma_semaphore, #tpu.memory_space<semaphore_mem>>) src(%arg12 : memref<128x128xf32, #tpu.memory_space<vmem>>) dst(%dma_wait3A_318 : memref<10240x128xf32, #tpu.memory_space<vmem_shared>>)
        tpu.yield
      }) : () -> ()
      %run_scoped3A_49 = arith.constant 6 : i32
      "tpu.region"() ({
        %run_scoped3A_308 = tpu.sem_alloc : memref<!tpu.dma_semaphore, #tpu.memory_space<semaphore_mem>>
        %dma_start3A = arith.constant 0 : i32
        %dma_start3A_309 = tpu.memref_slice %arg9[%run_scoped3A_49, %dma_start3A] : memref<8x128xi32, #tpu.memory_space<vmem>> -> memref<1x128xi32, #tpu.memory_space<vmem>>
        %dma_start3A_310 = tpu.memref_squeeze %dma_start3A_309 : memref<1x128xi32, #tpu.memory_space<vmem>> -> memref<128xi32, #tpu.memory_space<vmem>>
        %dma_start3A_311 = arith.constant 0 : i32
        %dma_start3A_312 = arith.constant 0 : i32
        %dma_start3A_313 = tpu.memref_slice %arg2[%dma_start3A_311, %dma_start3A_312] : memref<10240x128xf32, #tpu.memory_space<hbm>> -> memref<10240x128xf32, #tpu.memory_space<hbm>>
        tpu.enqueue_indirect_dma source(%dma_start3A_313 : memref<10240x128xf32, #tpu.memory_space<hbm>>) target(%arg11 : memref<128x128xf32, #tpu.memory_space<vmem>>) offsets(%dma_start3A_310 : memref<128xi32, #tpu.memory_space<vmem>>) semaphore(%run_scoped3A_308 : memref<!tpu.dma_semaphore, #tpu.memory_space<semaphore_mem>>)
        %dma_wait3A = arith.constant 0 : i32
        %dma_wait3A_314 = tpu.memref_slice %arg9[%run_scoped3A_49, %dma_wait3A] : memref<8x128xi32, #tpu.memory_space<vmem>> -> memref<1x128xi32, #tpu.memory_space<vmem>>
        %dma_wait3A_315 = tpu.memref_squeeze %dma_wait3A_314 : memref<1x128xi32, #tpu.memory_space<vmem>> -> memref<128xi32, #tpu.memory_space<vmem>>
        %dma_wait3A_316 = arith.constant 0 : i32
        %dma_wait3A_317 = arith.constant 0 : i32
        %dma_wait3A_318 = tpu.memref_slice %arg2[%dma_wait3A_316, %dma_wait3A_317] : memref<10240x128xf32, #tpu.memory_space<hbm>> -> memref<10240x128xf32, #tpu.memory_space<hbm>>
        tpu.wait_indirect_dma semaphore(%run_scoped3A_308 : memref<!tpu.dma_semaphore, #tpu.memory_space<semaphore_mem>>) src(%dma_wait3A_318 : memref<10240x128xf32, #tpu.memory_space<hbm>>) dst(%arg11 : memref<128x128xf32, #tpu.memory_space<vmem>>)
        tpu.yield
      }) : () -> ()
      %run_scoped3A_50 = arith.constant 6 : i32
      "tpu.region"() ({
        %run_scoped3A_308 = tpu.sem_alloc : memref<!tpu.dma_semaphore, #tpu.memory_space<semaphore_mem>>
        %dma_start3A = arith.constant 0 : i32
        %dma_start3A_309 = tpu.memref_slice %arg10[%run_scoped3A_50, %dma_start3A] : memref<8x128xi32, #tpu.memory_space<vmem>> -> memref<1x128xi32, #tpu.memory_space<vmem>>
        %dma_start3A_310 = tpu.memref_squeeze %dma_start3A_309 : memref<1x128xi32, #tpu.memory_space<vmem>> -> memref<128xi32, #tpu.memory_space<vmem>>
        %dma_start3A_311 = arith.constant 0 : i32
        %dma_start3A_312 = arith.constant 0 : i32
        %dma_start3A_313 = tpu.memref_slice %arg14[%dma_start3A_311, %dma_start3A_312] : memref<10240x128xf32, #tpu.memory_space<vmem_shared>> -> memref<10240x128xf32, #tpu.memory_space<vmem_shared>>
        tpu.enqueue_indirect_dma source(%arg11 : memref<128x128xf32, #tpu.memory_space<vmem>>) target(%dma_start3A_313 : memref<10240x128xf32, #tpu.memory_space<vmem_shared>>) offsets(%dma_start3A_310 : memref<128xi32, #tpu.memory_space<vmem>>) semaphore(%run_scoped3A_308 : memref<!tpu.dma_semaphore, #tpu.memory_space<semaphore_mem>>) {add = true}
        %dma_wait3A = arith.constant 0 : i32
        %dma_wait3A_314 = tpu.memref_slice %arg10[%run_scoped3A_50, %dma_wait3A] : memref<8x128xi32, #tpu.memory_space<vmem>> -> memref<1x128xi32, #tpu.memory_space<vmem>>
        %dma_wait3A_315 = tpu.memref_squeeze %dma_wait3A_314 : memref<1x128xi32, #tpu.memory_space<vmem>> -> memref<128xi32, #tpu.memory_space<vmem>>
        %dma_wait3A_316 = arith.constant 0 : i32
        %dma_wait3A_317 = arith.constant 0 : i32
        %dma_wait3A_318 = tpu.memref_slice %arg14[%dma_wait3A_316, %dma_wait3A_317] : memref<10240x128xf32, #tpu.memory_space<vmem_shared>> -> memref<10240x128xf32, #tpu.memory_space<vmem_shared>>
        tpu.wait_indirect_dma semaphore(%run_scoped3A_308 : memref<!tpu.dma_semaphore, #tpu.memory_space<semaphore_mem>>) src(%arg11 : memref<128x128xf32, #tpu.memory_space<vmem>>) dst(%dma_wait3A_318 : memref<10240x128xf32, #tpu.memory_space<vmem_shared>>)
        tpu.yield
      }) : () -> ()
      %run_scoped3A_51 = arith.constant 7 : i32
      "tpu.region"() ({
        %run_scoped3A_308 = tpu.sem_alloc : memref<!tpu.dma_semaphore, #tpu.memory_space<semaphore_mem>>
        %dma_start3A = arith.constant 0 : i32
        %dma_start3A_309 = tpu.memref_slice %arg9[%run_scoped3A_51, %dma_start3A] : memref<8x128xi32, #tpu.memory_space<vmem>> -> memref<1x128xi32, #tpu.memory_space<vmem>>
        %dma_start3A_310 = tpu.memref_squeeze %dma_start3A_309 : memref<1x128xi32, #tpu.memory_space<vmem>> -> memref<128xi32, #tpu.memory_space<vmem>>
        %dma_start3A_311 = arith.constant 0 : i32
        %dma_start3A_312 = arith.constant 0 : i32
        %dma_start3A_313 = tpu.memref_slice %arg2[%dma_start3A_311, %dma_start3A_312] : memref<10240x128xf32, #tpu.memory_space<hbm>> -> memref<10240x128xf32, #tpu.memory_space<hbm>>
        tpu.enqueue_indirect_dma source(%dma_start3A_313 : memref<10240x128xf32, #tpu.memory_space<hbm>>) target(%arg12 : memref<128x128xf32, #tpu.memory_space<vmem>>) offsets(%dma_start3A_310 : memref<128xi32, #tpu.memory_space<vmem>>) semaphore(%run_scoped3A_308 : memref<!tpu.dma_semaphore, #tpu.memory_space<semaphore_mem>>)
        %dma_wait3A = arith.constant 0 : i32
        %dma_wait3A_314 = tpu.memref_slice %arg9[%run_scoped3A_51, %dma_wait3A] : memref<8x128xi32, #tpu.memory_space<vmem>> -> memref<1x128xi32, #tpu.memory_space<vmem>>
        %dma_wait3A_315 = tpu.memref_squeeze %dma_wait3A_314 : memref<1x128xi32, #tpu.memory_space<vmem>> -> memref<128xi32, #tpu.memory_space<vmem>>
        %dma_wait3A_316 = arith.constant 0 : i32
        %dma_wait3A_317 = arith.constant 0 : i32
        %dma_wait3A_318 = tpu.memref_slice %arg2[%dma_wait3A_316, %dma_wait3A_317] : memref<10240x128xf32, #tpu.memory_space<hbm>> -> memref<10240x128xf32, #tpu.memory_space<hbm>>
        tpu.wait_indirect_dma semaphore(%run_scoped3A_308 : memref<!tpu.dma_semaphore, #tpu.memory_space<semaphore_mem>>) src(%dma_wait3A_318 : memref<10240x128xf32, #tpu.memory_space<hbm>>) dst(%arg12 : memref<128x128xf32, #tpu.memory_space<vmem>>)
        tpu.yield
      }) : () -> ()
      %run_scoped3A_52 = arith.constant 7 : i32
      "tpu.region"() ({
        %run_scoped3A_308 = tpu.sem_alloc : memref<!tpu.dma_semaphore, #tpu.memory_space<semaphore_mem>>
        %dma_start3A = arith.constant 0 : i32
        %dma_start3A_309 = tpu.memref_slice %arg10[%run_scoped3A_52, %dma_start3A] : memref<8x128xi32, #tpu.memory_space<vmem>> -> memref<1x128xi32, #tpu.memory_space<vmem>>
        %dma_start3A_310 = tpu.memref_squeeze %dma_start3A_309 : memref<1x128xi32, #tpu.memory_space<vmem>> -> memref<128xi32, #tpu.memory_space<vmem>>
        %dma_start3A_311 = arith.constant 0 : i32
        %dma_start3A_312 = arith.constant 0 : i32
        %dma_start3A_313 = tpu.memref_slice %arg14[%dma_start3A_311, %dma_start3A_312] : memref<10240x128xf32, #tpu.memory_space<vmem_shared>> -> memref<10240x128xf32, #tpu.memory_space<vmem_shared>>
        tpu.enqueue_indirect_dma source(%arg12 : memref<128x128xf32, #tpu.memory_space<vmem>>) target(%dma_start3A_313 : memref<10240x128xf32, #tpu.memory_space<vmem_shared>>) offsets(%dma_start3A_310 : memref<128xi32, #tpu.memory_space<vmem>>) semaphore(%run_scoped3A_308 : memref<!tpu.dma_semaphore, #tpu.memory_space<semaphore_mem>>) {add = true}
        %dma_wait3A = arith.constant 0 : i32
        %dma_wait3A_314 = tpu.memref_slice %arg10[%run_scoped3A_52, %dma_wait3A] : memref<8x128xi32, #tpu.memory_space<vmem>> -> memref<1x128xi32, #tpu.memory_space<vmem>>
        %dma_wait3A_315 = tpu.memref_squeeze %dma_wait3A_314 : memref<1x128xi32, #tpu.memory_space<vmem>> -> memref<128xi32, #tpu.memory_space<vmem>>
        %dma_wait3A_316 = arith.constant 0 : i32
        %dma_wait3A_317 = arith.constant 0 : i32
        %dma_wait3A_318 = tpu.memref_slice %arg14[%dma_wait3A_316, %dma_wait3A_317] : memref<10240x128xf32, #tpu.memory_space<vmem_shared>> -> memref<10240x128xf32, #tpu.memory_space<vmem_shared>>
        tpu.wait_indirect_dma semaphore(%run_scoped3A_308 : memref<!tpu.dma_semaphore, #tpu.memory_space<semaphore_mem>>) src(%arg12 : memref<128x128xf32, #tpu.memory_space<vmem>>) dst(%dma_wait3A_318 : memref<10240x128xf32, #tpu.memory_space<vmem_shared>>)
        tpu.yield
      }) : () -> ()
      %get3A = arith.constant 0 : i32
      %get3A_53 = arith.index_cast %get3A : i32 to index
      %get3A_54 = arith.constant 0 : index
      %get3A_55 = tpu.vector_load %arg10[%get3A_53, %get3A_54] {strides = array<i32>} : memref<8x128xi32, #tpu.memory_space<vmem>>, vector<16xi32>,
      tpu.vector_store_idx %arg13[%get3A_55], %broadcast_in_dim3A_3 {add = true} : memref<10240xf32, #tpu.memory_space<vmem>>[vector<16xi32>], vector<16xf32>,
      %get3A_56 = arith.constant 0 : i32
      %get3A_57 = arith.index_cast %get3A_56 : i32 to index
      %get3A_58 = arith.constant 16 : index
      %get3A_59 = tpu.vector_load %arg10[%get3A_57, %get3A_58] {strides = array<i32>} : memref<8x128xi32, #tpu.memory_space<vmem>>, vector<16xi32>,
      tpu.vector_store_idx %arg13[%get3A_59], %broadcast_in_dim3A_3 {add = true} : memref<10240xf32, #tpu.memory_space<vmem>>[vector<16xi32>], vector<16xf32>,
      %get3A_60 = arith.constant 0 : i32
      %get3A_61 = arith.index_cast %get3A_60 : i32 to index
      %get3A_62 = arith.constant 32 : index
      %get3A_63 = tpu.vector_load %arg10[%get3A_61, %get3A_62] {strides = array<i32>} : memref<8x128xi32, #tpu.memory_space<vmem>>, vector<16xi32>,
      tpu.vector_store_idx %arg13[%get3A_63], %broadcast_in_dim3A_3 {add = true} : memref<10240xf32, #tpu.memory_space<vmem>>[vector<16xi32>], vector<16xf32>,
      %get3A_64 = arith.constant 0 : i32
      %get3A_65 = arith.index_cast %get3A_64 : i32 to index
      %get3A_66 = arith.constant 48 : index
      %get3A_67 = tpu.vector_load %arg10[%get3A_65, %get3A_66] {strides = array<i32>} : memref<8x128xi32, #tpu.memory_space<vmem>>, vector<16xi32>,
      tpu.vector_store_idx %arg13[%get3A_67], %broadcast_in_dim3A_3 {add = true} : memref<10240xf32, #tpu.memory_space<vmem>>[vector<16xi32>], vector<16xf32>,
      %get3A_68 = arith.constant 0 : i32
      %get3A_69 = arith.index_cast %get3A_68 : i32 to index
      %get3A_70 = arith.constant 64 : index
      %get3A_71 = tpu.vector_load %arg10[%get3A_69, %get3A_70] {strides = array<i32>} : memref<8x128xi32, #tpu.memory_space<vmem>>, vector<16xi32>,
      tpu.vector_store_idx %arg13[%get3A_71], %broadcast_in_dim3A_3 {add = true} : memref<10240xf32, #tpu.memory_space<vmem>>[vector<16xi32>], vector<16xf32>,
      %get3A_72 = arith.constant 0 : i32
      %get3A_73 = arith.index_cast %get3A_72 : i32 to index
      %get3A_74 = arith.constant 80 : index
      %get3A_75 = tpu.vector_load %arg10[%get3A_73, %get3A_74] {strides = array<i32>} : memref<8x128xi32, #tpu.memory_space<vmem>>, vector<16xi32>,
      tpu.vector_store_idx %arg13[%get3A_75], %broadcast_in_dim3A_3 {add = true} : memref<10240xf32, #tpu.memory_space<vmem>>[vector<16xi32>], vector<16xf32>,
      %get3A_76 = arith.constant 0 : i32
      %get3A_77 = arith.index_cast %get3A_76 : i32 to index
      %get3A_78 = arith.constant 96 : index
      %get3A_79 = tpu.vector_load %arg10[%get3A_77, %get3A_78] {strides = array<i32>} : memref<8x128xi32, #tpu.memory_space<vmem>>, vector<16xi32>,
      tpu.vector_store_idx %arg13[%get3A_79], %broadcast_in_dim3A_3 {add = true} : memref<10240xf32, #tpu.memory_space<vmem>>[vector<16xi32>], vector<16xf32>,
      %get3A_80 = arith.constant 0 : i32
      %get3A_81 = arith.index_cast %get3A_80 : i32 to index
      %get3A_82 = arith.constant 112 : index
      %get3A_83 = tpu.vector_load %arg10[%get3A_81, %get3A_82] {strides = array<i32>} : memref<8x128xi32, #tpu.memory_space<vmem>>, vector<16xi32>,
      tpu.vector_store_idx %arg13[%get3A_83], %broadcast_in_dim3A_3 {add = true} : memref<10240xf32, #tpu.memory_space<vmem>>[vector<16xi32>], vector<16xf32>,
      %get3A_84 = arith.constant 1 : i32
      %get3A_85 = arith.index_cast %get3A_84 : i32 to index
      %get3A_86 = arith.constant 0 : index
      %get3A_87 = tpu.vector_load %arg10[%get3A_85, %get3A_86] {strides = array<i32>} : memref<8x128xi32, #tpu.memory_space<vmem>>, vector<16xi32>,
      tpu.vector_store_idx %arg13[%get3A_87], %broadcast_in_dim3A_3 {add = true} : memref<10240xf32, #tpu.memory_space<vmem>>[vector<16xi32>], vector<16xf32>,
      %get3A_88 = arith.constant 1 : i32
      %get3A_89 = arith.index_cast %get3A_88 : i32 to index
      %get3A_90 = arith.constant 16 : index
      %get3A_91 = tpu.vector_load %arg10[%get3A_89, %get3A_90] {strides = array<i32>} : memref<8x128xi32, #tpu.memory_space<vmem>>, vector<16xi32>,
      tpu.vector_store_idx %arg13[%get3A_91], %broadcast_in_dim3A_3 {add = true} : memref<10240xf32, #tpu.memory_space<vmem>>[vector<16xi32>], vector<16xf32>,
      %get3A_92 = arith.constant 1 : i32
      %get3A_93 = arith.index_cast %get3A_92 : i32 to index
      %get3A_94 = arith.constant 32 : index
      %get3A_95 = tpu.vector_load %arg10[%get3A_93, %get3A_94] {strides = array<i32>} : memref<8x128xi32, #tpu.memory_space<vmem>>, vector<16xi32>,
      tpu.vector_store_idx %arg13[%get3A_95], %broadcast_in_dim3A_3 {add = true} : memref<10240xf32, #tpu.memory_space<vmem>>[vector<16xi32>], vector<16xf32>,
      %get3A_96 = arith.constant 1 : i32
      %get3A_97 = arith.index_cast %get3A_96 : i32 to index
      %get3A_98 = arith.constant 48 : index
      %get3A_99 = tpu.vector_load %arg10[%get3A_97, %get3A_98] {strides = array<i32>} : memref<8x128xi32, #tpu.memory_space<vmem>>, vector<16xi32>,
      tpu.vector_store_idx %arg13[%get3A_99], %broadcast_in_dim3A_3 {add = true} : memref<10240xf32, #tpu.memory_space<vmem>>[vector<16xi32>], vector<16xf32>,
      %get3A_100 = arith.constant 1 : i32
      %get3A_101 = arith.index_cast %get3A_100 : i32 to index
      %get3A_102 = arith.constant 64 : index
      %get3A_103 = tpu.vector_load %arg10[%get3A_101, %get3A_102] {strides = array<i32>} : memref<8x128xi32, #tpu.memory_space<vmem>>, vector<16xi32>,
      tpu.vector_store_idx %arg13[%get3A_103], %broadcast_in_dim3A_3 {add = true} : memref<10240xf32, #tpu.memory_space<vmem>>[vector<16xi32>], vector<16xf32>,
      %get3A_104 = arith.constant 1 : i32
      %get3A_105 = arith.index_cast %get3A_104 : i32 to index
      %get3A_106 = arith.constant 80 : index
      %get3A_107 = tpu.vector_load %arg10[%get3A_105, %get3A_106] {strides = array<i32>} : memref<8x128xi32, #tpu.memory_space<vmem>>, vector<16xi32>,
      tpu.vector_store_idx %arg13[%get3A_107], %broadcast_in_dim3A_3 {add = true} : memref<10240xf32, #tpu.memory_space<vmem>>[vector<16xi32>], vector<16xf32>,
      %get3A_108 = arith.constant 1 : i32
      %get3A_109 = arith.index_cast %get3A_108 : i32 to index
      %get3A_110 = arith.constant 96 : index
      %get3A_111 = tpu.vector_load %arg10[%get3A_109, %get3A_110] {strides = array<i32>} : memref<8x128xi32, #tpu.memory_space<vmem>>, vector<16xi32>,
      tpu.vector_store_idx %arg13[%get3A_111], %broadcast_in_dim3A_3 {add = true} : memref<10240xf32, #tpu.memory_space<vmem>>[vector<16xi32>], vector<16xf32>,
      %get3A_112 = arith.constant 1 : i32
      %get3A_113 = arith.index_cast %get3A_112 : i32 to index
      %get3A_114 = arith.constant 112 : index
      %get3A_115 = tpu.vector_load %arg10[%get3A_113, %get3A_114] {strides = array<i32>} : memref<8x128xi32, #tpu.memory_space<vmem>>, vector<16xi32>,
      tpu.vector_store_idx %arg13[%get3A_115], %broadcast_in_dim3A_3 {add = true} : memref<10240xf32, #tpu.memory_space<vmem>>[vector<16xi32>], vector<16xf32>,
      %get3A_116 = arith.constant 2 : i32
      %get3A_117 = arith.index_cast %get3A_116 : i32 to index
      %get3A_118 = arith.constant 0 : index
      %get3A_119 = tpu.vector_load %arg10[%get3A_117, %get3A_118] {strides = array<i32>} : memref<8x128xi32, #tpu.memory_space<vmem>>, vector<16xi32>,
      tpu.vector_store_idx %arg13[%get3A_119], %broadcast_in_dim3A_3 {add = true} : memref<10240xf32, #tpu.memory_space<vmem>>[vector<16xi32>], vector<16xf32>,
      %get3A_120 = arith.constant 2 : i32
      %get3A_121 = arith.index_cast %get3A_120 : i32 to index
      %get3A_122 = arith.constant 16 : index
      %get3A_123 = tpu.vector_load %arg10[%get3A_121, %get3A_122] {strides = array<i32>} : memref<8x128xi32, #tpu.memory_space<vmem>>, vector<16xi32>,
      tpu.vector_store_idx %arg13[%get3A_123], %broadcast_in_dim3A_3 {add = true} : memref<10240xf32, #tpu.memory_space<vmem>>[vector<16xi32>], vector<16xf32>,
      %get3A_124 = arith.constant 2 : i32
      %get3A_125 = arith.index_cast %get3A_124 : i32 to index
      %get3A_126 = arith.constant 32 : index
      %get3A_127 = tpu.vector_load %arg10[%get3A_125, %get3A_126] {strides = array<i32>} : memref<8x128xi32, #tpu.memory_space<vmem>>, vector<16xi32>,
      tpu.vector_store_idx %arg13[%get3A_127], %broadcast_in_dim3A_3 {add = true} : memref<10240xf32, #tpu.memory_space<vmem>>[vector<16xi32>], vector<16xf32>,
      %get3A_128 = arith.constant 2 : i32
      %get3A_129 = arith.index_cast %get3A_128 : i32 to index
      %get3A_130 = arith.constant 48 : index
      %get3A_131 = tpu.vector_load %arg10[%get3A_129, %get3A_130] {strides = array<i32>} : memref<8x128xi32, #tpu.memory_space<vmem>>, vector<16xi32>,
      tpu.vector_store_idx %arg13[%get3A_131], %broadcast_in_dim3A_3 {add = true} : memref<10240xf32, #tpu.memory_space<vmem>>[vector<16xi32>], vector<16xf32>,
      %get3A_132 = arith.constant 2 : i32
      %get3A_133 = arith.index_cast %get3A_132 : i32 to index
      %get3A_134 = arith.constant 64 : index
      %get3A_135 = tpu.vector_load %arg10[%get3A_133, %get3A_134] {strides = array<i32>} : memref<8x128xi32, #tpu.memory_space<vmem>>, vector<16xi32>,
      tpu.vector_store_idx %arg13[%get3A_135], %broadcast_in_dim3A_3 {add = true} : memref<10240xf32, #tpu.memory_space<vmem>>[vector<16xi32>], vector<16xf32>,
      %get3A_136 = arith.constant 2 : i32
      %get3A_137 = arith.index_cast %get3A_136 : i32 to index
      %get3A_138 = arith.constant 80 : index
      %get3A_139 = tpu.vector_load %arg10[%get3A_137, %get3A_138] {strides = array<i32>} : memref<8x128xi32, #tpu.memory_space<vmem>>, vector<16xi32>,
      tpu.vector_store_idx %arg13[%get3A_139], %broadcast_in_dim3A_3 {add = true} : memref<10240xf32, #tpu.memory_space<vmem>>[vector<16xi32>], vector<16xf32>,
      %get3A_140 = arith.constant 2 : i32
      %get3A_141 = arith.index_cast %get3A_140 : i32 to index
      %get3A_142 = arith.constant 96 : index
      %get3A_143 = tpu.vector_load %arg10[%get3A_141, %get3A_142] {strides = array<i32>} : memref<8x128xi32, #tpu.memory_space<vmem>>, vector<16xi32>,
      tpu.vector_store_idx %arg13[%get3A_143], %broadcast_in_dim3A_3 {add = true} : memref<10240xf32, #tpu.memory_space<vmem>>[vector<16xi32>], vector<16xf32>,
      %get3A_144 = arith.constant 2 : i32
      %get3A_145 = arith.index_cast %get3A_144 : i32 to index
      %get3A_146 = arith.constant 112 : index
      %get3A_147 = tpu.vector_load %arg10[%get3A_145, %get3A_146] {strides = array<i32>} : memref<8x128xi32, #tpu.memory_space<vmem>>, vector<16xi32>,
      tpu.vector_store_idx %arg13[%get3A_147], %broadcast_in_dim3A_3 {add = true} : memref<10240xf32, #tpu.memory_space<vmem>>[vector<16xi32>], vector<16xf32>,
      %get3A_148 = arith.constant 3 : i32
      %get3A_149 = arith.index_cast %get3A_148 : i32 to index
      %get3A_150 = arith.constant 0 : index
      %get3A_151 = tpu.vector_load %arg10[%get3A_149, %get3A_150] {strides = array<i32>} : memref<8x128xi32, #tpu.memory_space<vmem>>, vector<16xi32>,
      tpu.vector_store_idx %arg13[%get3A_151], %broadcast_in_dim3A_3 {add = true} : memref<10240xf32, #tpu.memory_space<vmem>>[vector<16xi32>], vector<16xf32>,
      %get3A_152 = arith.constant 3 : i32
      %get3A_153 = arith.index_cast %get3A_152 : i32 to index
      %get3A_154 = arith.constant 16 : index
      %get3A_155 = tpu.vector_load %arg10[%get3A_153, %get3A_154] {strides = array<i32>} : memref<8x128xi32, #tpu.memory_space<vmem>>, vector<16xi32>,
      tpu.vector_store_idx %arg13[%get3A_155], %broadcast_in_dim3A_3 {add = true} : memref<10240xf32, #tpu.memory_space<vmem>>[vector<16xi32>], vector<16xf32>,
      %get3A_156 = arith.constant 3 : i32
      %get3A_157 = arith.index_cast %get3A_156 : i32 to index
      %get3A_158 = arith.constant 32 : index
      %get3A_159 = tpu.vector_load %arg10[%get3A_157, %get3A_158] {strides = array<i32>} : memref<8x128xi32, #tpu.memory_space<vmem>>, vector<16xi32>,
      tpu.vector_store_idx %arg13[%get3A_159], %broadcast_in_dim3A_3 {add = true} : memref<10240xf32, #tpu.memory_space<vmem>>[vector<16xi32>], vector<16xf32>,
      %get3A_160 = arith.constant 3 : i32
      %get3A_161 = arith.index_cast %get3A_160 : i32 to index
      %get3A_162 = arith.constant 48 : index
      %get3A_163 = tpu.vector_load %arg10[%get3A_161, %get3A_162] {strides = array<i32>} : memref<8x128xi32, #tpu.memory_space<vmem>>, vector<16xi32>,
      tpu.vector_store_idx %arg13[%get3A_163], %broadcast_in_dim3A_3 {add = true} : memref<10240xf32, #tpu.memory_space<vmem>>[vector<16xi32>], vector<16xf32>,
      %get3A_164 = arith.constant 3 : i32
      %get3A_165 = arith.index_cast %get3A_164 : i32 to index
      %get3A_166 = arith.constant 64 : index
      %get3A_167 = tpu.vector_load %arg10[%get3A_165, %get3A_166] {strides = array<i32>} : memref<8x128xi32, #tpu.memory_space<vmem>>, vector<16xi32>,
      tpu.vector_store_idx %arg13[%get3A_167], %broadcast_in_dim3A_3 {add = true} : memref<10240xf32, #tpu.memory_space<vmem>>[vector<16xi32>], vector<16xf32>,
      %get3A_168 = arith.constant 3 : i32
      %get3A_169 = arith.index_cast %get3A_168 : i32 to index
      %get3A_170 = arith.constant 80 : index
      %get3A_171 = tpu.vector_load %arg10[%get3A_169, %get3A_170] {strides = array<i32>} : memref<8x128xi32, #tpu.memory_space<vmem>>, vector<16xi32>,
      tpu.vector_store_idx %arg13[%get3A_171], %broadcast_in_dim3A_3 {add = true} : memref<10240xf32, #tpu.memory_space<vmem>>[vector<16xi32>], vector<16xf32>,
      %get3A_172 = arith.constant 3 : i32
      %get3A_173 = arith.index_cast %get3A_172 : i32 to index
      %get3A_174 = arith.constant 96 : index
      %get3A_175 = tpu.vector_load %arg10[%get3A_173, %get3A_174] {strides = array<i32>} : memref<8x128xi32, #tpu.memory_space<vmem>>, vector<16xi32>,
      tpu.vector_store_idx %arg13[%get3A_175], %broadcast_in_dim3A_3 {add = true} : memref<10240xf32, #tpu.memory_space<vmem>>[vector<16xi32>], vector<16xf32>,
      %get3A_176 = arith.constant 3 : i32
      %get3A_177 = arith.index_cast %get3A_176 : i32 to index
      %get3A_178 = arith.constant 112 : index
      %get3A_179 = tpu.vector_load %arg10[%get3A_177, %get3A_178] {strides = array<i32>} : memref<8x128xi32, #tpu.memory_space<vmem>>, vector<16xi32>,
      tpu.vector_store_idx %arg13[%get3A_179], %broadcast_in_dim3A_3 {add = true} : memref<10240xf32, #tpu.memory_space<vmem>>[vector<16xi32>], vector<16xf32>,
      %get3A_180 = arith.constant 4 : i32
      %get3A_181 = arith.index_cast %get3A_180 : i32 to index
      %get3A_182 = arith.constant 0 : index
      %get3A_183 = tpu.vector_load %arg10[%get3A_181, %get3A_182] {strides = array<i32>} : memref<8x128xi32, #tpu.memory_space<vmem>>, vector<16xi32>,
      tpu.vector_store_idx %arg13[%get3A_183], %broadcast_in_dim3A_3 {add = true} : memref<10240xf32, #tpu.memory_space<vmem>>[vector<16xi32>], vector<16xf32>,
      %get3A_184 = arith.constant 4 : i32
      %get3A_185 = arith.index_cast %get3A_184 : i32 to index
      %get3A_186 = arith.constant 16 : index
      %get3A_187 = tpu.vector_load %arg10[%get3A_185, %get3A_186] {strides = array<i32>} : memref<8x128xi32, #tpu.memory_space<vmem>>, vector<16xi32>,
      tpu.vector_store_idx %arg13[%get3A_187], %broadcast_in_dim3A_3 {add = true} : memref<10240xf32, #tpu.memory_space<vmem>>[vector<16xi32>], vector<16xf32>,
      %get3A_188 = arith.constant 4 : i32
      %get3A_189 = arith.index_cast %get3A_188 : i32 to index
      %get3A_190 = arith.constant 32 : index
      %get3A_191 = tpu.vector_load %arg10[%get3A_189, %get3A_190] {strides = array<i32>} : memref<8x128xi32, #tpu.memory_space<vmem>>, vector<16xi32>,
      tpu.vector_store_idx %arg13[%get3A_191], %broadcast_in_dim3A_3 {add = true} : memref<10240xf32, #tpu.memory_space<vmem>>[vector<16xi32>], vector<16xf32>,
      %get3A_192 = arith.constant 4 : i32
      %get3A_193 = arith.index_cast %get3A_192 : i32 to index
      %get3A_194 = arith.constant 48 : index
      %get3A_195 = tpu.vector_load %arg10[%get3A_193, %get3A_194] {strides = array<i32>} : memref<8x128xi32, #tpu.memory_space<vmem>>, vector<16xi32>,
      tpu.vector_store_idx %arg13[%get3A_195], %broadcast_in_dim3A_3 {add = true} : memref<10240xf32, #tpu.memory_space<vmem>>[vector<16xi32>], vector<16xf32>,
      %get3A_196 = arith.constant 4 : i32
      %get3A_197 = arith.index_cast %get3A_196 : i32 to index
      %get3A_198 = arith.constant 64 : index
      %get3A_199 = tpu.vector_load %arg10[%get3A_197, %get3A_198] {strides = array<i32>} : memref<8x128xi32, #tpu.memory_space<vmem>>, vector<16xi32>,
      tpu.vector_store_idx %arg13[%get3A_199], %broadcast_in_dim3A_3 {add = true} : memref<10240xf32, #tpu.memory_space<vmem>>[vector<16xi32>], vector<16xf32>,
      %get3A_200 = arith.constant 4 : i32
      %get3A_201 = arith.index_cast %get3A_200 : i32 to index
      %get3A_202 = arith.constant 80 : index
      %get3A_203 = tpu.vector_load %arg10[%get3A_201, %get3A_202] {strides = array<i32>} : memref<8x128xi32, #tpu.memory_space<vmem>>, vector<16xi32>,
      tpu.vector_store_idx %arg13[%get3A_203], %broadcast_in_dim3A_3 {add = true} : memref<10240xf32, #tpu.memory_space<vmem>>[vector<16xi32>], vector<16xf32>,
      %get3A_204 = arith.constant 4 : i32
      %get3A_205 = arith.index_cast %get3A_204 : i32 to index
      %get3A_206 = arith.constant 96 : index
      %get3A_207 = tpu.vector_load %arg10[%get3A_205, %get3A_206] {strides = array<i32>} : memref<8x128xi32, #tpu.memory_space<vmem>>, vector<16xi32>,
      tpu.vector_store_idx %arg13[%get3A_207], %broadcast_in_dim3A_3 {add = true} : memref<10240xf32, #tpu.memory_space<vmem>>[vector<16xi32>], vector<16xf32>,
      %get3A_208 = arith.constant 4 : i32
      %get3A_209 = arith.index_cast %get3A_208 : i32 to index
      %get3A_210 = arith.constant 112 : index
      %get3A_211 = tpu.vector_load %arg10[%get3A_209, %get3A_210] {strides = array<i32>} : memref<8x128xi32, #tpu.memory_space<vmem>>, vector<16xi32>,
      tpu.vector_store_idx %arg13[%get3A_211], %broadcast_in_dim3A_3 {add = true} : memref<10240xf32, #tpu.memory_space<vmem>>[vector<16xi32>], vector<16xf32>,
      %get3A_212 = arith.constant 5 : i32
      %get3A_213 = arith.index_cast %get3A_212 : i32 to index
      %get3A_214 = arith.constant 0 : index
      %get3A_215 = tpu.vector_load %arg10[%get3A_213, %get3A_214] {strides = array<i32>} : memref<8x128xi32, #tpu.memory_space<vmem>>, vector<16xi32>,
      tpu.vector_store_idx %arg13[%get3A_215], %broadcast_in_dim3A_3 {add = true} : memref<10240xf32, #tpu.memory_space<vmem>>[vector<16xi32>], vector<16xf32>,
      %get3A_216 = arith.constant 5 : i32
      %get3A_217 = arith.index_cast %get3A_216 : i32 to index
      %get3A_218 = arith.constant 16 : index
      %get3A_219 = tpu.vector_load %arg10[%get3A_217, %get3A_218] {strides = array<i32>} : memref<8x128xi32, #tpu.memory_space<vmem>>, vector<16xi32>,
      tpu.vector_store_idx %arg13[%get3A_219], %broadcast_in_dim3A_3 {add = true} : memref<10240xf32, #tpu.memory_space<vmem>>[vector<16xi32>], vector<16xf32>,
      %get3A_220 = arith.constant 5 : i32
      %get3A_221 = arith.index_cast %get3A_220 : i32 to index
      %get3A_222 = arith.constant 32 : index
      %get3A_223 = tpu.vector_load %arg10[%get3A_221, %get3A_222] {strides = array<i32>} : memref<8x128xi32, #tpu.memory_space<vmem>>, vector<16xi32>,
      tpu.vector_store_idx %arg13[%get3A_223], %broadcast_in_dim3A_3 {add = true} : memref<10240xf32, #tpu.memory_space<vmem>>[vector<16xi32>], vector<16xf32>,
      %get3A_224 = arith.constant 5 : i32
      %get3A_225 = arith.index_cast %get3A_224 : i32 to index
      %get3A_226 = arith.constant 48 : index
      %get3A_227 = tpu.vector_load %arg10[%get3A_225, %get3A_226] {strides = array<i32>} : memref<8x128xi32, #tpu.memory_space<vmem>>, vector<16xi32>,
      tpu.vector_store_idx %arg13[%get3A_227], %broadcast_in_dim3A_3 {add = true} : memref<10240xf32, #tpu.memory_space<vmem>>[vector<16xi32>], vector<16xf32>,
      %get3A_228 = arith.constant 5 : i32
      %get3A_229 = arith.index_cast %get3A_228 : i32 to index
      %get3A_230 = arith.constant 64 : index
      %get3A_231 = tpu.vector_load %arg10[%get3A_229, %get3A_230] {strides = array<i32>} : memref<8x128xi32, #tpu.memory_space<vmem>>, vector<16xi32>,
      tpu.vector_store_idx %arg13[%get3A_231], %broadcast_in_dim3A_3 {add = true} : memref<10240xf32, #tpu.memory_space<vmem>>[vector<16xi32>], vector<16xf32>,
      %get3A_232 = arith.constant 5 : i32
      %get3A_233 = arith.index_cast %get3A_232 : i32 to index
      %get3A_234 = arith.constant 80 : index
      %get3A_235 = tpu.vector_load %arg10[%get3A_233, %get3A_234] {strides = array<i32>} : memref<8x128xi32, #tpu.memory_space<vmem>>, vector<16xi32>,
      tpu.vector_store_idx %arg13[%get3A_235], %broadcast_in_dim3A_3 {add = true} : memref<10240xf32, #tpu.memory_space<vmem>>[vector<16xi32>], vector<16xf32>,
      %get3A_236 = arith.constant 5 : i32
      %get3A_237 = arith.index_cast %get3A_236 : i32 to index
      %get3A_238 = arith.constant 96 : index
      %get3A_239 = tpu.vector_load %arg10[%get3A_237, %get3A_238] {strides = array<i32>} : memref<8x128xi32, #tpu.memory_space<vmem>>, vector<16xi32>,
      tpu.vector_store_idx %arg13[%get3A_239], %broadcast_in_dim3A_3 {add = true} : memref<10240xf32, #tpu.memory_space<vmem>>[vector<16xi32>], vector<16xf32>,
      %get3A_240 = arith.constant 5 : i32
      %get3A_241 = arith.index_cast %get3A_240 : i32 to index
      %get3A_242 = arith.constant 112 : index
      %get3A_243 = tpu.vector_load %arg10[%get3A_241, %get3A_242] {strides = array<i32>} : memref<8x128xi32, #tpu.memory_space<vmem>>, vector<16xi32>,
      tpu.vector_store_idx %arg13[%get3A_243], %broadcast_in_dim3A_3 {add = true} : memref<10240xf32, #tpu.memory_space<vmem>>[vector<16xi32>], vector<16xf32>,
      %get3A_244 = arith.constant 6 : i32
      %get3A_245 = arith.index_cast %get3A_244 : i32 to index
      %get3A_246 = arith.constant 0 : index
      %get3A_247 = tpu.vector_load %arg10[%get3A_245, %get3A_246] {strides = array<i32>} : memref<8x128xi32, #tpu.memory_space<vmem>>, vector<16xi32>,
      tpu.vector_store_idx %arg13[%get3A_247], %broadcast_in_dim3A_3 {add = true} : memref<10240xf32, #tpu.memory_space<vmem>>[vector<16xi32>], vector<16xf32>,
      %get3A_248 = arith.constant 6 : i32
      %get3A_249 = arith.index_cast %get3A_248 : i32 to index
      %get3A_250 = arith.constant 16 : index
      %get3A_251 = tpu.vector_load %arg10[%get3A_249, %get3A_250] {strides = array<i32>} : memref<8x128xi32, #tpu.memory_space<vmem>>, vector<16xi32>,
      tpu.vector_store_idx %arg13[%get3A_251], %broadcast_in_dim3A_3 {add = true} : memref<10240xf32, #tpu.memory_space<vmem>>[vector<16xi32>], vector<16xf32>,
      %get3A_252 = arith.constant 6 : i32
      %get3A_253 = arith.index_cast %get3A_252 : i32 to index
      %get3A_254 = arith.constant 32 : index
      %get3A_255 = tpu.vector_load %arg10[%get3A_253, %get3A_254] {strides = array<i32>} : memref<8x128xi32, #tpu.memory_space<vmem>>, vector<16xi32>,
      tpu.vector_store_idx %arg13[%get3A_255], %broadcast_in_dim3A_3 {add = true} : memref<10240xf32, #tpu.memory_space<vmem>>[vector<16xi32>], vector<16xf32>,
      %get3A_256 = arith.constant 6 : i32
      %get3A_257 = arith.index_cast %get3A_256 : i32 to index
      %get3A_258 = arith.constant 48 : index
      %get3A_259 = tpu.vector_load %arg10[%get3A_257, %get3A_258] {strides = array<i32>} : memref<8x128xi32, #tpu.memory_space<vmem>>, vector<16xi32>,
      tpu.vector_store_idx %arg13[%get3A_259], %broadcast_in_dim3A_3 {add = true} : memref<10240xf32, #tpu.memory_space<vmem>>[vector<16xi32>], vector<16xf32>,
      %get3A_260 = arith.constant 6 : i32
      %get3A_261 = arith.index_cast %get3A_260 : i32 to index
      %get3A_262 = arith.constant 64 : index
      %get3A_263 = tpu.vector_load %arg10[%get3A_261, %get3A_262] {strides = array<i32>} : memref<8x128xi32, #tpu.memory_space<vmem>>, vector<16xi32>,
      tpu.vector_store_idx %arg13[%get3A_263], %broadcast_in_dim3A_3 {add = true} : memref<10240xf32, #tpu.memory_space<vmem>>[vector<16xi32>], vector<16xf32>,
      %get3A_264 = arith.constant 6 : i32
      %get3A_265 = arith.index_cast %get3A_264 : i32 to index
      %get3A_266 = arith.constant 80 : index
      %get3A_267 = tpu.vector_load %arg10[%get3A_265, %get3A_266] {strides = array<i32>} : memref<8x128xi32, #tpu.memory_space<vmem>>, vector<16xi32>,
      tpu.vector_store_idx %arg13[%get3A_267], %broadcast_in_dim3A_3 {add = true} : memref<10240xf32, #tpu.memory_space<vmem>>[vector<16xi32>], vector<16xf32>,
      %get3A_268 = arith.constant 6 : i32
      %get3A_269 = arith.index_cast %get3A_268 : i32 to index
      %get3A_270 = arith.constant 96 : index
      %get3A_271 = tpu.vector_load %arg10[%get3A_269, %get3A_270] {strides = array<i32>} : memref<8x128xi32, #tpu.memory_space<vmem>>, vector<16xi32>,
      tpu.vector_store_idx %arg13[%get3A_271], %broadcast_in_dim3A_3 {add = true} : memref<10240xf32, #tpu.memory_space<vmem>>[vector<16xi32>], vector<16xf32>,
      %get3A_272 = arith.constant 6 : i32
      %get3A_273 = arith.index_cast %get3A_272 : i32 to index
      %get3A_274 = arith.constant 112 : index
      %get3A_275 = tpu.vector_load %arg10[%get3A_273, %get3A_274] {strides = array<i32>} : memref<8x128xi32, #tpu.memory_space<vmem>>, vector<16xi32>,
      tpu.vector_store_idx %arg13[%get3A_275], %broadcast_in_dim3A_3 {add = true} : memref<10240xf32, #tpu.memory_space<vmem>>[vector<16xi32>], vector<16xf32>,
      %get3A_276 = arith.constant 7 : i32
      %get3A_277 = arith.index_cast %get3A_276 : i32 to index
      %get3A_278 = arith.constant 0 : index
      %get3A_279 = tpu.vector_load %arg10[%get3A_277, %get3A_278] {strides = array<i32>} : memref<8x128xi32, #tpu.memory_space<vmem>>, vector<16xi32>,
      tpu.vector_store_idx %arg13[%get3A_279], %broadcast_in_dim3A_3 {add = true} : memref<10240xf32, #tpu.memory_space<vmem>>[vector<16xi32>], vector<16xf32>,
      %get3A_280 = arith.constant 7 : i32
      %get3A_281 = arith.index_cast %get3A_280 : i32 to index
      %get3A_282 = arith.constant 16 : index
      %get3A_283 = tpu.vector_load %arg10[%get3A_281, %get3A_282] {strides = array<i32>} : memref<8x128xi32, #tpu.memory_space<vmem>>, vector<16xi32>,
      tpu.vector_store_idx %arg13[%get3A_283], %broadcast_in_dim3A_3 {add = true} : memref<10240xf32, #tpu.memory_space<vmem>>[vector<16xi32>], vector<16xf32>,
      %get3A_284 = arith.constant 7 : i32
      %get3A_285 = arith.index_cast %get3A_284 : i32 to index
      %get3A_286 = arith.constant 32 : index
      %get3A_287 = tpu.vector_load %arg10[%get3A_285, %get3A_286] {strides = array<i32>} : memref<8x128xi32, #tpu.memory_space<vmem>>, vector<16xi32>,
      tpu.vector_store_idx %arg13[%get3A_287], %broadcast_in_dim3A_3 {add = true} : memref<10240xf32, #tpu.memory_space<vmem>>[vector<16xi32>], vector<16xf32>,
      %get3A_288 = arith.constant 7 : i32
      %get3A_289 = arith.index_cast %get3A_288 : i32 to index
      %get3A_290 = arith.constant 48 : index
      %get3A_291 = tpu.vector_load %arg10[%get3A_289, %get3A_290] {strides = array<i32>} : memref<8x128xi32, #tpu.memory_space<vmem>>, vector<16xi32>,
      tpu.vector_store_idx %arg13[%get3A_291], %broadcast_in_dim3A_3 {add = true} : memref<10240xf32, #tpu.memory_space<vmem>>[vector<16xi32>], vector<16xf32>,
      %get3A_292 = arith.constant 7 : i32
      %get3A_293 = arith.index_cast %get3A_292 : i32 to index
      %get3A_294 = arith.constant 64 : index
      %get3A_295 = tpu.vector_load %arg10[%get3A_293, %get3A_294] {strides = array<i32>} : memref<8x128xi32, #tpu.memory_space<vmem>>, vector<16xi32>,
      tpu.vector_store_idx %arg13[%get3A_295], %broadcast_in_dim3A_3 {add = true} : memref<10240xf32, #tpu.memory_space<vmem>>[vector<16xi32>], vector<16xf32>,
      %get3A_296 = arith.constant 7 : i32
      %get3A_297 = arith.index_cast %get3A_296 : i32 to index
      %get3A_298 = arith.constant 80 : index
      %get3A_299 = tpu.vector_load %arg10[%get3A_297, %get3A_298] {strides = array<i32>} : memref<8x128xi32, #tpu.memory_space<vmem>>, vector<16xi32>,
      tpu.vector_store_idx %arg13[%get3A_299], %broadcast_in_dim3A_3 {add = true} : memref<10240xf32, #tpu.memory_space<vmem>>[vector<16xi32>], vector<16xf32>,
      %get3A_300 = arith.constant 7 : i32
      %get3A_301 = arith.index_cast %get3A_300 : i32 to index
      %get3A_302 = arith.constant 96 : index
      %get3A_303 = tpu.vector_load %arg10[%get3A_301, %get3A_302] {strides = array<i32>} : memref<8x128xi32, #tpu.memory_space<vmem>>, vector<16xi32>,
      tpu.vector_store_idx %arg13[%get3A_303], %broadcast_in_dim3A_3 {add = true} : memref<10240xf32, #tpu.memory_space<vmem>>[vector<16xi32>], vector<16xf32>,
      %get3A_304 = arith.constant 7 : i32
      %get3A_305 = arith.index_cast %get3A_304 : i32 to index
      %get3A_306 = arith.constant 112 : index
      %get3A_307 = tpu.vector_load %arg10[%get3A_305, %get3A_306] {strides = array<i32>} : memref<8x128xi32, #tpu.memory_space<vmem>>, vector<16xi32>,
      tpu.vector_store_idx %arg13[%get3A_307], %broadcast_in_dim3A_3 {add = true} : memref<10240xf32, #tpu.memory_space<vmem>>[vector<16xi32>], vector<16xf32>,
    }
    %while3A_30 = arith.constant 1 : i32
    scf.for %while3A_32 = %while3A_28 to %while3A_24 step %while3A_30  : i32 {
      %mul3A_33 = arith.muli %while3A_32, %while3A : i32
      %add3A_34 = arith.addi %while3A_21, %mul3A_33 : i32
      %mul3A_35 = arith.constant 8 : i32
      %mul3A_36 = arith.muli %add3A_34, %mul3A_35 : i32
      %add3A_37 = arith.addi %select_n3A_14, %mul3A_36 : i32
      %multiple_of3A = tpu.assume_multiple %add3A_37, 8 : i32
      "tpu.region"() ({
        %run_scoped3A_308 = tpu.sem_alloc : memref<!tpu.dma_semaphore, #tpu.memory_space<semaphore_mem>>
        %dma_start3A = arith.constant 0 : i32
        %dma_start3A_309 = tpu.memref_slice %arg3[%multiple_of3A, %dma_start3A] : memref<2560x128xi32, #tpu.memory_space<hbm>> -> memref<8x128xi32, #tpu.memory_space<hbm>>
        %dma_start3A_310 = arith.constant 0 : i32
        %dma_start3A_311 = tpu.memref_slice %arg3[%multiple_of3A, %dma_start3A_310] : memref<2560x128xi32, #tpu.memory_space<hbm>> -> memref<8x128xi32, #tpu.memory_space<hbm>>
        tpu.enqueue_dma source(%dma_start3A_311 : memref<8x128xi32, #tpu.memory_space<hbm>>) target(%arg9 : memref<8x128xi32, #tpu.memory_space<vmem>>) target_semaphore(%run_scoped3A_308 : memref<!tpu.dma_semaphore, #tpu.memory_space<semaphore_mem>>)
        %dma_wait3A = arith.constant 0 : i32
        %dma_wait3A_312 = tpu.memref_slice %arg3[%multiple_of3A, %dma_wait3A] : memref<2560x128xi32, #tpu.memory_space<hbm>> -> memref<8x128xi32, #tpu.memory_space<hbm>>
        %dma_wait3A_313 = arith.constant 0 : i32
        %dma_wait3A_314 = tpu.memref_slice %arg3[%multiple_of3A, %dma_wait3A_313] : memref<2560x128xi32, #tpu.memory_space<hbm>> -> memref<8x128xi32, #tpu.memory_space<hbm>>
        tpu.wait_dma2 semaphore(%run_scoped3A_308 : memref<!tpu.dma_semaphore, #tpu.memory_space<semaphore_mem>>) src(%dma_wait3A_314 : memref<8x128xi32, #tpu.memory_space<hbm>>) dst(%arg9 : memref<8x128xi32, #tpu.memory_space<vmem>>)
        tpu.yield
      }) : () -> ()
      "tpu.region"() ({
        %run_scoped3A_308 = tpu.sem_alloc : memref<!tpu.dma_semaphore, #tpu.memory_space<semaphore_mem>>
        %dma_start3A = arith.constant 0 : i32
        %dma_start3A_309 = tpu.memref_slice %arg4[%multiple_of3A, %dma_start3A] : memref<2560x128xi32, #tpu.memory_space<hbm>> -> memref<8x128xi32, #tpu.memory_space<hbm>>
        %dma_start3A_310 = arith.constant 0 : i32
        %dma_start3A_311 = tpu.memref_slice %arg4[%multiple_of3A, %dma_start3A_310] : memref<2560x128xi32, #tpu.memory_space<hbm>> -> memref<8x128xi32, #tpu.memory_space<hbm>>
        tpu.enqueue_dma source(%dma_start3A_311 : memref<8x128xi32, #tpu.memory_space<hbm>>) target(%arg10 : memref<8x128xi32, #tpu.memory_space<vmem>>) target_semaphore(%run_scoped3A_308 : memref<!tpu.dma_semaphore, #tpu.memory_space<semaphore_mem>>)
        %dma_wait3A = arith.constant 0 : i32
        %dma_wait3A_312 = tpu.memref_slice %arg4[%multiple_of3A, %dma_wait3A] : memref<2560x128xi32, #tpu.memory_space<hbm>> -> memref<8x128xi32, #tpu.memory_space<hbm>>
        %dma_wait3A_313 = arith.constant 0 : i32
        %dma_wait3A_314 = tpu.memref_slice %arg4[%multiple_of3A, %dma_wait3A_313] : memref<2560x128xi32, #tpu.memory_space<hbm>> -> memref<8x128xi32, #tpu.memory_space<hbm>>
        tpu.wait_dma2 semaphore(%run_scoped3A_308 : memref<!tpu.dma_semaphore, #tpu.memory_space<semaphore_mem>>) src(%dma_wait3A_314 : memref<8x128xi32, #tpu.memory_space<hbm>>) dst(%arg10 : memref<8x128xi32, #tpu.memory_space<vmem>>)
        tpu.yield
      }) : () -> ()
      %run_scoped3A = arith.constant 0 : i32
      "tpu.region"() ({
        %run_scoped3A_308 = tpu.sem_alloc : memref<!tpu.dma_semaphore, #tpu.memory_space<semaphore_mem>>
        %dma_start3A = arith.constant 0 : i32
        %dma_start3A_309 = tpu.memref_slice %arg9[%run_scoped3A, %dma_start3A] : memref<8x128xi32, #tpu.memory_space<vmem>> -> memref<1x128xi32, #tpu.memory_space<vmem>>
        %dma_start3A_310 = tpu.memref_squeeze %dma_start3A_309 : memref<1x128xi32, #tpu.memory_space<vmem>> -> memref<128xi32, #tpu.memory_space<vmem>>
        %dma_start3A_311 = arith.constant 0 : i32
        %dma_start3A_312 = arith.constant 0 : i32
        %dma_start3A_313 = tpu.memref_slice %arg2[%dma_start3A_311, %dma_start3A_312] : memref<10240x128xf32, #tpu.memory_space<hbm>> -> memref<10240x128xf32, #tpu.memory_space<hbm>>
        tpu.enqueue_indirect_dma source(%dma_start3A_313 : memref<10240x128xf32, #tpu.memory_space<hbm>>) target(%arg11 : memref<128x128xf32, #tpu.memory_space<vmem>>) offsets(%dma_start3A_310 : memref<128xi32, #tpu.memory_space<vmem>>) semaphore(%run_scoped3A_308 : memref<!tpu.dma_semaphore, #tpu.memory_space<semaphore_mem>>)
        %dma_wait3A = arith.constant 0 : i32
        %dma_wait3A_314 = tpu.memref_slice %arg9[%run_scoped3A, %dma_wait3A] : memref<8x128xi32, #tpu.memory_space<vmem>> -> memref<1x128xi32, #tpu.memory_space<vmem>>
        %dma_wait3A_315 = tpu.memref_squeeze %dma_wait3A_314 : memref<1x128xi32, #tpu.memory_space<vmem>> -> memref<128xi32, #tpu.memory_space<vmem>>
        %dma_wait3A_316 = arith.constant 0 : i32
        %dma_wait3A_317 = arith.constant 0 : i32
        %dma_wait3A_318 = tpu.memref_slice %arg2[%dma_wait3A_316, %dma_wait3A_317] : memref<10240x128xf32, #tpu.memory_space<hbm>> -> memref<10240x128xf32, #tpu.memory_space<hbm>>
        tpu.wait_indirect_dma semaphore(%run_scoped3A_308 : memref<!tpu.dma_semaphore, #tpu.memory_space<semaphore_mem>>) src(%dma_wait3A_318 : memref<10240x128xf32, #tpu.memory_space<hbm>>) dst(%arg11 : memref<128x128xf32, #tpu.memory_space<vmem>>)
        tpu.yield
      }) : () -> ()
      %run_scoped3A_38 = arith.constant 0 : i32
      "tpu.region"() ({
        %run_scoped3A_308 = tpu.sem_alloc : memref<!tpu.dma_semaphore, #tpu.memory_space<semaphore_mem>>
        %dma_start3A = arith.constant 0 : i32
        %dma_start3A_309 = tpu.memref_slice %arg10[%run_scoped3A_38, %dma_start3A] : memref<8x128xi32, #tpu.memory_space<vmem>> -> memref<1x128xi32, #tpu.memory_space<vmem>>
        %dma_start3A_310 = tpu.memref_squeeze %dma_start3A_309 : memref<1x128xi32, #tpu.memory_space<vmem>> -> memref<128xi32, #tpu.memory_space<vmem>>
        %dma_start3A_311 = arith.constant 0 : i32
        %dma_start3A_312 = arith.constant 0 : i32
        %dma_start3A_313 = tpu.memref_slice %arg14[%dma_start3A_311, %dma_start3A_312] : memref<10240x128xf32, #tpu.memory_space<vmem_shared>> -> memref<10240x128xf32, #tpu.memory_space<vmem_shared>>
        tpu.enqueue_indirect_dma source(%arg11 : memref<128x128xf32, #tpu.memory_space<vmem>>) target(%dma_start3A_313 : memref<10240x128xf32, #tpu.memory_space<vmem_shared>>) offsets(%dma_start3A_310 : memref<128xi32, #tpu.memory_space<vmem>>) semaphore(%run_scoped3A_308 : memref<!tpu.dma_semaphore, #tpu.memory_space<semaphore_mem>>) {add = true}
        %dma_wait3A = arith.constant 0 : i32
        %dma_wait3A_314 = tpu.memref_slice %arg10[%run_scoped3A_38, %dma_wait3A] : memref<8x128xi32, #tpu.memory_space<vmem>> -> memref<1x128xi32, #tpu.memory_space<vmem>>
        %dma_wait3A_315 = tpu.memref_squeeze %dma_wait3A_314 : memref<1x128xi32, #tpu.memory_space<vmem>> -> memref<128xi32, #tpu.memory_space<vmem>>
        %dma_wait3A_316 = arith.constant 0 : i32
        %dma_wait3A_317 = arith.constant 0 : i32
        %dma_wait3A_318 = tpu.memref_slice %arg14[%dma_wait3A_316, %dma_wait3A_317] : memref<10240x128xf32, #tpu.memory_space<vmem_shared>> -> memref<10240x128xf32, #tpu.memory_space<vmem_shared>>
        tpu.wait_indirect_dma semaphore(%run_scoped3A_308 : memref<!tpu.dma_semaphore, #tpu.memory_space<semaphore_mem>>) src(%arg11 : memref<128x128xf32, #tpu.memory_space<vmem>>) dst(%dma_wait3A_318 : memref<10240x128xf32, #tpu.memory_space<vmem_shared>>)
        tpu.yield
      }) : () -> ()
      %run_scoped3A_39 = arith.constant 1 : i32
      "tpu.region"() ({
        %run_scoped3A_308 = tpu.sem_alloc : memref<!tpu.dma_semaphore, #tpu.memory_space<semaphore_mem>>
        %dma_start3A = arith.constant 0 : i32
        %dma_start3A_309 = tpu.memref_slice %arg9[%run_scoped3A_39, %dma_start3A] : memref<8x128xi32, #tpu.memory_space<vmem>> -> memref<1x128xi32, #tpu.memory_space<vmem>>
        %dma_start3A_310 = tpu.memref_squeeze %dma_start3A_309 : memref<1x128xi32, #tpu.memory_space<vmem>> -> memref<128xi32, #tpu.memory_space<vmem>>
        %dma_start3A_311 = arith.constant 0 : i32
        %dma_start3A_312 = arith.constant 0 : i32
        %dma_start3A_313 = tpu.memref_slice %arg2[%dma_start3A_311, %dma_start3A_312] : memref<10240x128xf32, #tpu.memory_space<hbm>> -> memref<10240x128xf32, #tpu.memory_space<hbm>>
        tpu.enqueue_indirect_dma source(%dma_start3A_313 : memref<10240x128xf32, #tpu.memory_space<hbm>>) target(%arg12 : memref<128x128xf32, #tpu.memory_space<vmem>>) offsets(%dma_start3A_310 : memref<128xi32, #tpu.memory_space<vmem>>) semaphore(%run_scoped3A_308 : memref<!tpu.dma_semaphore, #tpu.memory_space<semaphore_mem>>)
        %dma_wait3A = arith.constant 0 : i32
        %dma_wait3A_314 = tpu.memref_slice %arg9[%run_scoped3A_39, %dma_wait3A] : memref<8x128xi32, #tpu.memory_space<vmem>> -> memref<1x128xi32, #tpu.memory_space<vmem>>
        %dma_wait3A_315 = tpu.memref_squeeze %dma_wait3A_314 : memref<1x128xi32, #tpu.memory_space<vmem>> -> memref<128xi32, #tpu.memory_space<vmem>>
        %dma_wait3A_316 = arith.constant 0 : i32
        %dma_wait3A_317 = arith.constant 0 : i32
        %dma_wait3A_318 = tpu.memref_slice %arg2[%dma_wait3A_316, %dma_wait3A_317] : memref<10240x128xf32, #tpu.memory_space<hbm>> -> memref<10240x128xf32, #tpu.memory_space<hbm>>
        tpu.wait_indirect_dma semaphore(%run_scoped3A_308 : memref<!tpu.dma_semaphore, #tpu.memory_space<semaphore_mem>>) src(%dma_wait3A_318 : memref<10240x128xf32, #tpu.memory_space<hbm>>) dst(%arg12 : memref<128x128xf32, #tpu.memory_space<vmem>>)
        tpu.yield
      }) : () -> ()
      %run_scoped3A_40 = arith.constant 1 : i32
      "tpu.region"() ({
        %run_scoped3A_308 = tpu.sem_alloc : memref<!tpu.dma_semaphore, #tpu.memory_space<semaphore_mem>>
        %dma_start3A = arith.constant 0 : i32
        %dma_start3A_309 = tpu.memref_slice %arg10[%run_scoped3A_40, %dma_start3A] : memref<8x128xi32, #tpu.memory_space<vmem>> -> memref<1x128xi32, #tpu.memory_space<vmem>>
        %dma_start3A_310 = tpu.memref_squeeze %dma_start3A_309 : memref<1x128xi32, #tpu.memory_space<vmem>> -> memref<128xi32, #tpu.memory_space<vmem>>
        %dma_start3A_311 = arith.constant 0 : i32
        %dma_start3A_312 = arith.constant 0 : i32
        %dma_start3A_313 = tpu.memref_slice %arg14[%dma_start3A_311, %dma_start3A_312] : memref<10240x128xf32, #tpu.memory_space<vmem_shared>> -> memref<10240x128xf32, #tpu.memory_space<vmem_shared>>
        tpu.enqueue_indirect_dma source(%arg12 : memref<128x128xf32, #tpu.memory_space<vmem>>) target(%dma_start3A_313 : memref<10240x128xf32, #tpu.memory_space<vmem_shared>>) offsets(%dma_start3A_310 : memref<128xi32, #tpu.memory_space<vmem>>) semaphore(%run_scoped3A_308 : memref<!tpu.dma_semaphore, #tpu.memory_space<semaphore_mem>>) {add = true}
        %dma_wait3A = arith.constant 0 : i32
        %dma_wait3A_314 = tpu.memref_slice %arg10[%run_scoped3A_40, %dma_wait3A] : memref<8x128xi32, #tpu.memory_space<vmem>> -> memref<1x128xi32, #tpu.memory_space<vmem>>
        %dma_wait3A_315 = tpu.memref_squeeze %dma_wait3A_314 : memref<1x128xi32, #tpu.memory_space<vmem>> -> memref<128xi32, #tpu.memory_space<vmem>>
        %dma_wait3A_316 = arith.constant 0 : i32
        %dma_wait3A_317 = arith.constant 0 : i32
        %dma_wait3A_318 = tpu.memref_slice %arg14[%dma_wait3A_316, %dma_wait3A_317] : memref<10240x128xf32, #tpu.memory_space<vmem_shared>> -> memref<10240x128xf32, #tpu.memory_space<vmem_shared>>
        tpu.wait_indirect_dma semaphore(%run_scoped3A_308 : memref<!tpu.dma_semaphore, #tpu.memory_space<semaphore_mem>>) src(%arg12 : memref<128x128xf32, #tpu.memory_space<vmem>>) dst(%dma_wait3A_318 : memref<10240x128xf32, #tpu.memory_space<vmem_shared>>)
        tpu.yield
      }) : () -> ()
      %run_scoped3A_41 = arith.constant 2 : i32
      "tpu.region"() ({
        %run_scoped3A_308 = tpu.sem_alloc : memref<!tpu.dma_semaphore, #tpu.memory_space<semaphore_mem>>
        %dma_start3A = arith.constant 0 : i32
        %dma_start3A_309 = tpu.memref_slice %arg9[%run_scoped3A_41, %dma_start3A] : memref<8x128xi32, #tpu.memory_space<vmem>> -> memref<1x128xi32, #tpu.memory_space<vmem>>
        %dma_start3A_310 = tpu.memref_squeeze %dma_start3A_309 : memref<1x128xi32, #tpu.memory_space<vmem>> -> memref<128xi32, #tpu.memory_space<vmem>>
        %dma_start3A_311 = arith.constant 0 : i32
        %dma_start3A_312 = arith.constant 0 : i32
        %dma_start3A_313 = tpu.memref_slice %arg2[%dma_start3A_311, %dma_start3A_312] : memref<10240x128xf32, #tpu.memory_space<hbm>> -> memref<10240x128xf32, #tpu.memory_space<hbm>>
        tpu.enqueue_indirect_dma source(%dma_start3A_313 : memref<10240x128xf32, #tpu.memory_space<hbm>>) target(%arg11 : memref<128x128xf32, #tpu.memory_space<vmem>>) offsets(%dma_start3A_310 : memref<128xi32, #tpu.memory_space<vmem>>) semaphore(%run_scoped3A_308 : memref<!tpu.dma_semaphore, #tpu.memory_space<semaphore_mem>>)
        %dma_wait3A = arith.constant 0 : i32
        %dma_wait3A_314 = tpu.memref_slice %arg9[%run_scoped3A_41, %dma_wait3A] : memref<8x128xi32, #tpu.memory_space<vmem>> -> memref<1x128xi32, #tpu.memory_space<vmem>>
        %dma_wait3A_315 = tpu.memref_squeeze %dma_wait3A_314 : memref<1x128xi32, #tpu.memory_space<vmem>> -> memref<128xi32, #tpu.memory_space<vmem>>
        %dma_wait3A_316 = arith.constant 0 : i32
        %dma_wait3A_317 = arith.constant 0 : i32
        %dma_wait3A_318 = tpu.memref_slice %arg2[%dma_wait3A_316, %dma_wait3A_317] : memref<10240x128xf32, #tpu.memory_space<hbm>> -> memref<10240x128xf32, #tpu.memory_space<hbm>>
        tpu.wait_indirect_dma semaphore(%run_scoped3A_308 : memref<!tpu.dma_semaphore, #tpu.memory_space<semaphore_mem>>) src(%dma_wait3A_318 : memref<10240x128xf32, #tpu.memory_space<hbm>>) dst(%arg11 : memref<128x128xf32, #tpu.memory_space<vmem>>)
        tpu.yield
      }) : () -> ()
      %run_scoped3A_42 = arith.constant 2 : i32
      "tpu.region"() ({
        %run_scoped3A_308 = tpu.sem_alloc : memref<!tpu.dma_semaphore, #tpu.memory_space<semaphore_mem>>
        %dma_start3A = arith.constant 0 : i32
        %dma_start3A_309 = tpu.memref_slice %arg10[%run_scoped3A_42, %dma_start3A] : memref<8x128xi32, #tpu.memory_space<vmem>> -> memref<1x128xi32, #tpu.memory_space<vmem>>
        %dma_start3A_310 = tpu.memref_squeeze %dma_start3A_309 : memref<1x128xi32, #tpu.memory_space<vmem>> -> memref<128xi32, #tpu.memory_space<vmem>>
        %dma_start3A_311 = arith.constant 0 : i32
        %dma_start3A_312 = arith.constant 0 : i32
        %dma_start3A_313 = tpu.memref_slice %arg14[%dma_start3A_311, %dma_start3A_312] : memref<10240x128xf32, #tpu.memory_space<vmem_shared>> -> memref<10240x128xf32, #tpu.memory_space<vmem_shared>>
        tpu.enqueue_indirect_dma source(%arg11 : memref<128x128xf32, #tpu.memory_space<vmem>>) target(%dma_start3A_313 : memref<10240x128xf32, #tpu.memory_space<vmem_shared>>) offsets(%dma_start3A_310 : memref<128xi32, #tpu.memory_space<vmem>>) semaphore(%run_scoped3A_308 : memref<!tpu.dma_semaphore, #tpu.memory_space<semaphore_mem>>) {add = true}
        %dma_wait3A = arith.constant 0 : i32
        %dma_wait3A_314 = tpu.memref_slice %arg10[%run_scoped3A_42, %dma_wait3A] : memref<8x128xi32, #tpu.memory_space<vmem>> -> memref<1x128xi32, #tpu.memory_space<vmem>>
        %dma_wait3A_315 = tpu.memref_squeeze %dma_wait3A_314 : memref<1x128xi32, #tpu.memory_space<vmem>> -> memref<128xi32, #tpu.memory_space<vmem>>
        %dma_wait3A_316 = arith.constant 0 : i32
        %dma_wait3A_317 = arith.constant 0 : i32
        %dma_wait3A_318 = tpu.memref_slice %arg14[%dma_wait3A_316, %dma_wait3A_317] : memref<10240x128xf32, #tpu.memory_space<vmem_shared>> -> memref<10240x128xf32, #tpu.memory_space<vmem_shared>>
        tpu.wait_indirect_dma semaphore(%run_scoped3A_308 : memref<!tpu.dma_semaphore, #tpu.memory_space<semaphore_mem>>) src(%arg11 : memref<128x128xf32, #tpu.memory_space<vmem>>) dst(%dma_wait3A_318 : memref<10240x128xf32, #tpu.memory_space<vmem_shared>>)
        tpu.yield
      }) : () -> ()
      %run_scoped3A_43 = arith.constant 3 : i32
      "tpu.region"() ({
        %run_scoped3A_308 = tpu.sem_alloc : memref<!tpu.dma_semaphore, #tpu.memory_space<semaphore_mem>>
        %dma_start3A = arith.constant 0 : i32
        %dma_start3A_309 = tpu.memref_slice %arg9[%run_scoped3A_43, %dma_start3A] : memref<8x128xi32, #tpu.memory_space<vmem>> -> memref<1x128xi32, #tpu.memory_space<vmem>>
        %dma_start3A_310 = tpu.memref_squeeze %dma_start3A_309 : memref<1x128xi32, #tpu.memory_space<vmem>> -> memref<128xi32, #tpu.memory_space<vmem>>
        %dma_start3A_311 = arith.constant 0 : i32
        %dma_start3A_312 = arith.constant 0 : i32
        %dma_start3A_313 = tpu.memref_slice %arg2[%dma_start3A_311, %dma_start3A_312] : memref<10240x128xf32, #tpu.memory_space<hbm>> -> memref<10240x128xf32, #tpu.memory_space<hbm>>
        tpu.enqueue_indirect_dma source(%dma_start3A_313 : memref<10240x128xf32, #tpu.memory_space<hbm>>) target(%arg12 : memref<128x128xf32, #tpu.memory_space<vmem>>) offsets(%dma_start3A_310 : memref<128xi32, #tpu.memory_space<vmem>>) semaphore(%run_scoped3A_308 : memref<!tpu.dma_semaphore, #tpu.memory_space<semaphore_mem>>)
        %dma_wait3A = arith.constant 0 : i32
        %dma_wait3A_314 = tpu.memref_slice %arg9[%run_scoped3A_43, %dma_wait3A] : memref<8x128xi32, #tpu.memory_space<vmem>> -> memref<1x128xi32, #tpu.memory_space<vmem>>
        %dma_wait3A_315 = tpu.memref_squeeze %dma_wait3A_314 : memref<1x128xi32, #tpu.memory_space<vmem>> -> memref<128xi32, #tpu.memory_space<vmem>>
        %dma_wait3A_316 = arith.constant 0 : i32
        %dma_wait3A_317 = arith.constant 0 : i32
        %dma_wait3A_318 = tpu.memref_slice %arg2[%dma_wait3A_316, %dma_wait3A_317] : memref<10240x128xf32, #tpu.memory_space<hbm>> -> memref<10240x128xf32, #tpu.memory_space<hbm>>
        tpu.wait_indirect_dma semaphore(%run_scoped3A_308 : memref<!tpu.dma_semaphore, #tpu.memory_space<semaphore_mem>>) src(%dma_wait3A_318 : memref<10240x128xf32, #tpu.memory_space<hbm>>) dst(%arg12 : memref<128x128xf32, #tpu.memory_space<vmem>>)
        tpu.yield
      }) : () -> ()
      %run_scoped3A_44 = arith.constant 3 : i32
      "tpu.region"() ({
        %run_scoped3A_308 = tpu.sem_alloc : memref<!tpu.dma_semaphore, #tpu.memory_space<semaphore_mem>>
        %dma_start3A = arith.constant 0 : i32
        %dma_start3A_309 = tpu.memref_slice %arg10[%run_scoped3A_44, %dma_start3A] : memref<8x128xi32, #tpu.memory_space<vmem>> -> memref<1x128xi32, #tpu.memory_space<vmem>>
        %dma_start3A_310 = tpu.memref_squeeze %dma_start3A_309 : memref<1x128xi32, #tpu.memory_space<vmem>> -> memref<128xi32, #tpu.memory_space<vmem>>
        %dma_start3A_311 = arith.constant 0 : i32
        %dma_start3A_312 = arith.constant 0 : i32
        %dma_start3A_313 = tpu.memref_slice %arg14[%dma_start3A_311, %dma_start3A_312] : memref<10240x128xf32, #tpu.memory_space<vmem_shared>> -> memref<10240x128xf32, #tpu.memory_space<vmem_shared>>
        tpu.enqueue_indirect_dma source(%arg12 : memref<128x128xf32, #tpu.memory_space<vmem>>) target(%dma_start3A_313 : memref<10240x128xf32, #tpu.memory_space<vmem_shared>>) offsets(%dma_start3A_310 : memref<128xi32, #tpu.memory_space<vmem>>) semaphore(%run_scoped3A_308 : memref<!tpu.dma_semaphore, #tpu.memory_space<semaphore_mem>>) {add = true}
        %dma_wait3A = arith.constant 0 : i32
        %dma_wait3A_314 = tpu.memref_slice %arg10[%run_scoped3A_44, %dma_wait3A] : memref<8x128xi32, #tpu.memory_space<vmem>> -> memref<1x128xi32, #tpu.memory_space<vmem>>
        %dma_wait3A_315 = tpu.memref_squeeze %dma_wait3A_314 : memref<1x128xi32, #tpu.memory_space<vmem>> -> memref<128xi32, #tpu.memory_space<vmem>>
        %dma_wait3A_316 = arith.constant 0 : i32
        %dma_wait3A_317 = arith.constant 0 : i32
        %dma_wait3A_318 = tpu.memref_slice %arg14[%dma_wait3A_316, %dma_wait3A_317] : memref<10240x128xf32, #tpu.memory_space<vmem_shared>> -> memref<10240x128xf32, #tpu.memory_space<vmem_shared>>
        tpu.wait_indirect_dma semaphore(%run_scoped3A_308 : memref<!tpu.dma_semaphore, #tpu.memory_space<semaphore_mem>>) src(%arg12 : memref<128x128xf32, #tpu.memory_space<vmem>>) dst(%dma_wait3A_318 : memref<10240x128xf32, #tpu.memory_space<vmem_shared>>)
        tpu.yield
      }) : () -> ()
      %run_scoped3A_45 = arith.constant 4 : i32
      "tpu.region"() ({
        %run_scoped3A_308 = tpu.sem_alloc : memref<!tpu.dma_semaphore, #tpu.memory_space<semaphore_mem>>
        %dma_start3A = arith.constant 0 : i32
        %dma_start3A_309 = tpu.memref_slice %arg9[%run_scoped3A_45, %dma_start3A] : memref<8x128xi32, #tpu.memory_space<vmem>> -> memref<1x128xi32, #tpu.memory_space<vmem>>
        %dma_start3A_310 = tpu.memref_squeeze %dma_start3A_309 : memref<1x128xi32, #tpu.memory_space<vmem>> -> memref<128xi32, #tpu.memory_space<vmem>>
        %dma_start3A_311 = arith.constant 0 : i32
        %dma_start3A_312 = arith.constant 0 : i32
        %dma_start3A_313 = tpu.memref_slice %arg2[%dma_start3A_311, %dma_start3A_312] : memref<10240x128xf32, #tpu.memory_space<hbm>> -> memref<10240x128xf32, #tpu.memory_space<hbm>>
        tpu.enqueue_indirect_dma source(%dma_start3A_313 : memref<10240x128xf32, #tpu.memory_space<hbm>>) target(%arg11 : memref<128x128xf32, #tpu.memory_space<vmem>>) offsets(%dma_start3A_310 : memref<128xi32, #tpu.memory_space<vmem>>) semaphore(%run_scoped3A_308 : memref<!tpu.dma_semaphore, #tpu.memory_space<semaphore_mem>>)
        %dma_wait3A = arith.constant 0 : i32
        %dma_wait3A_314 = tpu.memref_slice %arg9[%run_scoped3A_45, %dma_wait3A] : memref<8x128xi32, #tpu.memory_space<vmem>> -> memref<1x128xi32, #tpu.memory_space<vmem>>
        %dma_wait3A_315 = tpu.memref_squeeze %dma_wait3A_314 : memref<1x128xi32, #tpu.memory_space<vmem>> -> memref<128xi32, #tpu.memory_space<vmem>>
        %dma_wait3A_316 = arith.constant 0 : i32
        %dma_wait3A_317 = arith.constant 0 : i32
        %dma_wait3A_318 = tpu.memref_slice %arg2[%dma_wait3A_316, %dma_wait3A_317] : memref<10240x128xf32, #tpu.memory_space<hbm>> -> memref<10240x128xf32, #tpu.memory_space<hbm>>
        tpu.wait_indirect_dma semaphore(%run_scoped3A_308 : memref<!tpu.dma_semaphore, #tpu.memory_space<semaphore_mem>>) src(%dma_wait3A_318 : memref<10240x128xf32, #tpu.memory_space<hbm>>) dst(%arg11 : memref<128x128xf32, #tpu.memory_space<vmem>>)
        tpu.yield
      }) : () -> ()
      %run_scoped3A_46 = arith.constant 4 : i32
      "tpu.region"() ({
        %run_scoped3A_308 = tpu.sem_alloc : memref<!tpu.dma_semaphore, #tpu.memory_space<semaphore_mem>>
        %dma_start3A = arith.constant 0 : i32
        %dma_start3A_309 = tpu.memref_slice %arg10[%run_scoped3A_46, %dma_start3A] : memref<8x128xi32, #tpu.memory_space<vmem>> -> memref<1x128xi32, #tpu.memory_space<vmem>>
        %dma_start3A_310 = tpu.memref_squeeze %dma_start3A_309 : memref<1x128xi32, #tpu.memory_space<vmem>> -> memref<128xi32, #tpu.memory_space<vmem>>
        %dma_start3A_311 = arith.constant 0 : i32
        %dma_start3A_312 = arith.constant 0 : i32
        %dma_start3A_313 = tpu.memref_slice %arg14[%dma_start3A_311, %dma_start3A_312] : memref<10240x128xf32, #tpu.memory_space<vmem_shared>> -> memref<10240x128xf32, #tpu.memory_space<vmem_shared>>
        tpu.enqueue_indirect_dma source(%arg11 : memref<128x128xf32, #tpu.memory_space<vmem>>) target(%dma_start3A_313 : memref<10240x128xf32, #tpu.memory_space<vmem_shared>>) offsets(%dma_start3A_310 : memref<128xi32, #tpu.memory_space<vmem>>) semaphore(%run_scoped3A_308 : memref<!tpu.dma_semaphore, #tpu.memory_space<semaphore_mem>>) {add = true}
        %dma_wait3A = arith.constant 0 : i32
        %dma_wait3A_314 = tpu.memref_slice %arg10[%run_scoped3A_46, %dma_wait3A] : memref<8x128xi32, #tpu.memory_space<vmem>> -> memref<1x128xi32, #tpu.memory_space<vmem>>
        %dma_wait3A_315 = tpu.memref_squeeze %dma_wait3A_314 : memref<1x128xi32, #tpu.memory_space<vmem>> -> memref<128xi32, #tpu.memory_space<vmem>>
        %dma_wait3A_316 = arith.constant 0 : i32
        %dma_wait3A_317 = arith.constant 0 : i32
        %dma_wait3A_318 = tpu.memref_slice %arg14[%dma_wait3A_316, %dma_wait3A_317] : memref<10240x128xf32, #tpu.memory_space<vmem_shared>> -> memref<10240x128xf32, #tpu.memory_space<vmem_shared>>
        tpu.wait_indirect_dma semaphore(%run_scoped3A_308 : memref<!tpu.dma_semaphore, #tpu.memory_space<semaphore_mem>>) src(%arg11 : memref<128x128xf32, #tpu.memory_space<vmem>>) dst(%dma_wait3A_318 : memref<10240x128xf32, #tpu.memory_space<vmem_shared>>)
        tpu.yield
      }) : () -> ()
      %run_scoped3A_47 = arith.constant 5 : i32
      "tpu.region"() ({
        %run_scoped3A_308 = tpu.sem_alloc : memref<!tpu.dma_semaphore, #tpu.memory_space<semaphore_mem>>
        %dma_start3A = arith.constant 0 : i32
        %dma_start3A_309 = tpu.memref_slice %arg9[%run_scoped3A_47, %dma_start3A] : memref<8x128xi32, #tpu.memory_space<vmem>> -> memref<1x128xi32, #tpu.memory_space<vmem>>
        %dma_start3A_310 = tpu.memref_squeeze %dma_start3A_309 : memref<1x128xi32, #tpu.memory_space<vmem>> -> memref<128xi32, #tpu.memory_space<vmem>>
        %dma_start3A_311 = arith.constant 0 : i32
        %dma_start3A_312 = arith.constant 0 : i32
        %dma_start3A_313 = tpu.memref_slice %arg2[%dma_start3A_311, %dma_start3A_312] : memref<10240x128xf32, #tpu.memory_space<hbm>> -> memref<10240x128xf32, #tpu.memory_space<hbm>>
        tpu.enqueue_indirect_dma source(%dma_start3A_313 : memref<10240x128xf32, #tpu.memory_space<hbm>>) target(%arg12 : memref<128x128xf32, #tpu.memory_space<vmem>>) offsets(%dma_start3A_310 : memref<128xi32, #tpu.memory_space<vmem>>) semaphore(%run_scoped3A_308 : memref<!tpu.dma_semaphore, #tpu.memory_space<semaphore_mem>>)
        %dma_wait3A = arith.constant 0 : i32
        %dma_wait3A_314 = tpu.memref_slice %arg9[%run_scoped3A_47, %dma_wait3A] : memref<8x128xi32, #tpu.memory_space<vmem>> -> memref<1x128xi32, #tpu.memory_space<vmem>>
        %dma_wait3A_315 = tpu.memref_squeeze %dma_wait3A_314 : memref<1x128xi32, #tpu.memory_space<vmem>> -> memref<128xi32, #tpu.memory_space<vmem>>
        %dma_wait3A_316 = arith.constant 0 : i32
        %dma_wait3A_317 = arith.constant 0 : i32
        %dma_wait3A_318 = tpu.memref_slice %arg2[%dma_wait3A_316, %dma_wait3A_317] : memref<10240x128xf32, #tpu.memory_space<hbm>> -> memref<10240x128xf32, #tpu.memory_space<hbm>>
        tpu.wait_indirect_dma semaphore(%run_scoped3A_308 : memref<!tpu.dma_semaphore, #tpu.memory_space<semaphore_mem>>) src(%dma_wait3A_318 : memref<10240x128xf32, #tpu.memory_space<hbm>>) dst(%arg12 : memref<128x128xf32, #tpu.memory_space<vmem>>)
        tpu.yield
      }) : () -> ()
      %run_scoped3A_48 = arith.constant 5 : i32
      "tpu.region"() ({
        %run_scoped3A_308 = tpu.sem_alloc : memref<!tpu.dma_semaphore, #tpu.memory_space<semaphore_mem>>
        %dma_start3A = arith.constant 0 : i32
        %dma_start3A_309 = tpu.memref_slice %arg10[%run_scoped3A_48, %dma_start3A] : memref<8x128xi32, #tpu.memory_space<vmem>> -> memref<1x128xi32, #tpu.memory_space<vmem>>
        %dma_start3A_310 = tpu.memref_squeeze %dma_start3A_309 : memref<1x128xi32, #tpu.memory_space<vmem>> -> memref<128xi32, #tpu.memory_space<vmem>>
        %dma_start3A_311 = arith.constant 0 : i32
        %dma_start3A_312 = arith.constant 0 : i32
        %dma_start3A_313 = tpu.memref_slice %arg14[%dma_start3A_311, %dma_start3A_312] : memref<10240x128xf32, #tpu.memory_space<vmem_shared>> -> memref<10240x128xf32, #tpu.memory_space<vmem_shared>>
        tpu.enqueue_indirect_dma source(%arg12 : memref<128x128xf32, #tpu.memory_space<vmem>>) target(%dma_start3A_313 : memref<10240x128xf32, #tpu.memory_space<vmem_shared>>) offsets(%dma_start3A_310 : memref<128xi32, #tpu.memory_space<vmem>>) semaphore(%run_scoped3A_308 : memref<!tpu.dma_semaphore, #tpu.memory_space<semaphore_mem>>) {add = true}
        %dma_wait3A = arith.constant 0 : i32
        %dma_wait3A_314 = tpu.memref_slice %arg10[%run_scoped3A_48, %dma_wait3A] : memref<8x128xi32, #tpu.memory_space<vmem>> -> memref<1x128xi32, #tpu.memory_space<vmem>>
        %dma_wait3A_315 = tpu.memref_squeeze %dma_wait3A_314 : memref<1x128xi32, #tpu.memory_space<vmem>> -> memref<128xi32, #tpu.memory_space<vmem>>
        %dma_wait3A_316 = arith.constant 0 : i32
        %dma_wait3A_317 = arith.constant 0 : i32
        %dma_wait3A_318 = tpu.memref_slice %arg14[%dma_wait3A_316, %dma_wait3A_317] : memref<10240x128xf32, #tpu.memory_space<vmem_shared>> -> memref<10240x128xf32, #tpu.memory_space<vmem_shared>>
        tpu.wait_indirect_dma semaphore(%run_scoped3A_308 : memref<!tpu.dma_semaphore, #tpu.memory_space<semaphore_mem>>) src(%arg12 : memref<128x128xf32, #tpu.memory_space<vmem>>) dst(%dma_wait3A_318 : memref<10240x128xf32, #tpu.memory_space<vmem_shared>>)
        tpu.yield
      }) : () -> ()
      %run_scoped3A_49 = arith.constant 6 : i32
      "tpu.region"() ({
        %run_scoped3A_308 = tpu.sem_alloc : memref<!tpu.dma_semaphore, #tpu.memory_space<semaphore_mem>>
        %dma_start3A = arith.constant 0 : i32
        %dma_start3A_309 = tpu.memref_slice %arg9[%run_scoped3A_49, %dma_start3A] : memref<8x128xi32, #tpu.memory_space<vmem>> -> memref<1x128xi32, #tpu.memory_space<vmem>>
        %dma_start3A_310 = tpu.memref_squeeze %dma_start3A_309 : memref<1x128xi32, #tpu.memory_space<vmem>> -> memref<128xi32, #tpu.memory_space<vmem>>
        %dma_start3A_311 = arith.constant 0 : i32
        %dma_start3A_312 = arith.constant 0 : i32
        %dma_start3A_313 = tpu.memref_slice %arg2[%dma_start3A_311, %dma_start3A_312] : memref<10240x128xf32, #tpu.memory_space<hbm>> -> memref<10240x128xf32, #tpu.memory_space<hbm>>
        tpu.enqueue_indirect_dma source(%dma_start3A_313 : memref<10240x128xf32, #tpu.memory_space<hbm>>) target(%arg11 : memref<128x128xf32, #tpu.memory_space<vmem>>) offsets(%dma_start3A_310 : memref<128xi32, #tpu.memory_space<vmem>>) semaphore(%run_scoped3A_308 : memref<!tpu.dma_semaphore, #tpu.memory_space<semaphore_mem>>)
        %dma_wait3A = arith.constant 0 : i32
        %dma_wait3A_314 = tpu.memref_slice %arg9[%run_scoped3A_49, %dma_wait3A] : memref<8x128xi32, #tpu.memory_space<vmem>> -> memref<1x128xi32, #tpu.memory_space<vmem>>
        %dma_wait3A_315 = tpu.memref_squeeze %dma_wait3A_314 : memref<1x128xi32, #tpu.memory_space<vmem>> -> memref<128xi32, #tpu.memory_space<vmem>>
        %dma_wait3A_316 = arith.constant 0 : i32
        %dma_wait3A_317 = arith.constant 0 : i32
        %dma_wait3A_318 = tpu.memref_slice %arg2[%dma_wait3A_316, %dma_wait3A_317] : memref<10240x128xf32, #tpu.memory_space<hbm>> -> memref<10240x128xf32, #tpu.memory_space<hbm>>
        tpu.wait_indirect_dma semaphore(%run_scoped3A_308 : memref<!tpu.dma_semaphore, #tpu.memory_space<semaphore_mem>>) src(%dma_wait3A_318 : memref<10240x128xf32, #tpu.memory_space<hbm>>) dst(%arg11 : memref<128x128xf32, #tpu.memory_space<vmem>>)
        tpu.yield
      }) : () -> ()
      %run_scoped3A_50 = arith.constant 6 : i32
      "tpu.region"() ({
        %run_scoped3A_308 = tpu.sem_alloc : memref<!tpu.dma_semaphore, #tpu.memory_space<semaphore_mem>>
        %dma_start3A = arith.constant 0 : i32
        %dma_start3A_309 = tpu.memref_slice %arg10[%run_scoped3A_50, %dma_start3A] : memref<8x128xi32, #tpu.memory_space<vmem>> -> memref<1x128xi32, #tpu.memory_space<vmem>>
        %dma_start3A_310 = tpu.memref_squeeze %dma_start3A_309 : memref<1x128xi32, #tpu.memory_space<vmem>> -> memref<128xi32, #tpu.memory_space<vmem>>
        %dma_start3A_311 = arith.constant 0 : i32
        %dma_start3A_312 = arith.constant 0 : i32
        %dma_start3A_313 = tpu.memref_slice %arg14[%dma_start3A_311, %dma_start3A_312] : memref<10240x128xf32, #tpu.memory_space<vmem_shared>> -> memref<10240x128xf32, #tpu.memory_space<vmem_shared>>
        tpu.enqueue_indirect_dma source(%arg11 : memref<128x128xf32, #tpu.memory_space<vmem>>) target(%dma_start3A_313 : memref<10240x128xf32, #tpu.memory_space<vmem_shared>>) offsets(%dma_start3A_310 : memref<128xi32, #tpu.memory_space<vmem>>) semaphore(%run_scoped3A_308 : memref<!tpu.dma_semaphore, #tpu.memory_space<semaphore_mem>>) {add = true}
        %dma_wait3A = arith.constant 0 : i32
        %dma_wait3A_314 = tpu.memref_slice %arg10[%run_scoped3A_50, %dma_wait3A] : memref<8x128xi32, #tpu.memory_space<vmem>> -> memref<1x128xi32, #tpu.memory_space<vmem>>
        %dma_wait3A_315 = tpu.memref_squeeze %dma_wait3A_314 : memref<1x128xi32, #tpu.memory_space<vmem>> -> memref<128xi32, #tpu.memory_space<vmem>>
        %dma_wait3A_316 = arith.constant 0 : i32
        %dma_wait3A_317 = arith.constant 0 : i32
        %dma_wait3A_318 = tpu.memref_slice %arg14[%dma_wait3A_316, %dma_wait3A_317] : memref<10240x128xf32, #tpu.memory_space<vmem_shared>> -> memref<10240x128xf32, #tpu.memory_space<vmem_shared>>
        tpu.wait_indirect_dma semaphore(%run_scoped3A_308 : memref<!tpu.dma_semaphore, #tpu.memory_space<semaphore_mem>>) src(%arg11 : memref<128x128xf32, #tpu.memory_space<vmem>>) dst(%dma_wait3A_318 : memref<10240x128xf32, #tpu.memory_space<vmem_shared>>)
        tpu.yield
      }) : () -> ()
      %run_scoped3A_51 = arith.constant 7 : i32
      "tpu.region"() ({
        %run_scoped3A_308 = tpu.sem_alloc : memref<!tpu.dma_semaphore, #tpu.memory_space<semaphore_mem>>
        %dma_start3A = arith.constant 0 : i32
        %dma_start3A_309 = tpu.memref_slice %arg9[%run_scoped3A_51, %dma_start3A] : memref<8x128xi32, #tpu.memory_space<vmem>> -> memref<1x128xi32, #tpu.memory_space<vmem>>
        %dma_start3A_310 = tpu.memref_squeeze %dma_start3A_309 : memref<1x128xi32, #tpu.memory_space<vmem>> -> memref<128xi32, #tpu.memory_space<vmem>>
        %dma_start3A_311 = arith.constant 0 : i32
        %dma_start3A_312 = arith.constant 0 : i32
        %dma_start3A_313 = tpu.memref_slice %arg2[%dma_start3A_311, %dma_start3A_312] : memref<10240x128xf32, #tpu.memory_space<hbm>> -> memref<10240x128xf32, #tpu.memory_space<hbm>>
        tpu.enqueue_indirect_dma source(%dma_start3A_313 : memref<10240x128xf32, #tpu.memory_space<hbm>>) target(%arg12 : memref<128x128xf32, #tpu.memory_space<vmem>>) offsets(%dma_start3A_310 : memref<128xi32, #tpu.memory_space<vmem>>) semaphore(%run_scoped3A_308 : memref<!tpu.dma_semaphore, #tpu.memory_space<semaphore_mem>>)
        %dma_wait3A = arith.constant 0 : i32
        %dma_wait3A_314 = tpu.memref_slice %arg9[%run_scoped3A_51, %dma_wait3A] : memref<8x128xi32, #tpu.memory_space<vmem>> -> memref<1x128xi32, #tpu.memory_space<vmem>>
        %dma_wait3A_315 = tpu.memref_squeeze %dma_wait3A_314 : memref<1x128xi32, #tpu.memory_space<vmem>> -> memref<128xi32, #tpu.memory_space<vmem>>
        %dma_wait3A_316 = arith.constant 0 : i32
        %dma_wait3A_317 = arith.constant 0 : i32
        %dma_wait3A_318 = tpu.memref_slice %arg2[%dma_wait3A_316, %dma_wait3A_317] : memref<10240x128xf32, #tpu.memory_space<hbm>> -> memref<10240x128xf32, #tpu.memory_space<hbm>>
        tpu.wait_indirect_dma semaphore(%run_scoped3A_308 : memref<!tpu.dma_semaphore, #tpu.memory_space<semaphore_mem>>) src(%dma_wait3A_318 : memref<10240x128xf32, #tpu.memory_space<hbm>>) dst(%arg12 : memref<128x128xf32, #tpu.memory_space<vmem>>)
        tpu.yield
      }) : () -> ()
      %run_scoped3A_52 = arith.constant 7 : i32
      "tpu.region"() ({
        %run_scoped3A_308 = tpu.sem_alloc : memref<!tpu.dma_semaphore, #tpu.memory_space<semaphore_mem>>
        %dma_start3A = arith.constant 0 : i32
        %dma_start3A_309 = tpu.memref_slice %arg10[%run_scoped3A_52, %dma_start3A] : memref<8x128xi32, #tpu.memory_space<vmem>> -> memref<1x128xi32, #tpu.memory_space<vmem>>
        %dma_start3A_310 = tpu.memref_squeeze %dma_start3A_309 : memref<1x128xi32, #tpu.memory_space<vmem>> -> memref<128xi32, #tpu.memory_space<vmem>>
        %dma_start3A_311 = arith.constant 0 : i32
        %dma_start3A_312 = arith.constant 0 : i32
        %dma_start3A_313 = tpu.memref_slice %arg14[%dma_start3A_311, %dma_start3A_312] : memref<10240x128xf32, #tpu.memory_space<vmem_shared>> -> memref<10240x128xf32, #tpu.memory_space<vmem_shared>>
        tpu.enqueue_indirect_dma source(%arg12 : memref<128x128xf32, #tpu.memory_space<vmem>>) target(%dma_start3A_313 : memref<10240x128xf32, #tpu.memory_space<vmem_shared>>) offsets(%dma_start3A_310 : memref<128xi32, #tpu.memory_space<vmem>>) semaphore(%run_scoped3A_308 : memref<!tpu.dma_semaphore, #tpu.memory_space<semaphore_mem>>) {add = true}
        %dma_wait3A = arith.constant 0 : i32
        %dma_wait3A_314 = tpu.memref_slice %arg10[%run_scoped3A_52, %dma_wait3A] : memref<8x128xi32, #tpu.memory_space<vmem>> -> memref<1x128xi32, #tpu.memory_space<vmem>>
        %dma_wait3A_315 = tpu.memref_squeeze %dma_wait3A_314 : memref<1x128xi32, #tpu.memory_space<vmem>> -> memref<128xi32, #tpu.memory_space<vmem>>
        %dma_wait3A_316 = arith.constant 0 : i32
        %dma_wait3A_317 = arith.constant 0 : i32
        %dma_wait3A_318 = tpu.memref_slice %arg14[%dma_wait3A_316, %dma_wait3A_317] : memref<10240x128xf32, #tpu.memory_space<vmem_shared>> -> memref<10240x128xf32, #tpu.memory_space<vmem_shared>>
        tpu.wait_indirect_dma semaphore(%run_scoped3A_308 : memref<!tpu.dma_semaphore, #tpu.memory_space<semaphore_mem>>) src(%arg12 : memref<128x128xf32, #tpu.memory_space<vmem>>) dst(%dma_wait3A_318 : memref<10240x128xf32, #tpu.memory_space<vmem_shared>>)
        tpu.yield
      }) : () -> ()
      %get3A = arith.constant 0 : i32
      %get3A_53 = arith.index_cast %get3A : i32 to index
      %get3A_54 = arith.constant 0 : index
      %get3A_55 = tpu.vector_load %arg10[%get3A_53, %get3A_54] {strides = array<i32>} : memref<8x128xi32, #tpu.memory_space<vmem>>, vector<16xi32>,
      tpu.vector_store_idx %arg13[%get3A_55], %broadcast_in_dim3A_3 {add = true} : memref<10240xf32, #tpu.memory_space<vmem>>[vector<16xi32>], vector<16xf32>,
      %get3A_56 = arith.constant 0 : i32
      %get3A_57 = arith.index_cast %get3A_56 : i32 to index
      %get3A_58 = arith.constant 16 : index
      %get3A_59 = tpu.vector_load %arg10[%get3A_57, %get3A_58] {strides = array<i32>} : memref<8x128xi32, #tpu.memory_space<vmem>>, vector<16xi32>,
      tpu.vector_store_idx %arg13[%get3A_59], %broadcast_in_dim3A_3 {add = true} : memref<10240xf32, #tpu.memory_space<vmem>>[vector<16xi32>], vector<16xf32>,
      %get3A_60 = arith.constant 0 : i32
      %get3A_61 = arith.index_cast %get3A_60 : i32 to index
      %get3A_62 = arith.constant 32 : index
      %get3A_63 = tpu.vector_load %arg10[%get3A_61, %get3A_62] {strides = array<i32>} : memref<8x128xi32, #tpu.memory_space<vmem>>, vector<16xi32>,
      tpu.vector_store_idx %arg13[%get3A_63], %broadcast_in_dim3A_3 {add = true} : memref<10240xf32, #tpu.memory_space<vmem>>[vector<16xi32>], vector<16xf32>,
      %get3A_64 = arith.constant 0 : i32
      %get3A_65 = arith.index_cast %get3A_64 : i32 to index
      %get3A_66 = arith.constant 48 : index
      %get3A_67 = tpu.vector_load %arg10[%get3A_65, %get3A_66] {strides = array<i32>} : memref<8x128xi32, #tpu.memory_space<vmem>>, vector<16xi32>,
      tpu.vector_store_idx %arg13[%get3A_67], %broadcast_in_dim3A_3 {add = true} : memref<10240xf32, #tpu.memory_space<vmem>>[vector<16xi32>], vector<16xf32>,
      %get3A_68 = arith.constant 0 : i32
      %get3A_69 = arith.index_cast %get3A_68 : i32 to index
      %get3A_70 = arith.constant 64 : index
      %get3A_71 = tpu.vector_load %arg10[%get3A_69, %get3A_70] {strides = array<i32>} : memref<8x128xi32, #tpu.memory_space<vmem>>, vector<16xi32>,
      tpu.vector_store_idx %arg13[%get3A_71], %broadcast_in_dim3A_3 {add = true} : memref<10240xf32, #tpu.memory_space<vmem>>[vector<16xi32>], vector<16xf32>,
      %get3A_72 = arith.constant 0 : i32
      %get3A_73 = arith.index_cast %get3A_72 : i32 to index
      %get3A_74 = arith.constant 80 : index
      %get3A_75 = tpu.vector_load %arg10[%get3A_73, %get3A_74] {strides = array<i32>} : memref<8x128xi32, #tpu.memory_space<vmem>>, vector<16xi32>,
      tpu.vector_store_idx %arg13[%get3A_75], %broadcast_in_dim3A_3 {add = true} : memref<10240xf32, #tpu.memory_space<vmem>>[vector<16xi32>], vector<16xf32>,
      %get3A_76 = arith.constant 0 : i32
      %get3A_77 = arith.index_cast %get3A_76 : i32 to index
      %get3A_78 = arith.constant 96 : index
      %get3A_79 = tpu.vector_load %arg10[%get3A_77, %get3A_78] {strides = array<i32>} : memref<8x128xi32, #tpu.memory_space<vmem>>, vector<16xi32>,
      tpu.vector_store_idx %arg13[%get3A_79], %broadcast_in_dim3A_3 {add = true} : memref<10240xf32, #tpu.memory_space<vmem>>[vector<16xi32>], vector<16xf32>,
      %get3A_80 = arith.constant 0 : i32
      %get3A_81 = arith.index_cast %get3A_80 : i32 to index
      %get3A_82 = arith.constant 112 : index
      %get3A_83 = tpu.vector_load %arg10[%get3A_81, %get3A_82] {strides = array<i32>} : memref<8x128xi32, #tpu.memory_space<vmem>>, vector<16xi32>,
      tpu.vector_store_idx %arg13[%get3A_83], %broadcast_in_dim3A_3 {add = true} : memref<10240xf32, #tpu.memory_space<vmem>>[vector<16xi32>], vector<16xf32>,
      %get3A_84 = arith.constant 1 : i32
      %get3A_85 = arith.index_cast %get3A_84 : i32 to index
      %get3A_86 = arith.constant 0 : index
      %get3A_87 = tpu.vector_load %arg10[%get3A_85, %get3A_86] {strides = array<i32>} : memref<8x128xi32, #tpu.memory_space<vmem>>, vector<16xi32>,
      tpu.vector_store_idx %arg13[%get3A_87], %broadcast_in_dim3A_3 {add = true} : memref<10240xf32, #tpu.memory_space<vmem>>[vector<16xi32>], vector<16xf32>,
      %get3A_88 = arith.constant 1 : i32
      %get3A_89 = arith.index_cast %get3A_88 : i32 to index
      %get3A_90 = arith.constant 16 : index
      %get3A_91 = tpu.vector_load %arg10[%get3A_89, %get3A_90] {strides = array<i32>} : memref<8x128xi32, #tpu.memory_space<vmem>>, vector<16xi32>,
      tpu.vector_store_idx %arg13[%get3A_91], %broadcast_in_dim3A_3 {add = true} : memref<10240xf32, #tpu.memory_space<vmem>>[vector<16xi32>], vector<16xf32>,
      %get3A_92 = arith.constant 1 : i32
      %get3A_93 = arith.index_cast %get3A_92 : i32 to index
      %get3A_94 = arith.constant 32 : index
      %get3A_95 = tpu.vector_load %arg10[%get3A_93, %get3A_94] {strides = array<i32>} : memref<8x128xi32, #tpu.memory_space<vmem>>, vector<16xi32>,
      tpu.vector_store_idx %arg13[%get3A_95], %broadcast_in_dim3A_3 {add = true} : memref<10240xf32, #tpu.memory_space<vmem>>[vector<16xi32>], vector<16xf32>,
      %get3A_96 = arith.constant 1 : i32
      %get3A_97 = arith.index_cast %get3A_96 : i32 to index
      %get3A_98 = arith.constant 48 : index
      %get3A_99 = tpu.vector_load %arg10[%get3A_97, %get3A_98] {strides = array<i32>} : memref<8x128xi32, #tpu.memory_space<vmem>>, vector<16xi32>,
      tpu.vector_store_idx %arg13[%get3A_99], %broadcast_in_dim3A_3 {add = true} : memref<10240xf32, #tpu.memory_space<vmem>>[vector<16xi32>], vector<16xf32>,
      %get3A_100 = arith.constant 1 : i32
      %get3A_101 = arith.index_cast %get3A_100 : i32 to index
      %get3A_102 = arith.constant 64 : index
      %get3A_103 = tpu.vector_load %arg10[%get3A_101, %get3A_102] {strides = array<i32>} : memref<8x128xi32, #tpu.memory_space<vmem>>, vector<16xi32>,
      tpu.vector_store_idx %arg13[%get3A_103], %broadcast_in_dim3A_3 {add = true} : memref<10240xf32, #tpu.memory_space<vmem>>[vector<16xi32>], vector<16xf32>,
      %get3A_104 = arith.constant 1 : i32
      %get3A_105 = arith.index_cast %get3A_104 : i32 to index
      %get3A_106 = arith.constant 80 : index
      %get3A_107 = tpu.vector_load %arg10[%get3A_105, %get3A_106] {strides = array<i32>} : memref<8x128xi32, #tpu.memory_space<vmem>>, vector<16xi32>,
      tpu.vector_store_idx %arg13[%get3A_107], %broadcast_in_dim3A_3 {add = true} : memref<10240xf32, #tpu.memory_space<vmem>>[vector<16xi32>], vector<16xf32>,
      %get3A_108 = arith.constant 1 : i32
      %get3A_109 = arith.index_cast %get3A_108 : i32 to index
      %get3A_110 = arith.constant 96 : index
      %get3A_111 = tpu.vector_load %arg10[%get3A_109, %get3A_110] {strides = array<i32>} : memref<8x128xi32, #tpu.memory_space<vmem>>, vector<16xi32>,
      tpu.vector_store_idx %arg13[%get3A_111], %broadcast_in_dim3A_3 {add = true} : memref<10240xf32, #tpu.memory_space<vmem>>[vector<16xi32>], vector<16xf32>,
      %get3A_112 = arith.constant 1 : i32
      %get3A_113 = arith.index_cast %get3A_112 : i32 to index
      %get3A_114 = arith.constant 112 : index
      %get3A_115 = tpu.vector_load %arg10[%get3A_113, %get3A_114] {strides = array<i32>} : memref<8x128xi32, #tpu.memory_space<vmem>>, vector<16xi32>,
      tpu.vector_store_idx %arg13[%get3A_115], %broadcast_in_dim3A_3 {add = true} : memref<10240xf32, #tpu.memory_space<vmem>>[vector<16xi32>], vector<16xf32>,
      %get3A_116 = arith.constant 2 : i32
      %get3A_117 = arith.index_cast %get3A_116 : i32 to index
      %get3A_118 = arith.constant 0 : index
      %get3A_119 = tpu.vector_load %arg10[%get3A_117, %get3A_118] {strides = array<i32>} : memref<8x128xi32, #tpu.memory_space<vmem>>, vector<16xi32>,
      tpu.vector_store_idx %arg13[%get3A_119], %broadcast_in_dim3A_3 {add = true} : memref<10240xf32, #tpu.memory_space<vmem>>[vector<16xi32>], vector<16xf32>,
      %get3A_120 = arith.constant 2 : i32
      %get3A_121 = arith.index_cast %get3A_120 : i32 to index
      %get3A_122 = arith.constant 16 : index
      %get3A_123 = tpu.vector_load %arg10[%get3A_121, %get3A_122] {strides = array<i32>} : memref<8x128xi32, #tpu.memory_space<vmem>>, vector<16xi32>,
      tpu.vector_store_idx %arg13[%get3A_123], %broadcast_in_dim3A_3 {add = true} : memref<10240xf32, #tpu.memory_space<vmem>>[vector<16xi32>], vector<16xf32>,
      %get3A_124 = arith.constant 2 : i32
      %get3A_125 = arith.index_cast %get3A_124 : i32 to index
      %get3A_126 = arith.constant 32 : index
      %get3A_127 = tpu.vector_load %arg10[%get3A_125, %get3A_126] {strides = array<i32>} : memref<8x128xi32, #tpu.memory_space<vmem>>, vector<16xi32>,
      tpu.vector_store_idx %arg13[%get3A_127], %broadcast_in_dim3A_3 {add = true} : memref<10240xf32, #tpu.memory_space<vmem>>[vector<16xi32>], vector<16xf32>,
      %get3A_128 = arith.constant 2 : i32
      %get3A_129 = arith.index_cast %get3A_128 : i32 to index
      %get3A_130 = arith.constant 48 : index
      %get3A_131 = tpu.vector_load %arg10[%get3A_129, %get3A_130] {strides = array<i32>} : memref<8x128xi32, #tpu.memory_space<vmem>>, vector<16xi32>,
      tpu.vector_store_idx %arg13[%get3A_131], %broadcast_in_dim3A_3 {add = true} : memref<10240xf32, #tpu.memory_space<vmem>>[vector<16xi32>], vector<16xf32>,
      %get3A_132 = arith.constant 2 : i32
      %get3A_133 = arith.index_cast %get3A_132 : i32 to index
      %get3A_134 = arith.constant 64 : index
      %get3A_135 = tpu.vector_load %arg10[%get3A_133, %get3A_134] {strides = array<i32>} : memref<8x128xi32, #tpu.memory_space<vmem>>, vector<16xi32>,
      tpu.vector_store_idx %arg13[%get3A_135], %broadcast_in_dim3A_3 {add = true} : memref<10240xf32, #tpu.memory_space<vmem>>[vector<16xi32>], vector<16xf32>,
      %get3A_136 = arith.constant 2 : i32
      %get3A_137 = arith.index_cast %get3A_136 : i32 to index
      %get3A_138 = arith.constant 80 : index
      %get3A_139 = tpu.vector_load %arg10[%get3A_137, %get3A_138] {strides = array<i32>} : memref<8x128xi32, #tpu.memory_space<vmem>>, vector<16xi32>,
      tpu.vector_store_idx %arg13[%get3A_139], %broadcast_in_dim3A_3 {add = true} : memref<10240xf32, #tpu.memory_space<vmem>>[vector<16xi32>], vector<16xf32>,
      %get3A_140 = arith.constant 2 : i32
      %get3A_141 = arith.index_cast %get3A_140 : i32 to index
      %get3A_142 = arith.constant 96 : index
      %get3A_143 = tpu.vector_load %arg10[%get3A_141, %get3A_142] {strides = array<i32>} : memref<8x128xi32, #tpu.memory_space<vmem>>, vector<16xi32>,
      tpu.vector_store_idx %arg13[%get3A_143], %broadcast_in_dim3A_3 {add = true} : memref<10240xf32, #tpu.memory_space<vmem>>[vector<16xi32>], vector<16xf32>,
      %get3A_144 = arith.constant 2 : i32
      %get3A_145 = arith.index_cast %get3A_144 : i32 to index
      %get3A_146 = arith.constant 112 : index
      %get3A_147 = tpu.vector_load %arg10[%get3A_145, %get3A_146] {strides = array<i32>} : memref<8x128xi32, #tpu.memory_space<vmem>>, vector<16xi32>,
      tpu.vector_store_idx %arg13[%get3A_147], %broadcast_in_dim3A_3 {add = true} : memref<10240xf32, #tpu.memory_space<vmem>>[vector<16xi32>], vector<16xf32>,
      %get3A_148 = arith.constant 3 : i32
      %get3A_149 = arith.index_cast %get3A_148 : i32 to index
      %get3A_150 = arith.constant 0 : index
      %get3A_151 = tpu.vector_load %arg10[%get3A_149, %get3A_150] {strides = array<i32>} : memref<8x128xi32, #tpu.memory_space<vmem>>, vector<16xi32>,
      tpu.vector_store_idx %arg13[%get3A_151], %broadcast_in_dim3A_3 {add = true} : memref<10240xf32, #tpu.memory_space<vmem>>[vector<16xi32>], vector<16xf32>,
      %get3A_152 = arith.constant 3 : i32
      %get3A_153 = arith.index_cast %get3A_152 : i32 to index
      %get3A_154 = arith.constant 16 : index
      %get3A_155 = tpu.vector_load %arg10[%get3A_153, %get3A_154] {strides = array<i32>} : memref<8x128xi32, #tpu.memory_space<vmem>>, vector<16xi32>,
      tpu.vector_store_idx %arg13[%get3A_155], %broadcast_in_dim3A_3 {add = true} : memref<10240xf32, #tpu.memory_space<vmem>>[vector<16xi32>], vector<16xf32>,
      %get3A_156 = arith.constant 3 : i32
      %get3A_157 = arith.index_cast %get3A_156 : i32 to index
      %get3A_158 = arith.constant 32 : index
      %get3A_159 = tpu.vector_load %arg10[%get3A_157, %get3A_158] {strides = array<i32>} : memref<8x128xi32, #tpu.memory_space<vmem>>, vector<16xi32>,
      tpu.vector_store_idx %arg13[%get3A_159], %broadcast_in_dim3A_3 {add = true} : memref<10240xf32, #tpu.memory_space<vmem>>[vector<16xi32>], vector<16xf32>,
      %get3A_160 = arith.constant 3 : i32
      %get3A_161 = arith.index_cast %get3A_160 : i32 to index
      %get3A_162 = arith.constant 48 : index
      %get3A_163 = tpu.vector_load %arg10[%get3A_161, %get3A_162] {strides = array<i32>} : memref<8x128xi32, #tpu.memory_space<vmem>>, vector<16xi32>,
      tpu.vector_store_idx %arg13[%get3A_163], %broadcast_in_dim3A_3 {add = true} : memref<10240xf32, #tpu.memory_space<vmem>>[vector<16xi32>], vector<16xf32>,
      %get3A_164 = arith.constant 3 : i32
      %get3A_165 = arith.index_cast %get3A_164 : i32 to index
      %get3A_166 = arith.constant 64 : index
      %get3A_167 = tpu.vector_load %arg10[%get3A_165, %get3A_166] {strides = array<i32>} : memref<8x128xi32, #tpu.memory_space<vmem>>, vector<16xi32>,
      tpu.vector_store_idx %arg13[%get3A_167], %broadcast_in_dim3A_3 {add = true} : memref<10240xf32, #tpu.memory_space<vmem>>[vector<16xi32>], vector<16xf32>,
      %get3A_168 = arith.constant 3 : i32
      %get3A_169 = arith.index_cast %get3A_168 : i32 to index
      %get3A_170 = arith.constant 80 : index
      %get3A_171 = tpu.vector_load %arg10[%get3A_169, %get3A_170] {strides = array<i32>} : memref<8x128xi32, #tpu.memory_space<vmem>>, vector<16xi32>,
      tpu.vector_store_idx %arg13[%get3A_171], %broadcast_in_dim3A_3 {add = true} : memref<10240xf32, #tpu.memory_space<vmem>>[vector<16xi32>], vector<16xf32>,
      %get3A_172 = arith.constant 3 : i32
      %get3A_173 = arith.index_cast %get3A_172 : i32 to index
      %get3A_174 = arith.constant 96 : index
      %get3A_175 = tpu.vector_load %arg10[%get3A_173, %get3A_174] {strides = array<i32>} : memref<8x128xi32, #tpu.memory_space<vmem>>, vector<16xi32>,
      tpu.vector_store_idx %arg13[%get3A_175], %broadcast_in_dim3A_3 {add = true} : memref<10240xf32, #tpu.memory_space<vmem>>[vector<16xi32>], vector<16xf32>,
      %get3A_176 = arith.constant 3 : i32
      %get3A_177 = arith.index_cast %get3A_176 : i32 to index
      %get3A_178 = arith.constant 112 : index
      %get3A_179 = tpu.vector_load %arg10[%get3A_177, %get3A_178] {strides = array<i32>} : memref<8x128xi32, #tpu.memory_space<vmem>>, vector<16xi32>,
      tpu.vector_store_idx %arg13[%get3A_179], %broadcast_in_dim3A_3 {add = true} : memref<10240xf32, #tpu.memory_space<vmem>>[vector<16xi32>], vector<16xf32>,
      %get3A_180 = arith.constant 4 : i32
      %get3A_181 = arith.index_cast %get3A_180 : i32 to index
      %get3A_182 = arith.constant 0 : index
      %get3A_183 = tpu.vector_load %arg10[%get3A_181, %get3A_182] {strides = array<i32>} : memref<8x128xi32, #tpu.memory_space<vmem>>, vector<16xi32>,
      tpu.vector_store_idx %arg13[%get3A_183], %broadcast_in_dim3A_3 {add = true} : memref<10240xf32, #tpu.memory_space<vmem>>[vector<16xi32>], vector<16xf32>,
      %get3A_184 = arith.constant 4 : i32
      %get3A_185 = arith.index_cast %get3A_184 : i32 to index
      %get3A_186 = arith.constant 16 : index
      %get3A_187 = tpu.vector_load %arg10[%get3A_185, %get3A_186] {strides = array<i32>} : memref<8x128xi32, #tpu.memory_space<vmem>>, vector<16xi32>,
      tpu.vector_store_idx %arg13[%get3A_187], %broadcast_in_dim3A_3 {add = true} : memref<10240xf32, #tpu.memory_space<vmem>>[vector<16xi32>], vector<16xf32>,
      %get3A_188 = arith.constant 4 : i32
      %get3A_189 = arith.index_cast %get3A_188 : i32 to index
      %get3A_190 = arith.constant 32 : index
      %get3A_191 = tpu.vector_load %arg10[%get3A_189, %get3A_190] {strides = array<i32>} : memref<8x128xi32, #tpu.memory_space<vmem>>, vector<16xi32>,
      tpu.vector_store_idx %arg13[%get3A_191], %broadcast_in_dim3A_3 {add = true} : memref<10240xf32, #tpu.memory_space<vmem>>[vector<16xi32>], vector<16xf32>,
      %get3A_192 = arith.constant 4 : i32
      %get3A_193 = arith.index_cast %get3A_192 : i32 to index
      %get3A_194 = arith.constant 48 : index
      %get3A_195 = tpu.vector_load %arg10[%get3A_193, %get3A_194] {strides = array<i32>} : memref<8x128xi32, #tpu.memory_space<vmem>>, vector<16xi32>,
      tpu.vector_store_idx %arg13[%get3A_195], %broadcast_in_dim3A_3 {add = true} : memref<10240xf32, #tpu.memory_space<vmem>>[vector<16xi32>], vector<16xf32>,
      %get3A_196 = arith.constant 4 : i32
      %get3A_197 = arith.index_cast %get3A_196 : i32 to index
      %get3A_198 = arith.constant 64 : index
      %get3A_199 = tpu.vector_load %arg10[%get3A_197, %get3A_198] {strides = array<i32>} : memref<8x128xi32, #tpu.memory_space<vmem>>, vector<16xi32>,
      tpu.vector_store_idx %arg13[%get3A_199], %broadcast_in_dim3A_3 {add = true} : memref<10240xf32, #tpu.memory_space<vmem>>[vector<16xi32>], vector<16xf32>,
      %get3A_200 = arith.constant 4 : i32
      %get3A_201 = arith.index_cast %get3A_200 : i32 to index
      %get3A_202 = arith.constant 80 : index
      %get3A_203 = tpu.vector_load %arg10[%get3A_201, %get3A_202] {strides = array<i32>} : memref<8x128xi32, #tpu.memory_space<vmem>>, vector<16xi32>,
      tpu.vector_store_idx %arg13[%get3A_203], %broadcast_in_dim3A_3 {add = true} : memref<10240xf32, #tpu.memory_space<vmem>>[vector<16xi32>], vector<16xf32>,
      %get3A_204 = arith.constant 4 : i32
      %get3A_205 = arith.index_cast %get3A_204 : i32 to index
      %get3A_206 = arith.constant 96 : index
      %get3A_207 = tpu.vector_load %arg10[%get3A_205, %get3A_206] {strides = array<i32>} : memref<8x128xi32, #tpu.memory_space<vmem>>, vector<16xi32>,
      tpu.vector_store_idx %arg13[%get3A_207], %broadcast_in_dim3A_3 {add = true} : memref<10240xf32, #tpu.memory_space<vmem>>[vector<16xi32>], vector<16xf32>,
      %get3A_208 = arith.constant 4 : i32
      %get3A_209 = arith.index_cast %get3A_208 : i32 to index
      %get3A_210 = arith.constant 112 : index
      %get3A_211 = tpu.vector_load %arg10[%get3A_209, %get3A_210] {strides = array<i32>} : memref<8x128xi32, #tpu.memory_space<vmem>>, vector<16xi32>,
      tpu.vector_store_idx %arg13[%get3A_211], %broadcast_in_dim3A_3 {add = true} : memref<10240xf32, #tpu.memory_space<vmem>>[vector<16xi32>], vector<16xf32>,
      %get3A_212 = arith.constant 5 : i32
      %get3A_213 = arith.index_cast %get3A_212 : i32 to index
      %get3A_214 = arith.constant 0 : index
      %get3A_215 = tpu.vector_load %arg10[%get3A_213, %get3A_214] {strides = array<i32>} : memref<8x128xi32, #tpu.memory_space<vmem>>, vector<16xi32>,
      tpu.vector_store_idx %arg13[%get3A_215], %broadcast_in_dim3A_3 {add = true} : memref<10240xf32, #tpu.memory_space<vmem>>[vector<16xi32>], vector<16xf32>,
      %get3A_216 = arith.constant 5 : i32
      %get3A_217 = arith.index_cast %get3A_216 : i32 to index
      %get3A_218 = arith.constant 16 : index
      %get3A_219 = tpu.vector_load %arg10[%get3A_217, %get3A_218] {strides = array<i32>} : memref<8x128xi32, #tpu.memory_space<vmem>>, vector<16xi32>,
      tpu.vector_store_idx %arg13[%get3A_219], %broadcast_in_dim3A_3 {add = true} : memref<10240xf32, #tpu.memory_space<vmem>>[vector<16xi32>], vector<16xf32>,
      %get3A_220 = arith.constant 5 : i32
      %get3A_221 = arith.index_cast %get3A_220 : i32 to index
      %get3A_222 = arith.constant 32 : index
      %get3A_223 = tpu.vector_load %arg10[%get3A_221, %get3A_222] {strides = array<i32>} : memref<8x128xi32, #tpu.memory_space<vmem>>, vector<16xi32>,
      tpu.vector_store_idx %arg13[%get3A_223], %broadcast_in_dim3A_3 {add = true} : memref<10240xf32, #tpu.memory_space<vmem>>[vector<16xi32>], vector<16xf32>,
      %get3A_224 = arith.constant 5 : i32
      %get3A_225 = arith.index_cast %get3A_224 : i32 to index
      %get3A_226 = arith.constant 48 : index
      %get3A_227 = tpu.vector_load %arg10[%get3A_225, %get3A_226] {strides = array<i32>} : memref<8x128xi32, #tpu.memory_space<vmem>>, vector<16xi32>,
      tpu.vector_store_idx %arg13[%get3A_227], %broadcast_in_dim3A_3 {add = true} : memref<10240xf32, #tpu.memory_space<vmem>>[vector<16xi32>], vector<16xf32>,
      %get3A_228 = arith.constant 5 : i32
      %get3A_229 = arith.index_cast %get3A_228 : i32 to index
      %get3A_230 = arith.constant 64 : index
      %get3A_231 = tpu.vector_load %arg10[%get3A_229, %get3A_230] {strides = array<i32>} : memref<8x128xi32, #tpu.memory_space<vmem>>, vector<16xi32>,
      tpu.vector_store_idx %arg13[%get3A_231], %broadcast_in_dim3A_3 {add = true} : memref<10240xf32, #tpu.memory_space<vmem>>[vector<16xi32>], vector<16xf32>,
      %get3A_232 = arith.constant 5 : i32
      %get3A_233 = arith.index_cast %get3A_232 : i32 to index
      %get3A_234 = arith.constant 80 : index
      %get3A_235 = tpu.vector_load %arg10[%get3A_233, %get3A_234] {strides = array<i32>} : memref<8x128xi32, #tpu.memory_space<vmem>>, vector<16xi32>,
      tpu.vector_store_idx %arg13[%get3A_235], %broadcast_in_dim3A_3 {add = true} : memref<10240xf32, #tpu.memory_space<vmem>>[vector<16xi32>], vector<16xf32>,
      %get3A_236 = arith.constant 5 : i32
      %get3A_237 = arith.index_cast %get3A_236 : i32 to index
      %get3A_238 = arith.constant 96 : index
      %get3A_239 = tpu.vector_load %arg10[%get3A_237, %get3A_238] {strides = array<i32>} : memref<8x128xi32, #tpu.memory_space<vmem>>, vector<16xi32>,
      tpu.vector_store_idx %arg13[%get3A_239], %broadcast_in_dim3A_3 {add = true} : memref<10240xf32, #tpu.memory_space<vmem>>[vector<16xi32>], vector<16xf32>,
      %get3A_240 = arith.constant 5 : i32
      %get3A_241 = arith.index_cast %get3A_240 : i32 to index
      %get3A_242 = arith.constant 112 : index
      %get3A_243 = tpu.vector_load %arg10[%get3A_241, %get3A_242] {strides = array<i32>} : memref<8x128xi32, #tpu.memory_space<vmem>>, vector<16xi32>,
      tpu.vector_store_idx %arg13[%get3A_243], %broadcast_in_dim3A_3 {add = true} : memref<10240xf32, #tpu.memory_space<vmem>>[vector<16xi32>], vector<16xf32>,
      %get3A_244 = arith.constant 6 : i32
      %get3A_245 = arith.index_cast %get3A_244 : i32 to index
      %get3A_246 = arith.constant 0 : index
      %get3A_247 = tpu.vector_load %arg10[%get3A_245, %get3A_246] {strides = array<i32>} : memref<8x128xi32, #tpu.memory_space<vmem>>, vector<16xi32>,
      tpu.vector_store_idx %arg13[%get3A_247], %broadcast_in_dim3A_3 {add = true} : memref<10240xf32, #tpu.memory_space<vmem>>[vector<16xi32>], vector<16xf32>,
      %get3A_248 = arith.constant 6 : i32
      %get3A_249 = arith.index_cast %get3A_248 : i32 to index
      %get3A_250 = arith.constant 16 : index
      %get3A_251 = tpu.vector_load %arg10[%get3A_249, %get3A_250] {strides = array<i32>} : memref<8x128xi32, #tpu.memory_space<vmem>>, vector<16xi32>,
      tpu.vector_store_idx %arg13[%get3A_251], %broadcast_in_dim3A_3 {add = true} : memref<10240xf32, #tpu.memory_space<vmem>>[vector<16xi32>], vector<16xf32>,
      %get3A_252 = arith.constant 6 : i32
      %get3A_253 = arith.index_cast %get3A_252 : i32 to index
      %get3A_254 = arith.constant 32 : index
      %get3A_255 = tpu.vector_load %arg10[%get3A_253, %get3A_254] {strides = array<i32>} : memref<8x128xi32, #tpu.memory_space<vmem>>, vector<16xi32>,
      tpu.vector_store_idx %arg13[%get3A_255], %broadcast_in_dim3A_3 {add = true} : memref<10240xf32, #tpu.memory_space<vmem>>[vector<16xi32>], vector<16xf32>,
      %get3A_256 = arith.constant 6 : i32
      %get3A_257 = arith.index_cast %get3A_256 : i32 to index
      %get3A_258 = arith.constant 48 : index
      %get3A_259 = tpu.vector_load %arg10[%get3A_257, %get3A_258] {strides = array<i32>} : memref<8x128xi32, #tpu.memory_space<vmem>>, vector<16xi32>,
      tpu.vector_store_idx %arg13[%get3A_259], %broadcast_in_dim3A_3 {add = true} : memref<10240xf32, #tpu.memory_space<vmem>>[vector<16xi32>], vector<16xf32>,
      %get3A_260 = arith.constant 6 : i32
      %get3A_261 = arith.index_cast %get3A_260 : i32 to index
      %get3A_262 = arith.constant 64 : index
      %get3A_263 = tpu.vector_load %arg10[%get3A_261, %get3A_262] {strides = array<i32>} : memref<8x128xi32, #tpu.memory_space<vmem>>, vector<16xi32>,
      tpu.vector_store_idx %arg13[%get3A_263], %broadcast_in_dim3A_3 {add = true} : memref<10240xf32, #tpu.memory_space<vmem>>[vector<16xi32>], vector<16xf32>,
      %get3A_264 = arith.constant 6 : i32
      %get3A_265 = arith.index_cast %get3A_264 : i32 to index
      %get3A_266 = arith.constant 80 : index
      %get3A_267 = tpu.vector_load %arg10[%get3A_265, %get3A_266] {strides = array<i32>} : memref<8x128xi32, #tpu.memory_space<vmem>>, vector<16xi32>,
      tpu.vector_store_idx %arg13[%get3A_267], %broadcast_in_dim3A_3 {add = true} : memref<10240xf32, #tpu.memory_space<vmem>>[vector<16xi32>], vector<16xf32>,
      %get3A_268 = arith.constant 6 : i32
      %get3A_269 = arith.index_cast %get3A_268 : i32 to index
      %get3A_270 = arith.constant 96 : index
      %get3A_271 = tpu.vector_load %arg10[%get3A_269, %get3A_270] {strides = array<i32>} : memref<8x128xi32, #tpu.memory_space<vmem>>, vector<16xi32>,
      tpu.vector_store_idx %arg13[%get3A_271], %broadcast_in_dim3A_3 {add = true} : memref<10240xf32, #tpu.memory_space<vmem>>[vector<16xi32>], vector<16xf32>,
      %get3A_272 = arith.constant 6 : i32
      %get3A_273 = arith.index_cast %get3A_272 : i32 to index
      %get3A_274 = arith.constant 112 : index
      %get3A_275 = tpu.vector_load %arg10[%get3A_273, %get3A_274] {strides = array<i32>} : memref<8x128xi32, #tpu.memory_space<vmem>>, vector<16xi32>,
      tpu.vector_store_idx %arg13[%get3A_275], %broadcast_in_dim3A_3 {add = true} : memref<10240xf32, #tpu.memory_space<vmem>>[vector<16xi32>], vector<16xf32>,
      %get3A_276 = arith.constant 7 : i32
      %get3A_277 = arith.index_cast %get3A_276 : i32 to index
      %get3A_278 = arith.constant 0 : index
      %get3A_279 = tpu.vector_load %arg10[%get3A_277, %get3A_278] {strides = array<i32>} : memref<8x128xi32, #tpu.memory_space<vmem>>, vector<16xi32>,
      tpu.vector_store_idx %arg13[%get3A_279], %broadcast_in_dim3A_3 {add = true} : memref<10240xf32, #tpu.memory_space<vmem>>[vector<16xi32>], vector<16xf32>,
      %get3A_280 = arith.constant 7 : i32
      %get3A_281 = arith.index_cast %get3A_280 : i32 to index
      %get3A_282 = arith.constant 16 : index
      %get3A_283 = tpu.vector_load %arg10[%get3A_281, %get3A_282] {strides = array<i32>} : memref<8x128xi32, #tpu.memory_space<vmem>>, vector<16xi32>,
      tpu.vector_store_idx %arg13[%get3A_283], %broadcast_in_dim3A_3 {add = true} : memref<10240xf32, #tpu.memory_space<vmem>>[vector<16xi32>], vector<16xf32>,
      %get3A_284 = arith.constant 7 : i32
      %get3A_285 = arith.index_cast %get3A_284 : i32 to index
      %get3A_286 = arith.constant 32 : index
      %get3A_287 = tpu.vector_load %arg10[%get3A_285, %get3A_286] {strides = array<i32>} : memref<8x128xi32, #tpu.memory_space<vmem>>, vector<16xi32>,
      tpu.vector_store_idx %arg13[%get3A_287], %broadcast_in_dim3A_3 {add = true} : memref<10240xf32, #tpu.memory_space<vmem>>[vector<16xi32>], vector<16xf32>,
      %get3A_288 = arith.constant 7 : i32
      %get3A_289 = arith.index_cast %get3A_288 : i32 to index
      %get3A_290 = arith.constant 48 : index
      %get3A_291 = tpu.vector_load %arg10[%get3A_289, %get3A_290] {strides = array<i32>} : memref<8x128xi32, #tpu.memory_space<vmem>>, vector<16xi32>,
      tpu.vector_store_idx %arg13[%get3A_291], %broadcast_in_dim3A_3 {add = true} : memref<10240xf32, #tpu.memory_space<vmem>>[vector<16xi32>], vector<16xf32>,
      %get3A_292 = arith.constant 7 : i32
      %get3A_293 = arith.index_cast %get3A_292 : i32 to index
      %get3A_294 = arith.constant 64 : index
      %get3A_295 = tpu.vector_load %arg10[%get3A_293, %get3A_294] {strides = array<i32>} : memref<8x128xi32, #tpu.memory_space<vmem>>, vector<16xi32>,
      tpu.vector_store_idx %arg13[%get3A_295], %broadcast_in_dim3A_3 {add = true} : memref<10240xf32, #tpu.memory_space<vmem>>[vector<16xi32>], vector<16xf32>,
      %get3A_296 = arith.constant 7 : i32
      %get3A_297 = arith.index_cast %get3A_296 : i32 to index
      %get3A_298 = arith.constant 80 : index
      %get3A_299 = tpu.vector_load %arg10[%get3A_297, %get3A_298] {strides = array<i32>} : memref<8x128xi32, #tpu.memory_space<vmem>>, vector<16xi32>,
      tpu.vector_store_idx %arg13[%get3A_299], %broadcast_in_dim3A_3 {add = true} : memref<10240xf32, #tpu.memory_space<vmem>>[vector<16xi32>], vector<16xf32>,
      %get3A_300 = arith.constant 7 : i32
      %get3A_301 = arith.index_cast %get3A_300 : i32 to index
      %get3A_302 = arith.constant 96 : index
      %get3A_303 = tpu.vector_load %arg10[%get3A_301, %get3A_302] {strides = array<i32>} : memref<8x128xi32, #tpu.memory_space<vmem>>, vector<16xi32>,
      tpu.vector_store_idx %arg13[%get3A_303], %broadcast_in_dim3A_3 {add = true} : memref<10240xf32, #tpu.memory_space<vmem>>[vector<16xi32>], vector<16xf32>,
      %get3A_304 = arith.constant 7 : i32
      %get3A_305 = arith.index_cast %get3A_304 : i32 to index
      %get3A_306 = arith.constant 112 : index
      %get3A_307 = tpu.vector_load %arg10[%get3A_305, %get3A_306] {strides = array<i32>} : memref<8x128xi32, #tpu.memory_space<vmem>>, vector<16xi32>,
      tpu.vector_store_idx %arg13[%get3A_307], %broadcast_in_dim3A_3 {add = true} : memref<10240xf32, #tpu.memory_space<vmem>>[vector<16xi32>], vector<16xf32>,
    }
    %barrier3A_31 = arith.constant 0 : index
    tpu.barrier barrier_id(%barrier3A_31)
    "tpu.region"() ({
      %run_scoped3A = tpu.sem_alloc : memref<!tpu.dma_semaphore, #tpu.memory_space<semaphore_mem>>
      %dma_start3A = arith.constant 0 : i32
      %dma_start3A_32 = tpu.memref_slice %arg7[%arg0, %mul3A_2, %dma_start3A] : memref<2x10240x128xf32, #tpu.memory_space<hbm>> -> memref<1x640x128xf32, #tpu.memory_space<hbm>>
      %dma_start3A_33 = tpu.memref_squeeze %dma_start3A_32 : memref<1x640x128xf32, #tpu.memory_space<hbm>> -> memref<640x128xf32, #tpu.memory_space<hbm>>
      %dma_start3A_34 = arith.constant 0 : i32
      %dma_start3A_35 = tpu.memref_slice %arg14[%mul3A_2, %dma_start3A_34] : memref<10240x128xf32, #tpu.memory_space<vmem_shared>> -> memref<640x128xf32, #tpu.memory_space<vmem_shared>>
      tpu.enqueue_dma source(%dma_start3A_35 : memref<640x128xf32, #tpu.memory_space<vmem_shared>>) target(%dma_start3A_33 : memref<640x128xf32, #tpu.memory_space<hbm>>) target_semaphore(%run_scoped3A : memref<!tpu.dma_semaphore, #tpu.memory_space<semaphore_mem>>)
      %dma_wait3A = arith.constant 0 : i32
      %dma_wait3A_36 = tpu.memref_slice %arg7[%arg0, %mul3A_2, %dma_wait3A] : memref<2x10240x128xf32, #tpu.memory_space<hbm>> -> memref<1x640x128xf32, #tpu.memory_space<hbm>>
      %dma_wait3A_37 = tpu.memref_squeeze %dma_wait3A_36 : memref<1x640x128xf32, #tpu.memory_space<hbm>> -> memref<640x128xf32, #tpu.memory_space<hbm>>
      %dma_wait3A_38 = arith.constant 0 : i32
      %dma_wait3A_39 = tpu.memref_slice %arg14[%mul3A_2, %dma_wait3A_38] : memref<10240x128xf32, #tpu.memory_space<vmem_shared>> -> memref<640x128xf32, #tpu.memory_space<vmem_shared>>
      tpu.wait_dma2 semaphore(%run_scoped3A : memref<!tpu.dma_semaphore, #tpu.memory_space<semaphore_mem>>) src(%dma_wait3A_39 : memref<640x128xf32, #tpu.memory_space<vmem_shared>>) dst(%dma_wait3A_37 : memref<640x128xf32, #tpu.memory_space<hbm>>)
      tpu.yield
    }) : () -> ()
    "tpu.region"() ({
      %run_scoped3A = tpu.sem_alloc : memref<!tpu.dma_semaphore, #tpu.memory_space<semaphore_mem>>
      %dma_start3A = arith.constant 0 : i32
      %dma_start3A_32 = tpu.memref_slice %arg8[%add3A, %dma_start3A] : memref<32x10240xf32, #tpu.memory_space<hbm>> -> memref<1x10240xf32, #tpu.memory_space<hbm>>
      %dma_start3A_33 = tpu.memref_squeeze %dma_start3A_32 : memref<1x10240xf32, #tpu.memory_space<hbm>> -> memref<10240xf32, #tpu.memory_space<hbm>>
      %dma_start3A_34 = arith.constant 0 : i32
      %dma_start3A_35 = tpu.memref_slice %arg8[%add3A, %dma_start3A_34] : memref<32x10240xf32, #tpu.memory_space<hbm>> -> memref<1x10240xf32, #tpu.memory_space<hbm>>
      %dma_start3A_36 = tpu.memref_squeeze %dma_start3A_35 : memref<1x10240xf32, #tpu.memory_space<hbm>> -> memref<10240xf32, #tpu.memory_space<hbm>>
      tpu.enqueue_dma source(%arg13 : memref<10240xf32, #tpu.memory_space<vmem>>) target(%dma_start3A_36 : memref<10240xf32, #tpu.memory_space<hbm>>) target_semaphore(%run_scoped3A : memref<!tpu.dma_semaphore, #tpu.memory_space<semaphore_mem>>)
      %dma_wait3A = arith.constant 0 : i32
      %dma_wait3A_37 = tpu.memref_slice %arg8[%add3A, %dma_wait3A] : memref<32x10240xf32, #tpu.memory_space<hbm>> -> memref<1x10240xf32, #tpu.memory_space<hbm>>
      %dma_wait3A_38 = tpu.memref_squeeze %dma_wait3A_37 : memref<1x10240xf32, #tpu.memory_space<hbm>> -> memref<10240xf32, #tpu.memory_space<hbm>>
      %dma_wait3A_39 = arith.constant 0 : i32
      %dma_wait3A_40 = tpu.memref_slice %arg8[%add3A, %dma_wait3A_39] : memref<32x10240xf32, #tpu.memory_space<hbm>> -> memref<1x10240xf32, #tpu.memory_space<hbm>>
      %dma_wait3A_41 = tpu.memref_squeeze %dma_wait3A_40 : memref<1x10240xf32, #tpu.memory_space<hbm>> -> memref<10240xf32, #tpu.memory_space<hbm>>
      tpu.wait_dma2 semaphore(%run_scoped3A : memref<!tpu.dma_semaphore, #tpu.memory_space<semaphore_mem>>) src(%arg13 : memref<10240xf32, #tpu.memory_space<vmem>>) dst(%dma_wait3A_41 : memref<10240xf32, #tpu.memory_space<hbm>>)
      tpu.yield
    }) : () -> ()
    return
  }
}

#map = affine_map<(d0, d1) -> (0, 0)>
#map1 = affine_map<(d0, d1) -> (0, 0, 0)>
module attributes {stable_mosaic.version = 14 : i64} {
  func.func @_sc_body_nocnt(%arg0: i32, %arg1: i32, %arg2: memref<10240x128xf32, #tpu.memory_space<hbm>>, %arg3: memref<2560x128xi32, #tpu.memory_space<hbm>>, %arg4: memref<2560x128xi32, #tpu.memory_space<hbm>>, %arg5: memref<10240x128xf32, #tpu.memory_space<hbm>>, %arg6: memref<2x10240x128xf32, #tpu.memory_space<hbm>>, %arg7: memref<8x128xi32, #tpu.memory_space<vmem>>, %arg8: memref<8x128xi32, #tpu.memory_space<vmem>>, %arg9: memref<128x128xf32, #tpu.memory_space<vmem>>, %arg10: memref<128x128xf32, #tpu.memory_space<vmem>>, %arg11: memref<10240x128xf32, #tpu.memory_space<vmem_shared>>) attributes {dimension_semantics = [#tpu.dimension_semantics<core_parallel>, #tpu.dimension_semantics<subcore_parallel>], iteration_bounds = array<i64: 2, 16>, scalar_prefetch = 0 : i64, scratch_operands = 5 : i64, tpu.core_type = #tpu.core_type<sc_vector_subcore>, window_params = [{transform_indices = #map}, {transform_indices = #map}, {transform_indices = #map}, {transform_indices = #map}, {transform_indices = #map1}]} {
    %mul3A = arith.constant 2 : i32
    %mul3A_0 = arith.muli %arg1, %mul3A : i32
    %add3A = arith.addi %mul3A_0, %arg0 : i32
    %mul3A_1 = arith.constant 640 : i32
    %mul3A_2 = arith.muli %arg1, %mul3A_1 : i32
    "tpu.region"() ({
      %run_scoped3A = tpu.sem_alloc : memref<!tpu.dma_semaphore, #tpu.memory_space<semaphore_mem>>
      %dma_start3A = arith.constant 0 : i32
      %dma_start3A_31 = tpu.memref_slice %arg11[%mul3A_2, %dma_start3A] : memref<10240x128xf32, #tpu.memory_space<vmem_shared>> -> memref<640x128xf32, #tpu.memory_space<vmem_shared>>
      %dma_start3A_32 = arith.constant 0 : i32
      %dma_start3A_33 = tpu.memref_slice %arg5[%mul3A_2, %dma_start3A_32] : memref<10240x128xf32, #tpu.memory_space<hbm>> -> memref<640x128xf32, #tpu.memory_space<hbm>>
      tpu.enqueue_dma source(%dma_start3A_33 : memref<640x128xf32, #tpu.memory_space<hbm>>) target(%dma_start3A_31 : memref<640x128xf32, #tpu.memory_space<vmem_shared>>) target_semaphore(%run_scoped3A : memref<!tpu.dma_semaphore, #tpu.memory_space<semaphore_mem>>)
      %dma_wait3A = arith.constant 0 : i32
      %dma_wait3A_34 = tpu.memref_slice %arg11[%mul3A_2, %dma_wait3A] : memref<10240x128xf32, #tpu.memory_space<vmem_shared>> -> memref<640x128xf32, #tpu.memory_space<vmem_shared>>
      %dma_wait3A_35 = arith.constant 0 : i32
      %dma_wait3A_36 = tpu.memref_slice %arg5[%mul3A_2, %dma_wait3A_35] : memref<10240x128xf32, #tpu.memory_space<hbm>> -> memref<640x128xf32, #tpu.memory_space<hbm>>
      tpu.wait_dma2 semaphore(%run_scoped3A : memref<!tpu.dma_semaphore, #tpu.memory_space<semaphore_mem>>) src(%dma_wait3A_36 : memref<640x128xf32, #tpu.memory_space<hbm>>) dst(%dma_wait3A_34 : memref<640x128xf32, #tpu.memory_space<vmem_shared>>)
      tpu.yield
    }) : () -> ()
    %barrier3A = arith.constant 0 : index
    tpu.barrier barrier_id(%barrier3A)
    %eq3A = arith.constant 0 : i32
    %eq3A_3 = arith.cmpi eq, %arg0, %eq3A : i32
    %jit3A = arith.constant 20 : i32
    %jit3A_4 = arith.constant 0 : i32
    %select_n3A = arith.select %eq3A_3, %jit3A, %jit3A_4 : i32
    %eq3A_5 = arith.constant 0 : i32
    %eq3A_6 = arith.cmpi eq, %arg0, %eq3A_5 : i32
    %mul3A_7 = arith.constant 160 : i32
    %mul3A_8 = arith.muli %arg1, %mul3A_7 : i32
    %mul3A_9 = arith.constant 0 : i32
    %mul3A_10 = arith.muli %arg1, %mul3A_9 : i32
    %add3A_11 = arith.constant 2560 : i32
    %add3A_12 = arith.addi %add3A_11, %mul3A_10 : i32
    %select_n3A_13 = arith.select %eq3A_6, %mul3A_8, %add3A_12 : i32
    %sub3A = arith.constant 0 : i32
    %sub3A_14 = arith.subi %select_n3A, %sub3A : i32
    %sub3A_15 = arith.constant 1 : i32
    %sub3A_16 = arith.constant 1 : i32
    %sub3A_17 = arith.subi %sub3A_15, %sub3A_16 : i32
    %add3A_18 = arith.addi %sub3A_14, %sub3A_17 : i32
    %div3A = arith.constant 1 : i32
    %div3A_19 = arith.divsi %add3A_18, %div3A : i32
    %while3A = arith.constant 1 : i32
    %while3A_20 = arith.constant 0 : i32
    %while3A_21 = arith.constant 0 : i32
    %while3A_22 = arith.subi %div3A_19, %while3A_21 : i32
    %while3A_23 = arith.addi %while3A_21, %while3A_22 : i32
    %while3A_24 = arith.constant 1 : i32
    %while3A_25 = arith.divsi %while3A_22, %while3A_24 : i32
    %while3A_26 = arith.muli %while3A_25, %while3A_24 : i32
    %while3A_27 = arith.addi %while3A_21, %while3A_26 : i32
    %while3A_28 = arith.constant 1 : i32
    scf.for %while3A_31 = %while3A_21 to %while3A_27 step %while3A_28  : i32 {
      %mul3A_32 = arith.muli %while3A_31, %while3A : i32
      %add3A_33 = arith.addi %while3A_20, %mul3A_32 : i32
      %mul3A_34 = arith.constant 8 : i32
      %mul3A_35 = arith.muli %add3A_33, %mul3A_34 : i32
      %add3A_36 = arith.addi %select_n3A_13, %mul3A_35 : i32
      %multiple_of3A = tpu.assume_multiple %add3A_36, 8 : i32
      "tpu.region"() ({
        %run_scoped3A_52 = tpu.sem_alloc : memref<!tpu.dma_semaphore, #tpu.memory_space<semaphore_mem>>
        %dma_start3A = arith.constant 0 : i32
        %dma_start3A_53 = tpu.memref_slice %arg3[%multiple_of3A, %dma_start3A] : memref<2560x128xi32, #tpu.memory_space<hbm>> -> memref<8x128xi32, #tpu.memory_space<hbm>>
        %dma_start3A_54 = arith.constant 0 : i32
        %dma_start3A_55 = tpu.memref_slice %arg3[%multiple_of3A, %dma_start3A_54] : memref<2560x128xi32, #tpu.memory_space<hbm>> -> memref<8x128xi32, #tpu.memory_space<hbm>>
        tpu.enqueue_dma source(%dma_start3A_55 : memref<8x128xi32, #tpu.memory_space<hbm>>) target(%arg7 : memref<8x128xi32, #tpu.memory_space<vmem>>) target_semaphore(%run_scoped3A_52 : memref<!tpu.dma_semaphore, #tpu.memory_space<semaphore_mem>>)
        %dma_wait3A = arith.constant 0 : i32
        %dma_wait3A_56 = tpu.memref_slice %arg3[%multiple_of3A, %dma_wait3A] : memref<2560x128xi32, #tpu.memory_space<hbm>> -> memref<8x128xi32, #tpu.memory_space<hbm>>
        %dma_wait3A_57 = arith.constant 0 : i32
        %dma_wait3A_58 = tpu.memref_slice %arg3[%multiple_of3A, %dma_wait3A_57] : memref<2560x128xi32, #tpu.memory_space<hbm>> -> memref<8x128xi32, #tpu.memory_space<hbm>>
        tpu.wait_dma2 semaphore(%run_scoped3A_52 : memref<!tpu.dma_semaphore, #tpu.memory_space<semaphore_mem>>) src(%dma_wait3A_58 : memref<8x128xi32, #tpu.memory_space<hbm>>) dst(%arg7 : memref<8x128xi32, #tpu.memory_space<vmem>>)
        tpu.yield
      }) : () -> ()
      "tpu.region"() ({
        %run_scoped3A_52 = tpu.sem_alloc : memref<!tpu.dma_semaphore, #tpu.memory_space<semaphore_mem>>
        %dma_start3A = arith.constant 0 : i32
        %dma_start3A_53 = tpu.memref_slice %arg4[%multiple_of3A, %dma_start3A] : memref<2560x128xi32, #tpu.memory_space<hbm>> -> memref<8x128xi32, #tpu.memory_space<hbm>>
        %dma_start3A_54 = arith.constant 0 : i32
        %dma_start3A_55 = tpu.memref_slice %arg4[%multiple_of3A, %dma_start3A_54] : memref<2560x128xi32, #tpu.memory_space<hbm>> -> memref<8x128xi32, #tpu.memory_space<hbm>>
        tpu.enqueue_dma source(%dma_start3A_55 : memref<8x128xi32, #tpu.memory_space<hbm>>) target(%arg8 : memref<8x128xi32, #tpu.memory_space<vmem>>) target_semaphore(%run_scoped3A_52 : memref<!tpu.dma_semaphore, #tpu.memory_space<semaphore_mem>>)
        %dma_wait3A = arith.constant 0 : i32
        %dma_wait3A_56 = tpu.memref_slice %arg4[%multiple_of3A, %dma_wait3A] : memref<2560x128xi32, #tpu.memory_space<hbm>> -> memref<8x128xi32, #tpu.memory_space<hbm>>
        %dma_wait3A_57 = arith.constant 0 : i32
        %dma_wait3A_58 = tpu.memref_slice %arg4[%multiple_of3A, %dma_wait3A_57] : memref<2560x128xi32, #tpu.memory_space<hbm>> -> memref<8x128xi32, #tpu.memory_space<hbm>>
        tpu.wait_dma2 semaphore(%run_scoped3A_52 : memref<!tpu.dma_semaphore, #tpu.memory_space<semaphore_mem>>) src(%dma_wait3A_58 : memref<8x128xi32, #tpu.memory_space<hbm>>) dst(%arg8 : memref<8x128xi32, #tpu.memory_space<vmem>>)
        tpu.yield
      }) : () -> ()
      %run_scoped3A = arith.constant 0 : i32
      "tpu.region"() ({
        %run_scoped3A_52 = tpu.sem_alloc : memref<!tpu.dma_semaphore, #tpu.memory_space<semaphore_mem>>
        %dma_start3A = arith.constant 0 : i32
        %dma_start3A_53 = tpu.memref_slice %arg7[%run_scoped3A, %dma_start3A] : memref<8x128xi32, #tpu.memory_space<vmem>> -> memref<1x128xi32, #tpu.memory_space<vmem>>
        %dma_start3A_54 = tpu.memref_squeeze %dma_start3A_53 : memref<1x128xi32, #tpu.memory_space<vmem>> -> memref<128xi32, #tpu.memory_space<vmem>>
        %dma_start3A_55 = arith.constant 0 : i32
        %dma_start3A_56 = arith.constant 0 : i32
        %dma_start3A_57 = tpu.memref_slice %arg2[%dma_start3A_55, %dma_start3A_56] : memref<10240x128xf32, #tpu.memory_space<hbm>> -> memref<10240x128xf32, #tpu.memory_space<hbm>>
        tpu.enqueue_indirect_dma source(%dma_start3A_57 : memref<10240x128xf32, #tpu.memory_space<hbm>>) target(%arg9 : memref<128x128xf32, #tpu.memory_space<vmem>>) offsets(%dma_start3A_54 : memref<128xi32, #tpu.memory_space<vmem>>) semaphore(%run_scoped3A_52 : memref<!tpu.dma_semaphore, #tpu.memory_space<semaphore_mem>>)
        %dma_wait3A = arith.constant 0 : i32
        %dma_wait3A_58 = tpu.memref_slice %arg7[%run_scoped3A, %dma_wait3A] : memref<8x128xi32, #tpu.memory_space<vmem>> -> memref<1x128xi32, #tpu.memory_space<vmem>>
        %dma_wait3A_59 = tpu.memref_squeeze %dma_wait3A_58 : memref<1x128xi32, #tpu.memory_space<vmem>> -> memref<128xi32, #tpu.memory_space<vmem>>
        %dma_wait3A_60 = arith.constant 0 : i32
        %dma_wait3A_61 = arith.constant 0 : i32
        %dma_wait3A_62 = tpu.memref_slice %arg2[%dma_wait3A_60, %dma_wait3A_61] : memref<10240x128xf32, #tpu.memory_space<hbm>> -> memref<10240x128xf32, #tpu.memory_space<hbm>>
        tpu.wait_indirect_dma semaphore(%run_scoped3A_52 : memref<!tpu.dma_semaphore, #tpu.memory_space<semaphore_mem>>) src(%dma_wait3A_62 : memref<10240x128xf32, #tpu.memory_space<hbm>>) dst(%arg9 : memref<128x128xf32, #tpu.memory_space<vmem>>)
        tpu.yield
      }) : () -> ()
      %run_scoped3A_37 = arith.constant 0 : i32
      "tpu.region"() ({
        %run_scoped3A_52 = tpu.sem_alloc : memref<!tpu.dma_semaphore, #tpu.memory_space<semaphore_mem>>
        %dma_start3A = arith.constant 0 : i32
        %dma_start3A_53 = tpu.memref_slice %arg8[%run_scoped3A_37, %dma_start3A] : memref<8x128xi32, #tpu.memory_space<vmem>> -> memref<1x128xi32, #tpu.memory_space<vmem>>
        %dma_start3A_54 = tpu.memref_squeeze %dma_start3A_53 : memref<1x128xi32, #tpu.memory_space<vmem>> -> memref<128xi32, #tpu.memory_space<vmem>>
        %dma_start3A_55 = arith.constant 0 : i32
        %dma_start3A_56 = arith.constant 0 : i32
        %dma_start3A_57 = tpu.memref_slice %arg11[%dma_start3A_55, %dma_start3A_56] : memref<10240x128xf32, #tpu.memory_space<vmem_shared>> -> memref<10240x128xf32, #tpu.memory_space<vmem_shared>>
        tpu.enqueue_indirect_dma source(%arg9 : memref<128x128xf32, #tpu.memory_space<vmem>>) target(%dma_start3A_57 : memref<10240x128xf32, #tpu.memory_space<vmem_shared>>) offsets(%dma_start3A_54 : memref<128xi32, #tpu.memory_space<vmem>>) semaphore(%run_scoped3A_52 : memref<!tpu.dma_semaphore, #tpu.memory_space<semaphore_mem>>) {add = true}
        %dma_wait3A = arith.constant 0 : i32
        %dma_wait3A_58 = tpu.memref_slice %arg8[%run_scoped3A_37, %dma_wait3A] : memref<8x128xi32, #tpu.memory_space<vmem>> -> memref<1x128xi32, #tpu.memory_space<vmem>>
        %dma_wait3A_59 = tpu.memref_squeeze %dma_wait3A_58 : memref<1x128xi32, #tpu.memory_space<vmem>> -> memref<128xi32, #tpu.memory_space<vmem>>
        %dma_wait3A_60 = arith.constant 0 : i32
        %dma_wait3A_61 = arith.constant 0 : i32
        %dma_wait3A_62 = tpu.memref_slice %arg11[%dma_wait3A_60, %dma_wait3A_61] : memref<10240x128xf32, #tpu.memory_space<vmem_shared>> -> memref<10240x128xf32, #tpu.memory_space<vmem_shared>>
        tpu.wait_indirect_dma semaphore(%run_scoped3A_52 : memref<!tpu.dma_semaphore, #tpu.memory_space<semaphore_mem>>) src(%arg9 : memref<128x128xf32, #tpu.memory_space<vmem>>) dst(%dma_wait3A_62 : memref<10240x128xf32, #tpu.memory_space<vmem_shared>>)
        tpu.yield
      }) : () -> ()
      %run_scoped3A_38 = arith.constant 1 : i32
      "tpu.region"() ({
        %run_scoped3A_52 = tpu.sem_alloc : memref<!tpu.dma_semaphore, #tpu.memory_space<semaphore_mem>>
        %dma_start3A = arith.constant 0 : i32
        %dma_start3A_53 = tpu.memref_slice %arg7[%run_scoped3A_38, %dma_start3A] : memref<8x128xi32, #tpu.memory_space<vmem>> -> memref<1x128xi32, #tpu.memory_space<vmem>>
        %dma_start3A_54 = tpu.memref_squeeze %dma_start3A_53 : memref<1x128xi32, #tpu.memory_space<vmem>> -> memref<128xi32, #tpu.memory_space<vmem>>
        %dma_start3A_55 = arith.constant 0 : i32
        %dma_start3A_56 = arith.constant 0 : i32
        %dma_start3A_57 = tpu.memref_slice %arg2[%dma_start3A_55, %dma_start3A_56] : memref<10240x128xf32, #tpu.memory_space<hbm>> -> memref<10240x128xf32, #tpu.memory_space<hbm>>
        tpu.enqueue_indirect_dma source(%dma_start3A_57 : memref<10240x128xf32, #tpu.memory_space<hbm>>) target(%arg10 : memref<128x128xf32, #tpu.memory_space<vmem>>) offsets(%dma_start3A_54 : memref<128xi32, #tpu.memory_space<vmem>>) semaphore(%run_scoped3A_52 : memref<!tpu.dma_semaphore, #tpu.memory_space<semaphore_mem>>)
        %dma_wait3A = arith.constant 0 : i32
        %dma_wait3A_58 = tpu.memref_slice %arg7[%run_scoped3A_38, %dma_wait3A] : memref<8x128xi32, #tpu.memory_space<vmem>> -> memref<1x128xi32, #tpu.memory_space<vmem>>
        %dma_wait3A_59 = tpu.memref_squeeze %dma_wait3A_58 : memref<1x128xi32, #tpu.memory_space<vmem>> -> memref<128xi32, #tpu.memory_space<vmem>>
        %dma_wait3A_60 = arith.constant 0 : i32
        %dma_wait3A_61 = arith.constant 0 : i32
        %dma_wait3A_62 = tpu.memref_slice %arg2[%dma_wait3A_60, %dma_wait3A_61] : memref<10240x128xf32, #tpu.memory_space<hbm>> -> memref<10240x128xf32, #tpu.memory_space<hbm>>
        tpu.wait_indirect_dma semaphore(%run_scoped3A_52 : memref<!tpu.dma_semaphore, #tpu.memory_space<semaphore_mem>>) src(%dma_wait3A_62 : memref<10240x128xf32, #tpu.memory_space<hbm>>) dst(%arg10 : memref<128x128xf32, #tpu.memory_space<vmem>>)
        tpu.yield
      }) : () -> ()
      %run_scoped3A_39 = arith.constant 1 : i32
      "tpu.region"() ({
        %run_scoped3A_52 = tpu.sem_alloc : memref<!tpu.dma_semaphore, #tpu.memory_space<semaphore_mem>>
        %dma_start3A = arith.constant 0 : i32
        %dma_start3A_53 = tpu.memref_slice %arg8[%run_scoped3A_39, %dma_start3A] : memref<8x128xi32, #tpu.memory_space<vmem>> -> memref<1x128xi32, #tpu.memory_space<vmem>>
        %dma_start3A_54 = tpu.memref_squeeze %dma_start3A_53 : memref<1x128xi32, #tpu.memory_space<vmem>> -> memref<128xi32, #tpu.memory_space<vmem>>
        %dma_start3A_55 = arith.constant 0 : i32
        %dma_start3A_56 = arith.constant 0 : i32
        %dma_start3A_57 = tpu.memref_slice %arg11[%dma_start3A_55, %dma_start3A_56] : memref<10240x128xf32, #tpu.memory_space<vmem_shared>> -> memref<10240x128xf32, #tpu.memory_space<vmem_shared>>
        tpu.enqueue_indirect_dma source(%arg10 : memref<128x128xf32, #tpu.memory_space<vmem>>) target(%dma_start3A_57 : memref<10240x128xf32, #tpu.memory_space<vmem_shared>>) offsets(%dma_start3A_54 : memref<128xi32, #tpu.memory_space<vmem>>) semaphore(%run_scoped3A_52 : memref<!tpu.dma_semaphore, #tpu.memory_space<semaphore_mem>>) {add = true}
        %dma_wait3A = arith.constant 0 : i32
        %dma_wait3A_58 = tpu.memref_slice %arg8[%run_scoped3A_39, %dma_wait3A] : memref<8x128xi32, #tpu.memory_space<vmem>> -> memref<1x128xi32, #tpu.memory_space<vmem>>
        %dma_wait3A_59 = tpu.memref_squeeze %dma_wait3A_58 : memref<1x128xi32, #tpu.memory_space<vmem>> -> memref<128xi32, #tpu.memory_space<vmem>>
        %dma_wait3A_60 = arith.constant 0 : i32
        %dma_wait3A_61 = arith.constant 0 : i32
        %dma_wait3A_62 = tpu.memref_slice %arg11[%dma_wait3A_60, %dma_wait3A_61] : memref<10240x128xf32, #tpu.memory_space<vmem_shared>> -> memref<10240x128xf32, #tpu.memory_space<vmem_shared>>
        tpu.wait_indirect_dma semaphore(%run_scoped3A_52 : memref<!tpu.dma_semaphore, #tpu.memory_space<semaphore_mem>>) src(%arg10 : memref<128x128xf32, #tpu.memory_space<vmem>>) dst(%dma_wait3A_62 : memref<10240x128xf32, #tpu.memory_space<vmem_shared>>)
        tpu.yield
      }) : () -> ()
      %run_scoped3A_40 = arith.constant 2 : i32
      "tpu.region"() ({
        %run_scoped3A_52 = tpu.sem_alloc : memref<!tpu.dma_semaphore, #tpu.memory_space<semaphore_mem>>
        %dma_start3A = arith.constant 0 : i32
        %dma_start3A_53 = tpu.memref_slice %arg7[%run_scoped3A_40, %dma_start3A] : memref<8x128xi32, #tpu.memory_space<vmem>> -> memref<1x128xi32, #tpu.memory_space<vmem>>
        %dma_start3A_54 = tpu.memref_squeeze %dma_start3A_53 : memref<1x128xi32, #tpu.memory_space<vmem>> -> memref<128xi32, #tpu.memory_space<vmem>>
        %dma_start3A_55 = arith.constant 0 : i32
        %dma_start3A_56 = arith.constant 0 : i32
        %dma_start3A_57 = tpu.memref_slice %arg2[%dma_start3A_55, %dma_start3A_56] : memref<10240x128xf32, #tpu.memory_space<hbm>> -> memref<10240x128xf32, #tpu.memory_space<hbm>>
        tpu.enqueue_indirect_dma source(%dma_start3A_57 : memref<10240x128xf32, #tpu.memory_space<hbm>>) target(%arg9 : memref<128x128xf32, #tpu.memory_space<vmem>>) offsets(%dma_start3A_54 : memref<128xi32, #tpu.memory_space<vmem>>) semaphore(%run_scoped3A_52 : memref<!tpu.dma_semaphore, #tpu.memory_space<semaphore_mem>>)
        %dma_wait3A = arith.constant 0 : i32
        %dma_wait3A_58 = tpu.memref_slice %arg7[%run_scoped3A_40, %dma_wait3A] : memref<8x128xi32, #tpu.memory_space<vmem>> -> memref<1x128xi32, #tpu.memory_space<vmem>>
        %dma_wait3A_59 = tpu.memref_squeeze %dma_wait3A_58 : memref<1x128xi32, #tpu.memory_space<vmem>> -> memref<128xi32, #tpu.memory_space<vmem>>
        %dma_wait3A_60 = arith.constant 0 : i32
        %dma_wait3A_61 = arith.constant 0 : i32
        %dma_wait3A_62 = tpu.memref_slice %arg2[%dma_wait3A_60, %dma_wait3A_61] : memref<10240x128xf32, #tpu.memory_space<hbm>> -> memref<10240x128xf32, #tpu.memory_space<hbm>>
        tpu.wait_indirect_dma semaphore(%run_scoped3A_52 : memref<!tpu.dma_semaphore, #tpu.memory_space<semaphore_mem>>) src(%dma_wait3A_62 : memref<10240x128xf32, #tpu.memory_space<hbm>>) dst(%arg9 : memref<128x128xf32, #tpu.memory_space<vmem>>)
        tpu.yield
      }) : () -> ()
      %run_scoped3A_41 = arith.constant 2 : i32
      "tpu.region"() ({
        %run_scoped3A_52 = tpu.sem_alloc : memref<!tpu.dma_semaphore, #tpu.memory_space<semaphore_mem>>
        %dma_start3A = arith.constant 0 : i32
        %dma_start3A_53 = tpu.memref_slice %arg8[%run_scoped3A_41, %dma_start3A] : memref<8x128xi32, #tpu.memory_space<vmem>> -> memref<1x128xi32, #tpu.memory_space<vmem>>
        %dma_start3A_54 = tpu.memref_squeeze %dma_start3A_53 : memref<1x128xi32, #tpu.memory_space<vmem>> -> memref<128xi32, #tpu.memory_space<vmem>>
        %dma_start3A_55 = arith.constant 0 : i32
        %dma_start3A_56 = arith.constant 0 : i32
        %dma_start3A_57 = tpu.memref_slice %arg11[%dma_start3A_55, %dma_start3A_56] : memref<10240x128xf32, #tpu.memory_space<vmem_shared>> -> memref<10240x128xf32, #tpu.memory_space<vmem_shared>>
        tpu.enqueue_indirect_dma source(%arg9 : memref<128x128xf32, #tpu.memory_space<vmem>>) target(%dma_start3A_57 : memref<10240x128xf32, #tpu.memory_space<vmem_shared>>) offsets(%dma_start3A_54 : memref<128xi32, #tpu.memory_space<vmem>>) semaphore(%run_scoped3A_52 : memref<!tpu.dma_semaphore, #tpu.memory_space<semaphore_mem>>) {add = true}
        %dma_wait3A = arith.constant 0 : i32
        %dma_wait3A_58 = tpu.memref_slice %arg8[%run_scoped3A_41, %dma_wait3A] : memref<8x128xi32, #tpu.memory_space<vmem>> -> memref<1x128xi32, #tpu.memory_space<vmem>>
        %dma_wait3A_59 = tpu.memref_squeeze %dma_wait3A_58 : memref<1x128xi32, #tpu.memory_space<vmem>> -> memref<128xi32, #tpu.memory_space<vmem>>
        %dma_wait3A_60 = arith.constant 0 : i32
        %dma_wait3A_61 = arith.constant 0 : i32
        %dma_wait3A_62 = tpu.memref_slice %arg11[%dma_wait3A_60, %dma_wait3A_61] : memref<10240x128xf32, #tpu.memory_space<vmem_shared>> -> memref<10240x128xf32, #tpu.memory_space<vmem_shared>>
        tpu.wait_indirect_dma semaphore(%run_scoped3A_52 : memref<!tpu.dma_semaphore, #tpu.memory_space<semaphore_mem>>) src(%arg9 : memref<128x128xf32, #tpu.memory_space<vmem>>) dst(%dma_wait3A_62 : memref<10240x128xf32, #tpu.memory_space<vmem_shared>>)
        tpu.yield
      }) : () -> ()
      %run_scoped3A_42 = arith.constant 3 : i32
      "tpu.region"() ({
        %run_scoped3A_52 = tpu.sem_alloc : memref<!tpu.dma_semaphore, #tpu.memory_space<semaphore_mem>>
        %dma_start3A = arith.constant 0 : i32
        %dma_start3A_53 = tpu.memref_slice %arg7[%run_scoped3A_42, %dma_start3A] : memref<8x128xi32, #tpu.memory_space<vmem>> -> memref<1x128xi32, #tpu.memory_space<vmem>>
        %dma_start3A_54 = tpu.memref_squeeze %dma_start3A_53 : memref<1x128xi32, #tpu.memory_space<vmem>> -> memref<128xi32, #tpu.memory_space<vmem>>
        %dma_start3A_55 = arith.constant 0 : i32
        %dma_start3A_56 = arith.constant 0 : i32
        %dma_start3A_57 = tpu.memref_slice %arg2[%dma_start3A_55, %dma_start3A_56] : memref<10240x128xf32, #tpu.memory_space<hbm>> -> memref<10240x128xf32, #tpu.memory_space<hbm>>
        tpu.enqueue_indirect_dma source(%dma_start3A_57 : memref<10240x128xf32, #tpu.memory_space<hbm>>) target(%arg10 : memref<128x128xf32, #tpu.memory_space<vmem>>) offsets(%dma_start3A_54 : memref<128xi32, #tpu.memory_space<vmem>>) semaphore(%run_scoped3A_52 : memref<!tpu.dma_semaphore, #tpu.memory_space<semaphore_mem>>)
        %dma_wait3A = arith.constant 0 : i32
        %dma_wait3A_58 = tpu.memref_slice %arg7[%run_scoped3A_42, %dma_wait3A] : memref<8x128xi32, #tpu.memory_space<vmem>> -> memref<1x128xi32, #tpu.memory_space<vmem>>
        %dma_wait3A_59 = tpu.memref_squeeze %dma_wait3A_58 : memref<1x128xi32, #tpu.memory_space<vmem>> -> memref<128xi32, #tpu.memory_space<vmem>>
        %dma_wait3A_60 = arith.constant 0 : i32
        %dma_wait3A_61 = arith.constant 0 : i32
        %dma_wait3A_62 = tpu.memref_slice %arg2[%dma_wait3A_60, %dma_wait3A_61] : memref<10240x128xf32, #tpu.memory_space<hbm>> -> memref<10240x128xf32, #tpu.memory_space<hbm>>
        tpu.wait_indirect_dma semaphore(%run_scoped3A_52 : memref<!tpu.dma_semaphore, #tpu.memory_space<semaphore_mem>>) src(%dma_wait3A_62 : memref<10240x128xf32, #tpu.memory_space<hbm>>) dst(%arg10 : memref<128x128xf32, #tpu.memory_space<vmem>>)
        tpu.yield
      }) : () -> ()
      %run_scoped3A_43 = arith.constant 3 : i32
      "tpu.region"() ({
        %run_scoped3A_52 = tpu.sem_alloc : memref<!tpu.dma_semaphore, #tpu.memory_space<semaphore_mem>>
        %dma_start3A = arith.constant 0 : i32
        %dma_start3A_53 = tpu.memref_slice %arg8[%run_scoped3A_43, %dma_start3A] : memref<8x128xi32, #tpu.memory_space<vmem>> -> memref<1x128xi32, #tpu.memory_space<vmem>>
        %dma_start3A_54 = tpu.memref_squeeze %dma_start3A_53 : memref<1x128xi32, #tpu.memory_space<vmem>> -> memref<128xi32, #tpu.memory_space<vmem>>
        %dma_start3A_55 = arith.constant 0 : i32
        %dma_start3A_56 = arith.constant 0 : i32
        %dma_start3A_57 = tpu.memref_slice %arg11[%dma_start3A_55, %dma_start3A_56] : memref<10240x128xf32, #tpu.memory_space<vmem_shared>> -> memref<10240x128xf32, #tpu.memory_space<vmem_shared>>
        tpu.enqueue_indirect_dma source(%arg10 : memref<128x128xf32, #tpu.memory_space<vmem>>) target(%dma_start3A_57 : memref<10240x128xf32, #tpu.memory_space<vmem_shared>>) offsets(%dma_start3A_54 : memref<128xi32, #tpu.memory_space<vmem>>) semaphore(%run_scoped3A_52 : memref<!tpu.dma_semaphore, #tpu.memory_space<semaphore_mem>>) {add = true}
        %dma_wait3A = arith.constant 0 : i32
        %dma_wait3A_58 = tpu.memref_slice %arg8[%run_scoped3A_43, %dma_wait3A] : memref<8x128xi32, #tpu.memory_space<vmem>> -> memref<1x128xi32, #tpu.memory_space<vmem>>
        %dma_wait3A_59 = tpu.memref_squeeze %dma_wait3A_58 : memref<1x128xi32, #tpu.memory_space<vmem>> -> memref<128xi32, #tpu.memory_space<vmem>>
        %dma_wait3A_60 = arith.constant 0 : i32
        %dma_wait3A_61 = arith.constant 0 : i32
        %dma_wait3A_62 = tpu.memref_slice %arg11[%dma_wait3A_60, %dma_wait3A_61] : memref<10240x128xf32, #tpu.memory_space<vmem_shared>> -> memref<10240x128xf32, #tpu.memory_space<vmem_shared>>
        tpu.wait_indirect_dma semaphore(%run_scoped3A_52 : memref<!tpu.dma_semaphore, #tpu.memory_space<semaphore_mem>>) src(%arg10 : memref<128x128xf32, #tpu.memory_space<vmem>>) dst(%dma_wait3A_62 : memref<10240x128xf32, #tpu.memory_space<vmem_shared>>)
        tpu.yield
      }) : () -> ()
      %run_scoped3A_44 = arith.constant 4 : i32
      "tpu.region"() ({
        %run_scoped3A_52 = tpu.sem_alloc : memref<!tpu.dma_semaphore, #tpu.memory_space<semaphore_mem>>
        %dma_start3A = arith.constant 0 : i32
        %dma_start3A_53 = tpu.memref_slice %arg7[%run_scoped3A_44, %dma_start3A] : memref<8x128xi32, #tpu.memory_space<vmem>> -> memref<1x128xi32, #tpu.memory_space<vmem>>
        %dma_start3A_54 = tpu.memref_squeeze %dma_start3A_53 : memref<1x128xi32, #tpu.memory_space<vmem>> -> memref<128xi32, #tpu.memory_space<vmem>>
        %dma_start3A_55 = arith.constant 0 : i32
        %dma_start3A_56 = arith.constant 0 : i32
        %dma_start3A_57 = tpu.memref_slice %arg2[%dma_start3A_55, %dma_start3A_56] : memref<10240x128xf32, #tpu.memory_space<hbm>> -> memref<10240x128xf32, #tpu.memory_space<hbm>>
        tpu.enqueue_indirect_dma source(%dma_start3A_57 : memref<10240x128xf32, #tpu.memory_space<hbm>>) target(%arg9 : memref<128x128xf32, #tpu.memory_space<vmem>>) offsets(%dma_start3A_54 : memref<128xi32, #tpu.memory_space<vmem>>) semaphore(%run_scoped3A_52 : memref<!tpu.dma_semaphore, #tpu.memory_space<semaphore_mem>>)
        %dma_wait3A = arith.constant 0 : i32
        %dma_wait3A_58 = tpu.memref_slice %arg7[%run_scoped3A_44, %dma_wait3A] : memref<8x128xi32, #tpu.memory_space<vmem>> -> memref<1x128xi32, #tpu.memory_space<vmem>>
        %dma_wait3A_59 = tpu.memref_squeeze %dma_wait3A_58 : memref<1x128xi32, #tpu.memory_space<vmem>> -> memref<128xi32, #tpu.memory_space<vmem>>
        %dma_wait3A_60 = arith.constant 0 : i32
        %dma_wait3A_61 = arith.constant 0 : i32
        %dma_wait3A_62 = tpu.memref_slice %arg2[%dma_wait3A_60, %dma_wait3A_61] : memref<10240x128xf32, #tpu.memory_space<hbm>> -> memref<10240x128xf32, #tpu.memory_space<hbm>>
        tpu.wait_indirect_dma semaphore(%run_scoped3A_52 : memref<!tpu.dma_semaphore, #tpu.memory_space<semaphore_mem>>) src(%dma_wait3A_62 : memref<10240x128xf32, #tpu.memory_space<hbm>>) dst(%arg9 : memref<128x128xf32, #tpu.memory_space<vmem>>)
        tpu.yield
      }) : () -> ()
      %run_scoped3A_45 = arith.constant 4 : i32
      "tpu.region"() ({
        %run_scoped3A_52 = tpu.sem_alloc : memref<!tpu.dma_semaphore, #tpu.memory_space<semaphore_mem>>
        %dma_start3A = arith.constant 0 : i32
        %dma_start3A_53 = tpu.memref_slice %arg8[%run_scoped3A_45, %dma_start3A] : memref<8x128xi32, #tpu.memory_space<vmem>> -> memref<1x128xi32, #tpu.memory_space<vmem>>
        %dma_start3A_54 = tpu.memref_squeeze %dma_start3A_53 : memref<1x128xi32, #tpu.memory_space<vmem>> -> memref<128xi32, #tpu.memory_space<vmem>>
        %dma_start3A_55 = arith.constant 0 : i32
        %dma_start3A_56 = arith.constant 0 : i32
        %dma_start3A_57 = tpu.memref_slice %arg11[%dma_start3A_55, %dma_start3A_56] : memref<10240x128xf32, #tpu.memory_space<vmem_shared>> -> memref<10240x128xf32, #tpu.memory_space<vmem_shared>>
        tpu.enqueue_indirect_dma source(%arg9 : memref<128x128xf32, #tpu.memory_space<vmem>>) target(%dma_start3A_57 : memref<10240x128xf32, #tpu.memory_space<vmem_shared>>) offsets(%dma_start3A_54 : memref<128xi32, #tpu.memory_space<vmem>>) semaphore(%run_scoped3A_52 : memref<!tpu.dma_semaphore, #tpu.memory_space<semaphore_mem>>) {add = true}
        %dma_wait3A = arith.constant 0 : i32
        %dma_wait3A_58 = tpu.memref_slice %arg8[%run_scoped3A_45, %dma_wait3A] : memref<8x128xi32, #tpu.memory_space<vmem>> -> memref<1x128xi32, #tpu.memory_space<vmem>>
        %dma_wait3A_59 = tpu.memref_squeeze %dma_wait3A_58 : memref<1x128xi32, #tpu.memory_space<vmem>> -> memref<128xi32, #tpu.memory_space<vmem>>
        %dma_wait3A_60 = arith.constant 0 : i32
        %dma_wait3A_61 = arith.constant 0 : i32
        %dma_wait3A_62 = tpu.memref_slice %arg11[%dma_wait3A_60, %dma_wait3A_61] : memref<10240x128xf32, #tpu.memory_space<vmem_shared>> -> memref<10240x128xf32, #tpu.memory_space<vmem_shared>>
        tpu.wait_indirect_dma semaphore(%run_scoped3A_52 : memref<!tpu.dma_semaphore, #tpu.memory_space<semaphore_mem>>) src(%arg9 : memref<128x128xf32, #tpu.memory_space<vmem>>) dst(%dma_wait3A_62 : memref<10240x128xf32, #tpu.memory_space<vmem_shared>>)
        tpu.yield
      }) : () -> ()
      %run_scoped3A_46 = arith.constant 5 : i32
      "tpu.region"() ({
        %run_scoped3A_52 = tpu.sem_alloc : memref<!tpu.dma_semaphore, #tpu.memory_space<semaphore_mem>>
        %dma_start3A = arith.constant 0 : i32
        %dma_start3A_53 = tpu.memref_slice %arg7[%run_scoped3A_46, %dma_start3A] : memref<8x128xi32, #tpu.memory_space<vmem>> -> memref<1x128xi32, #tpu.memory_space<vmem>>
        %dma_start3A_54 = tpu.memref_squeeze %dma_start3A_53 : memref<1x128xi32, #tpu.memory_space<vmem>> -> memref<128xi32, #tpu.memory_space<vmem>>
        %dma_start3A_55 = arith.constant 0 : i32
        %dma_start3A_56 = arith.constant 0 : i32
        %dma_start3A_57 = tpu.memref_slice %arg2[%dma_start3A_55, %dma_start3A_56] : memref<10240x128xf32, #tpu.memory_space<hbm>> -> memref<10240x128xf32, #tpu.memory_space<hbm>>
        tpu.enqueue_indirect_dma source(%dma_start3A_57 : memref<10240x128xf32, #tpu.memory_space<hbm>>) target(%arg10 : memref<128x128xf32, #tpu.memory_space<vmem>>) offsets(%dma_start3A_54 : memref<128xi32, #tpu.memory_space<vmem>>) semaphore(%run_scoped3A_52 : memref<!tpu.dma_semaphore, #tpu.memory_space<semaphore_mem>>)
        %dma_wait3A = arith.constant 0 : i32
        %dma_wait3A_58 = tpu.memref_slice %arg7[%run_scoped3A_46, %dma_wait3A] : memref<8x128xi32, #tpu.memory_space<vmem>> -> memref<1x128xi32, #tpu.memory_space<vmem>>
        %dma_wait3A_59 = tpu.memref_squeeze %dma_wait3A_58 : memref<1x128xi32, #tpu.memory_space<vmem>> -> memref<128xi32, #tpu.memory_space<vmem>>
        %dma_wait3A_60 = arith.constant 0 : i32
        %dma_wait3A_61 = arith.constant 0 : i32
        %dma_wait3A_62 = tpu.memref_slice %arg2[%dma_wait3A_60, %dma_wait3A_61] : memref<10240x128xf32, #tpu.memory_space<hbm>> -> memref<10240x128xf32, #tpu.memory_space<hbm>>
        tpu.wait_indirect_dma semaphore(%run_scoped3A_52 : memref<!tpu.dma_semaphore, #tpu.memory_space<semaphore_mem>>) src(%dma_wait3A_62 : memref<10240x128xf32, #tpu.memory_space<hbm>>) dst(%arg10 : memref<128x128xf32, #tpu.memory_space<vmem>>)
        tpu.yield
      }) : () -> ()
      %run_scoped3A_47 = arith.constant 5 : i32
      "tpu.region"() ({
        %run_scoped3A_52 = tpu.sem_alloc : memref<!tpu.dma_semaphore, #tpu.memory_space<semaphore_mem>>
        %dma_start3A = arith.constant 0 : i32
        %dma_start3A_53 = tpu.memref_slice %arg8[%run_scoped3A_47, %dma_start3A] : memref<8x128xi32, #tpu.memory_space<vmem>> -> memref<1x128xi32, #tpu.memory_space<vmem>>
        %dma_start3A_54 = tpu.memref_squeeze %dma_start3A_53 : memref<1x128xi32, #tpu.memory_space<vmem>> -> memref<128xi32, #tpu.memory_space<vmem>>
        %dma_start3A_55 = arith.constant 0 : i32
        %dma_start3A_56 = arith.constant 0 : i32
        %dma_start3A_57 = tpu.memref_slice %arg11[%dma_start3A_55, %dma_start3A_56] : memref<10240x128xf32, #tpu.memory_space<vmem_shared>> -> memref<10240x128xf32, #tpu.memory_space<vmem_shared>>
        tpu.enqueue_indirect_dma source(%arg10 : memref<128x128xf32, #tpu.memory_space<vmem>>) target(%dma_start3A_57 : memref<10240x128xf32, #tpu.memory_space<vmem_shared>>) offsets(%dma_start3A_54 : memref<128xi32, #tpu.memory_space<vmem>>) semaphore(%run_scoped3A_52 : memref<!tpu.dma_semaphore, #tpu.memory_space<semaphore_mem>>) {add = true}
        %dma_wait3A = arith.constant 0 : i32
        %dma_wait3A_58 = tpu.memref_slice %arg8[%run_scoped3A_47, %dma_wait3A] : memref<8x128xi32, #tpu.memory_space<vmem>> -> memref<1x128xi32, #tpu.memory_space<vmem>>
        %dma_wait3A_59 = tpu.memref_squeeze %dma_wait3A_58 : memref<1x128xi32, #tpu.memory_space<vmem>> -> memref<128xi32, #tpu.memory_space<vmem>>
        %dma_wait3A_60 = arith.constant 0 : i32
        %dma_wait3A_61 = arith.constant 0 : i32
        %dma_wait3A_62 = tpu.memref_slice %arg11[%dma_wait3A_60, %dma_wait3A_61] : memref<10240x128xf32, #tpu.memory_space<vmem_shared>> -> memref<10240x128xf32, #tpu.memory_space<vmem_shared>>
        tpu.wait_indirect_dma semaphore(%run_scoped3A_52 : memref<!tpu.dma_semaphore, #tpu.memory_space<semaphore_mem>>) src(%arg10 : memref<128x128xf32, #tpu.memory_space<vmem>>) dst(%dma_wait3A_62 : memref<10240x128xf32, #tpu.memory_space<vmem_shared>>)
        tpu.yield
      }) : () -> ()
      %run_scoped3A_48 = arith.constant 6 : i32
      "tpu.region"() ({
        %run_scoped3A_52 = tpu.sem_alloc : memref<!tpu.dma_semaphore, #tpu.memory_space<semaphore_mem>>
        %dma_start3A = arith.constant 0 : i32
        %dma_start3A_53 = tpu.memref_slice %arg7[%run_scoped3A_48, %dma_start3A] : memref<8x128xi32, #tpu.memory_space<vmem>> -> memref<1x128xi32, #tpu.memory_space<vmem>>
        %dma_start3A_54 = tpu.memref_squeeze %dma_start3A_53 : memref<1x128xi32, #tpu.memory_space<vmem>> -> memref<128xi32, #tpu.memory_space<vmem>>
        %dma_start3A_55 = arith.constant 0 : i32
        %dma_start3A_56 = arith.constant 0 : i32
        %dma_start3A_57 = tpu.memref_slice %arg2[%dma_start3A_55, %dma_start3A_56] : memref<10240x128xf32, #tpu.memory_space<hbm>> -> memref<10240x128xf32, #tpu.memory_space<hbm>>
        tpu.enqueue_indirect_dma source(%dma_start3A_57 : memref<10240x128xf32, #tpu.memory_space<hbm>>) target(%arg9 : memref<128x128xf32, #tpu.memory_space<vmem>>) offsets(%dma_start3A_54 : memref<128xi32, #tpu.memory_space<vmem>>) semaphore(%run_scoped3A_52 : memref<!tpu.dma_semaphore, #tpu.memory_space<semaphore_mem>>)
        %dma_wait3A = arith.constant 0 : i32
        %dma_wait3A_58 = tpu.memref_slice %arg7[%run_scoped3A_48, %dma_wait3A] : memref<8x128xi32, #tpu.memory_space<vmem>> -> memref<1x128xi32, #tpu.memory_space<vmem>>
        %dma_wait3A_59 = tpu.memref_squeeze %dma_wait3A_58 : memref<1x128xi32, #tpu.memory_space<vmem>> -> memref<128xi32, #tpu.memory_space<vmem>>
        %dma_wait3A_60 = arith.constant 0 : i32
        %dma_wait3A_61 = arith.constant 0 : i32
        %dma_wait3A_62 = tpu.memref_slice %arg2[%dma_wait3A_60, %dma_wait3A_61] : memref<10240x128xf32, #tpu.memory_space<hbm>> -> memref<10240x128xf32, #tpu.memory_space<hbm>>
        tpu.wait_indirect_dma semaphore(%run_scoped3A_52 : memref<!tpu.dma_semaphore, #tpu.memory_space<semaphore_mem>>) src(%dma_wait3A_62 : memref<10240x128xf32, #tpu.memory_space<hbm>>) dst(%arg9 : memref<128x128xf32, #tpu.memory_space<vmem>>)
        tpu.yield
      }) : () -> ()
      %run_scoped3A_49 = arith.constant 6 : i32
      "tpu.region"() ({
        %run_scoped3A_52 = tpu.sem_alloc : memref<!tpu.dma_semaphore, #tpu.memory_space<semaphore_mem>>
        %dma_start3A = arith.constant 0 : i32
        %dma_start3A_53 = tpu.memref_slice %arg8[%run_scoped3A_49, %dma_start3A] : memref<8x128xi32, #tpu.memory_space<vmem>> -> memref<1x128xi32, #tpu.memory_space<vmem>>
        %dma_start3A_54 = tpu.memref_squeeze %dma_start3A_53 : memref<1x128xi32, #tpu.memory_space<vmem>> -> memref<128xi32, #tpu.memory_space<vmem>>
        %dma_start3A_55 = arith.constant 0 : i32
        %dma_start3A_56 = arith.constant 0 : i32
        %dma_start3A_57 = tpu.memref_slice %arg11[%dma_start3A_55, %dma_start3A_56] : memref<10240x128xf32, #tpu.memory_space<vmem_shared>> -> memref<10240x128xf32, #tpu.memory_space<vmem_shared>>
        tpu.enqueue_indirect_dma source(%arg9 : memref<128x128xf32, #tpu.memory_space<vmem>>) target(%dma_start3A_57 : memref<10240x128xf32, #tpu.memory_space<vmem_shared>>) offsets(%dma_start3A_54 : memref<128xi32, #tpu.memory_space<vmem>>) semaphore(%run_scoped3A_52 : memref<!tpu.dma_semaphore, #tpu.memory_space<semaphore_mem>>) {add = true}
        %dma_wait3A = arith.constant 0 : i32
        %dma_wait3A_58 = tpu.memref_slice %arg8[%run_scoped3A_49, %dma_wait3A] : memref<8x128xi32, #tpu.memory_space<vmem>> -> memref<1x128xi32, #tpu.memory_space<vmem>>
        %dma_wait3A_59 = tpu.memref_squeeze %dma_wait3A_58 : memref<1x128xi32, #tpu.memory_space<vmem>> -> memref<128xi32, #tpu.memory_space<vmem>>
        %dma_wait3A_60 = arith.constant 0 : i32
        %dma_wait3A_61 = arith.constant 0 : i32
        %dma_wait3A_62 = tpu.memref_slice %arg11[%dma_wait3A_60, %dma_wait3A_61] : memref<10240x128xf32, #tpu.memory_space<vmem_shared>> -> memref<10240x128xf32, #tpu.memory_space<vmem_shared>>
        tpu.wait_indirect_dma semaphore(%run_scoped3A_52 : memref<!tpu.dma_semaphore, #tpu.memory_space<semaphore_mem>>) src(%arg9 : memref<128x128xf32, #tpu.memory_space<vmem>>) dst(%dma_wait3A_62 : memref<10240x128xf32, #tpu.memory_space<vmem_shared>>)
        tpu.yield
      }) : () -> ()
      %run_scoped3A_50 = arith.constant 7 : i32
      "tpu.region"() ({
        %run_scoped3A_52 = tpu.sem_alloc : memref<!tpu.dma_semaphore, #tpu.memory_space<semaphore_mem>>
        %dma_start3A = arith.constant 0 : i32
        %dma_start3A_53 = tpu.memref_slice %arg7[%run_scoped3A_50, %dma_start3A] : memref<8x128xi32, #tpu.memory_space<vmem>> -> memref<1x128xi32, #tpu.memory_space<vmem>>
        %dma_start3A_54 = tpu.memref_squeeze %dma_start3A_53 : memref<1x128xi32, #tpu.memory_space<vmem>> -> memref<128xi32, #tpu.memory_space<vmem>>
        %dma_start3A_55 = arith.constant 0 : i32
        %dma_start3A_56 = arith.constant 0 : i32
        %dma_start3A_57 = tpu.memref_slice %arg2[%dma_start3A_55, %dma_start3A_56] : memref<10240x128xf32, #tpu.memory_space<hbm>> -> memref<10240x128xf32, #tpu.memory_space<hbm>>
        tpu.enqueue_indirect_dma source(%dma_start3A_57 : memref<10240x128xf32, #tpu.memory_space<hbm>>) target(%arg10 : memref<128x128xf32, #tpu.memory_space<vmem>>) offsets(%dma_start3A_54 : memref<128xi32, #tpu.memory_space<vmem>>) semaphore(%run_scoped3A_52 : memref<!tpu.dma_semaphore, #tpu.memory_space<semaphore_mem>>)
        %dma_wait3A = arith.constant 0 : i32
        %dma_wait3A_58 = tpu.memref_slice %arg7[%run_scoped3A_50, %dma_wait3A] : memref<8x128xi32, #tpu.memory_space<vmem>> -> memref<1x128xi32, #tpu.memory_space<vmem>>
        %dma_wait3A_59 = tpu.memref_squeeze %dma_wait3A_58 : memref<1x128xi32, #tpu.memory_space<vmem>> -> memref<128xi32, #tpu.memory_space<vmem>>
        %dma_wait3A_60 = arith.constant 0 : i32
        %dma_wait3A_61 = arith.constant 0 : i32
        %dma_wait3A_62 = tpu.memref_slice %arg2[%dma_wait3A_60, %dma_wait3A_61] : memref<10240x128xf32, #tpu.memory_space<hbm>> -> memref<10240x128xf32, #tpu.memory_space<hbm>>
        tpu.wait_indirect_dma semaphore(%run_scoped3A_52 : memref<!tpu.dma_semaphore, #tpu.memory_space<semaphore_mem>>) src(%dma_wait3A_62 : memref<10240x128xf32, #tpu.memory_space<hbm>>) dst(%arg10 : memref<128x128xf32, #tpu.memory_space<vmem>>)
        tpu.yield
      }) : () -> ()
      %run_scoped3A_51 = arith.constant 7 : i32
      "tpu.region"() ({
        %run_scoped3A_52 = tpu.sem_alloc : memref<!tpu.dma_semaphore, #tpu.memory_space<semaphore_mem>>
        %dma_start3A = arith.constant 0 : i32
        %dma_start3A_53 = tpu.memref_slice %arg8[%run_scoped3A_51, %dma_start3A] : memref<8x128xi32, #tpu.memory_space<vmem>> -> memref<1x128xi32, #tpu.memory_space<vmem>>
        %dma_start3A_54 = tpu.memref_squeeze %dma_start3A_53 : memref<1x128xi32, #tpu.memory_space<vmem>> -> memref<128xi32, #tpu.memory_space<vmem>>
        %dma_start3A_55 = arith.constant 0 : i32
        %dma_start3A_56 = arith.constant 0 : i32
        %dma_start3A_57 = tpu.memref_slice %arg11[%dma_start3A_55, %dma_start3A_56] : memref<10240x128xf32, #tpu.memory_space<vmem_shared>> -> memref<10240x128xf32, #tpu.memory_space<vmem_shared>>
        tpu.enqueue_indirect_dma source(%arg10 : memref<128x128xf32, #tpu.memory_space<vmem>>) target(%dma_start3A_57 : memref<10240x128xf32, #tpu.memory_space<vmem_shared>>) offsets(%dma_start3A_54 : memref<128xi32, #tpu.memory_space<vmem>>) semaphore(%run_scoped3A_52 : memref<!tpu.dma_semaphore, #tpu.memory_space<semaphore_mem>>) {add = true}
        %dma_wait3A = arith.constant 0 : i32
        %dma_wait3A_58 = tpu.memref_slice %arg8[%run_scoped3A_51, %dma_wait3A] : memref<8x128xi32, #tpu.memory_space<vmem>> -> memref<1x128xi32, #tpu.memory_space<vmem>>
        %dma_wait3A_59 = tpu.memref_squeeze %dma_wait3A_58 : memref<1x128xi32, #tpu.memory_space<vmem>> -> memref<128xi32, #tpu.memory_space<vmem>>
        %dma_wait3A_60 = arith.constant 0 : i32
        %dma_wait3A_61 = arith.constant 0 : i32
        %dma_wait3A_62 = tpu.memref_slice %arg11[%dma_wait3A_60, %dma_wait3A_61] : memref<10240x128xf32, #tpu.memory_space<vmem_shared>> -> memref<10240x128xf32, #tpu.memory_space<vmem_shared>>
        tpu.wait_indirect_dma semaphore(%run_scoped3A_52 : memref<!tpu.dma_semaphore, #tpu.memory_space<semaphore_mem>>) src(%arg10 : memref<128x128xf32, #tpu.memory_space<vmem>>) dst(%dma_wait3A_62 : memref<10240x128xf32, #tpu.memory_space<vmem_shared>>)
        tpu.yield
      }) : () -> ()
    }
    %while3A_29 = arith.constant 1 : i32
    scf.for %while3A_31 = %while3A_27 to %while3A_23 step %while3A_29  : i32 {
      %mul3A_32 = arith.muli %while3A_31, %while3A : i32
      %add3A_33 = arith.addi %while3A_20, %mul3A_32 : i32
      %mul3A_34 = arith.constant 8 : i32
      %mul3A_35 = arith.muli %add3A_33, %mul3A_34 : i32
      %add3A_36 = arith.addi %select_n3A_13, %mul3A_35 : i32
      %multiple_of3A = tpu.assume_multiple %add3A_36, 8 : i32
      "tpu.region"() ({
        %run_scoped3A_52 = tpu.sem_alloc : memref<!tpu.dma_semaphore, #tpu.memory_space<semaphore_mem>>
        %dma_start3A = arith.constant 0 : i32
        %dma_start3A_53 = tpu.memref_slice %arg3[%multiple_of3A, %dma_start3A] : memref<2560x128xi32, #tpu.memory_space<hbm>> -> memref<8x128xi32, #tpu.memory_space<hbm>>
        %dma_start3A_54 = arith.constant 0 : i32
        %dma_start3A_55 = tpu.memref_slice %arg3[%multiple_of3A, %dma_start3A_54] : memref<2560x128xi32, #tpu.memory_space<hbm>> -> memref<8x128xi32, #tpu.memory_space<hbm>>
        tpu.enqueue_dma source(%dma_start3A_55 : memref<8x128xi32, #tpu.memory_space<hbm>>) target(%arg7 : memref<8x128xi32, #tpu.memory_space<vmem>>) target_semaphore(%run_scoped3A_52 : memref<!tpu.dma_semaphore, #tpu.memory_space<semaphore_mem>>)
        %dma_wait3A = arith.constant 0 : i32
        %dma_wait3A_56 = tpu.memref_slice %arg3[%multiple_of3A, %dma_wait3A] : memref<2560x128xi32, #tpu.memory_space<hbm>> -> memref<8x128xi32, #tpu.memory_space<hbm>>
        %dma_wait3A_57 = arith.constant 0 : i32
        %dma_wait3A_58 = tpu.memref_slice %arg3[%multiple_of3A, %dma_wait3A_57] : memref<2560x128xi32, #tpu.memory_space<hbm>> -> memref<8x128xi32, #tpu.memory_space<hbm>>
        tpu.wait_dma2 semaphore(%run_scoped3A_52 : memref<!tpu.dma_semaphore, #tpu.memory_space<semaphore_mem>>) src(%dma_wait3A_58 : memref<8x128xi32, #tpu.memory_space<hbm>>) dst(%arg7 : memref<8x128xi32, #tpu.memory_space<vmem>>)
        tpu.yield
      }) : () -> ()
      "tpu.region"() ({
        %run_scoped3A_52 = tpu.sem_alloc : memref<!tpu.dma_semaphore, #tpu.memory_space<semaphore_mem>>
        %dma_start3A = arith.constant 0 : i32
        %dma_start3A_53 = tpu.memref_slice %arg4[%multiple_of3A, %dma_start3A] : memref<2560x128xi32, #tpu.memory_space<hbm>> -> memref<8x128xi32, #tpu.memory_space<hbm>>
        %dma_start3A_54 = arith.constant 0 : i32
        %dma_start3A_55 = tpu.memref_slice %arg4[%multiple_of3A, %dma_start3A_54] : memref<2560x128xi32, #tpu.memory_space<hbm>> -> memref<8x128xi32, #tpu.memory_space<hbm>>
        tpu.enqueue_dma source(%dma_start3A_55 : memref<8x128xi32, #tpu.memory_space<hbm>>) target(%arg8 : memref<8x128xi32, #tpu.memory_space<vmem>>) target_semaphore(%run_scoped3A_52 : memref<!tpu.dma_semaphore, #tpu.memory_space<semaphore_mem>>)
        %dma_wait3A = arith.constant 0 : i32
        %dma_wait3A_56 = tpu.memref_slice %arg4[%multiple_of3A, %dma_wait3A] : memref<2560x128xi32, #tpu.memory_space<hbm>> -> memref<8x128xi32, #tpu.memory_space<hbm>>
        %dma_wait3A_57 = arith.constant 0 : i32
        %dma_wait3A_58 = tpu.memref_slice %arg4[%multiple_of3A, %dma_wait3A_57] : memref<2560x128xi32, #tpu.memory_space<hbm>> -> memref<8x128xi32, #tpu.memory_space<hbm>>
        tpu.wait_dma2 semaphore(%run_scoped3A_52 : memref<!tpu.dma_semaphore, #tpu.memory_space<semaphore_mem>>) src(%dma_wait3A_58 : memref<8x128xi32, #tpu.memory_space<hbm>>) dst(%arg8 : memref<8x128xi32, #tpu.memory_space<vmem>>)
        tpu.yield
      }) : () -> ()
      %run_scoped3A = arith.constant 0 : i32
      "tpu.region"() ({
        %run_scoped3A_52 = tpu.sem_alloc : memref<!tpu.dma_semaphore, #tpu.memory_space<semaphore_mem>>
        %dma_start3A = arith.constant 0 : i32
        %dma_start3A_53 = tpu.memref_slice %arg7[%run_scoped3A, %dma_start3A] : memref<8x128xi32, #tpu.memory_space<vmem>> -> memref<1x128xi32, #tpu.memory_space<vmem>>
        %dma_start3A_54 = tpu.memref_squeeze %dma_start3A_53 : memref<1x128xi32, #tpu.memory_space<vmem>> -> memref<128xi32, #tpu.memory_space<vmem>>
        %dma_start3A_55 = arith.constant 0 : i32
        %dma_start3A_56 = arith.constant 0 : i32
        %dma_start3A_57 = tpu.memref_slice %arg2[%dma_start3A_55, %dma_start3A_56] : memref<10240x128xf32, #tpu.memory_space<hbm>> -> memref<10240x128xf32, #tpu.memory_space<hbm>>
        tpu.enqueue_indirect_dma source(%dma_start3A_57 : memref<10240x128xf32, #tpu.memory_space<hbm>>) target(%arg9 : memref<128x128xf32, #tpu.memory_space<vmem>>) offsets(%dma_start3A_54 : memref<128xi32, #tpu.memory_space<vmem>>) semaphore(%run_scoped3A_52 : memref<!tpu.dma_semaphore, #tpu.memory_space<semaphore_mem>>)
        %dma_wait3A = arith.constant 0 : i32
        %dma_wait3A_58 = tpu.memref_slice %arg7[%run_scoped3A, %dma_wait3A] : memref<8x128xi32, #tpu.memory_space<vmem>> -> memref<1x128xi32, #tpu.memory_space<vmem>>
        %dma_wait3A_59 = tpu.memref_squeeze %dma_wait3A_58 : memref<1x128xi32, #tpu.memory_space<vmem>> -> memref<128xi32, #tpu.memory_space<vmem>>
        %dma_wait3A_60 = arith.constant 0 : i32
        %dma_wait3A_61 = arith.constant 0 : i32
        %dma_wait3A_62 = tpu.memref_slice %arg2[%dma_wait3A_60, %dma_wait3A_61] : memref<10240x128xf32, #tpu.memory_space<hbm>> -> memref<10240x128xf32, #tpu.memory_space<hbm>>
        tpu.wait_indirect_dma semaphore(%run_scoped3A_52 : memref<!tpu.dma_semaphore, #tpu.memory_space<semaphore_mem>>) src(%dma_wait3A_62 : memref<10240x128xf32, #tpu.memory_space<hbm>>) dst(%arg9 : memref<128x128xf32, #tpu.memory_space<vmem>>)
        tpu.yield
      }) : () -> ()
      %run_scoped3A_37 = arith.constant 0 : i32
      "tpu.region"() ({
        %run_scoped3A_52 = tpu.sem_alloc : memref<!tpu.dma_semaphore, #tpu.memory_space<semaphore_mem>>
        %dma_start3A = arith.constant 0 : i32
        %dma_start3A_53 = tpu.memref_slice %arg8[%run_scoped3A_37, %dma_start3A] : memref<8x128xi32, #tpu.memory_space<vmem>> -> memref<1x128xi32, #tpu.memory_space<vmem>>
        %dma_start3A_54 = tpu.memref_squeeze %dma_start3A_53 : memref<1x128xi32, #tpu.memory_space<vmem>> -> memref<128xi32, #tpu.memory_space<vmem>>
        %dma_start3A_55 = arith.constant 0 : i32
        %dma_start3A_56 = arith.constant 0 : i32
        %dma_start3A_57 = tpu.memref_slice %arg11[%dma_start3A_55, %dma_start3A_56] : memref<10240x128xf32, #tpu.memory_space<vmem_shared>> -> memref<10240x128xf32, #tpu.memory_space<vmem_shared>>
        tpu.enqueue_indirect_dma source(%arg9 : memref<128x128xf32, #tpu.memory_space<vmem>>) target(%dma_start3A_57 : memref<10240x128xf32, #tpu.memory_space<vmem_shared>>) offsets(%dma_start3A_54 : memref<128xi32, #tpu.memory_space<vmem>>) semaphore(%run_scoped3A_52 : memref<!tpu.dma_semaphore, #tpu.memory_space<semaphore_mem>>) {add = true}
        %dma_wait3A = arith.constant 0 : i32
        %dma_wait3A_58 = tpu.memref_slice %arg8[%run_scoped3A_37, %dma_wait3A] : memref<8x128xi32, #tpu.memory_space<vmem>> -> memref<1x128xi32, #tpu.memory_space<vmem>>
        %dma_wait3A_59 = tpu.memref_squeeze %dma_wait3A_58 : memref<1x128xi32, #tpu.memory_space<vmem>> -> memref<128xi32, #tpu.memory_space<vmem>>
        %dma_wait3A_60 = arith.constant 0 : i32
        %dma_wait3A_61 = arith.constant 0 : i32
        %dma_wait3A_62 = tpu.memref_slice %arg11[%dma_wait3A_60, %dma_wait3A_61] : memref<10240x128xf32, #tpu.memory_space<vmem_shared>> -> memref<10240x128xf32, #tpu.memory_space<vmem_shared>>
        tpu.wait_indirect_dma semaphore(%run_scoped3A_52 : memref<!tpu.dma_semaphore, #tpu.memory_space<semaphore_mem>>) src(%arg9 : memref<128x128xf32, #tpu.memory_space<vmem>>) dst(%dma_wait3A_62 : memref<10240x128xf32, #tpu.memory_space<vmem_shared>>)
        tpu.yield
      }) : () -> ()
      %run_scoped3A_38 = arith.constant 1 : i32
      "tpu.region"() ({
        %run_scoped3A_52 = tpu.sem_alloc : memref<!tpu.dma_semaphore, #tpu.memory_space<semaphore_mem>>
        %dma_start3A = arith.constant 0 : i32
        %dma_start3A_53 = tpu.memref_slice %arg7[%run_scoped3A_38, %dma_start3A] : memref<8x128xi32, #tpu.memory_space<vmem>> -> memref<1x128xi32, #tpu.memory_space<vmem>>
        %dma_start3A_54 = tpu.memref_squeeze %dma_start3A_53 : memref<1x128xi32, #tpu.memory_space<vmem>> -> memref<128xi32, #tpu.memory_space<vmem>>
        %dma_start3A_55 = arith.constant 0 : i32
        %dma_start3A_56 = arith.constant 0 : i32
        %dma_start3A_57 = tpu.memref_slice %arg2[%dma_start3A_55, %dma_start3A_56] : memref<10240x128xf32, #tpu.memory_space<hbm>> -> memref<10240x128xf32, #tpu.memory_space<hbm>>
        tpu.enqueue_indirect_dma source(%dma_start3A_57 : memref<10240x128xf32, #tpu.memory_space<hbm>>) target(%arg10 : memref<128x128xf32, #tpu.memory_space<vmem>>) offsets(%dma_start3A_54 : memref<128xi32, #tpu.memory_space<vmem>>) semaphore(%run_scoped3A_52 : memref<!tpu.dma_semaphore, #tpu.memory_space<semaphore_mem>>)
        %dma_wait3A = arith.constant 0 : i32
        %dma_wait3A_58 = tpu.memref_slice %arg7[%run_scoped3A_38, %dma_wait3A] : memref<8x128xi32, #tpu.memory_space<vmem>> -> memref<1x128xi32, #tpu.memory_space<vmem>>
        %dma_wait3A_59 = tpu.memref_squeeze %dma_wait3A_58 : memref<1x128xi32, #tpu.memory_space<vmem>> -> memref<128xi32, #tpu.memory_space<vmem>>
        %dma_wait3A_60 = arith.constant 0 : i32
        %dma_wait3A_61 = arith.constant 0 : i32
        %dma_wait3A_62 = tpu.memref_slice %arg2[%dma_wait3A_60, %dma_wait3A_61] : memref<10240x128xf32, #tpu.memory_space<hbm>> -> memref<10240x128xf32, #tpu.memory_space<hbm>>
        tpu.wait_indirect_dma semaphore(%run_scoped3A_52 : memref<!tpu.dma_semaphore, #tpu.memory_space<semaphore_mem>>) src(%dma_wait3A_62 : memref<10240x128xf32, #tpu.memory_space<hbm>>) dst(%arg10 : memref<128x128xf32, #tpu.memory_space<vmem>>)
        tpu.yield
      }) : () -> ()
      %run_scoped3A_39 = arith.constant 1 : i32
      "tpu.region"() ({
        %run_scoped3A_52 = tpu.sem_alloc : memref<!tpu.dma_semaphore, #tpu.memory_space<semaphore_mem>>
        %dma_start3A = arith.constant 0 : i32
        %dma_start3A_53 = tpu.memref_slice %arg8[%run_scoped3A_39, %dma_start3A] : memref<8x128xi32, #tpu.memory_space<vmem>> -> memref<1x128xi32, #tpu.memory_space<vmem>>
        %dma_start3A_54 = tpu.memref_squeeze %dma_start3A_53 : memref<1x128xi32, #tpu.memory_space<vmem>> -> memref<128xi32, #tpu.memory_space<vmem>>
        %dma_start3A_55 = arith.constant 0 : i32
        %dma_start3A_56 = arith.constant 0 : i32
        %dma_start3A_57 = tpu.memref_slice %arg11[%dma_start3A_55, %dma_start3A_56] : memref<10240x128xf32, #tpu.memory_space<vmem_shared>> -> memref<10240x128xf32, #tpu.memory_space<vmem_shared>>
        tpu.enqueue_indirect_dma source(%arg10 : memref<128x128xf32, #tpu.memory_space<vmem>>) target(%dma_start3A_57 : memref<10240x128xf32, #tpu.memory_space<vmem_shared>>) offsets(%dma_start3A_54 : memref<128xi32, #tpu.memory_space<vmem>>) semaphore(%run_scoped3A_52 : memref<!tpu.dma_semaphore, #tpu.memory_space<semaphore_mem>>) {add = true}
        %dma_wait3A = arith.constant 0 : i32
        %dma_wait3A_58 = tpu.memref_slice %arg8[%run_scoped3A_39, %dma_wait3A] : memref<8x128xi32, #tpu.memory_space<vmem>> -> memref<1x128xi32, #tpu.memory_space<vmem>>
        %dma_wait3A_59 = tpu.memref_squeeze %dma_wait3A_58 : memref<1x128xi32, #tpu.memory_space<vmem>> -> memref<128xi32, #tpu.memory_space<vmem>>
        %dma_wait3A_60 = arith.constant 0 : i32
        %dma_wait3A_61 = arith.constant 0 : i32
        %dma_wait3A_62 = tpu.memref_slice %arg11[%dma_wait3A_60, %dma_wait3A_61] : memref<10240x128xf32, #tpu.memory_space<vmem_shared>> -> memref<10240x128xf32, #tpu.memory_space<vmem_shared>>
        tpu.wait_indirect_dma semaphore(%run_scoped3A_52 : memref<!tpu.dma_semaphore, #tpu.memory_space<semaphore_mem>>) src(%arg10 : memref<128x128xf32, #tpu.memory_space<vmem>>) dst(%dma_wait3A_62 : memref<10240x128xf32, #tpu.memory_space<vmem_shared>>)
        tpu.yield
      }) : () -> ()
      %run_scoped3A_40 = arith.constant 2 : i32
      "tpu.region"() ({
        %run_scoped3A_52 = tpu.sem_alloc : memref<!tpu.dma_semaphore, #tpu.memory_space<semaphore_mem>>
        %dma_start3A = arith.constant 0 : i32
        %dma_start3A_53 = tpu.memref_slice %arg7[%run_scoped3A_40, %dma_start3A] : memref<8x128xi32, #tpu.memory_space<vmem>> -> memref<1x128xi32, #tpu.memory_space<vmem>>
        %dma_start3A_54 = tpu.memref_squeeze %dma_start3A_53 : memref<1x128xi32, #tpu.memory_space<vmem>> -> memref<128xi32, #tpu.memory_space<vmem>>
        %dma_start3A_55 = arith.constant 0 : i32
        %dma_start3A_56 = arith.constant 0 : i32
        %dma_start3A_57 = tpu.memref_slice %arg2[%dma_start3A_55, %dma_start3A_56] : memref<10240x128xf32, #tpu.memory_space<hbm>> -> memref<10240x128xf32, #tpu.memory_space<hbm>>
        tpu.enqueue_indirect_dma source(%dma_start3A_57 : memref<10240x128xf32, #tpu.memory_space<hbm>>) target(%arg9 : memref<128x128xf32, #tpu.memory_space<vmem>>) offsets(%dma_start3A_54 : memref<128xi32, #tpu.memory_space<vmem>>) semaphore(%run_scoped3A_52 : memref<!tpu.dma_semaphore, #tpu.memory_space<semaphore_mem>>)
        %dma_wait3A = arith.constant 0 : i32
        %dma_wait3A_58 = tpu.memref_slice %arg7[%run_scoped3A_40, %dma_wait3A] : memref<8x128xi32, #tpu.memory_space<vmem>> -> memref<1x128xi32, #tpu.memory_space<vmem>>
        %dma_wait3A_59 = tpu.memref_squeeze %dma_wait3A_58 : memref<1x128xi32, #tpu.memory_space<vmem>> -> memref<128xi32, #tpu.memory_space<vmem>>
        %dma_wait3A_60 = arith.constant 0 : i32
        %dma_wait3A_61 = arith.constant 0 : i32
        %dma_wait3A_62 = tpu.memref_slice %arg2[%dma_wait3A_60, %dma_wait3A_61] : memref<10240x128xf32, #tpu.memory_space<hbm>> -> memref<10240x128xf32, #tpu.memory_space<hbm>>
        tpu.wait_indirect_dma semaphore(%run_scoped3A_52 : memref<!tpu.dma_semaphore, #tpu.memory_space<semaphore_mem>>) src(%dma_wait3A_62 : memref<10240x128xf32, #tpu.memory_space<hbm>>) dst(%arg9 : memref<128x128xf32, #tpu.memory_space<vmem>>)
        tpu.yield
      }) : () -> ()
      %run_scoped3A_41 = arith.constant 2 : i32
      "tpu.region"() ({
        %run_scoped3A_52 = tpu.sem_alloc : memref<!tpu.dma_semaphore, #tpu.memory_space<semaphore_mem>>
        %dma_start3A = arith.constant 0 : i32
        %dma_start3A_53 = tpu.memref_slice %arg8[%run_scoped3A_41, %dma_start3A] : memref<8x128xi32, #tpu.memory_space<vmem>> -> memref<1x128xi32, #tpu.memory_space<vmem>>
        %dma_start3A_54 = tpu.memref_squeeze %dma_start3A_53 : memref<1x128xi32, #tpu.memory_space<vmem>> -> memref<128xi32, #tpu.memory_space<vmem>>
        %dma_start3A_55 = arith.constant 0 : i32
        %dma_start3A_56 = arith.constant 0 : i32
        %dma_start3A_57 = tpu.memref_slice %arg11[%dma_start3A_55, %dma_start3A_56] : memref<10240x128xf32, #tpu.memory_space<vmem_shared>> -> memref<10240x128xf32, #tpu.memory_space<vmem_shared>>
        tpu.enqueue_indirect_dma source(%arg9 : memref<128x128xf32, #tpu.memory_space<vmem>>) target(%dma_start3A_57 : memref<10240x128xf32, #tpu.memory_space<vmem_shared>>) offsets(%dma_start3A_54 : memref<128xi32, #tpu.memory_space<vmem>>) semaphore(%run_scoped3A_52 : memref<!tpu.dma_semaphore, #tpu.memory_space<semaphore_mem>>) {add = true}
        %dma_wait3A = arith.constant 0 : i32
        %dma_wait3A_58 = tpu.memref_slice %arg8[%run_scoped3A_41, %dma_wait3A] : memref<8x128xi32, #tpu.memory_space<vmem>> -> memref<1x128xi32, #tpu.memory_space<vmem>>
        %dma_wait3A_59 = tpu.memref_squeeze %dma_wait3A_58 : memref<1x128xi32, #tpu.memory_space<vmem>> -> memref<128xi32, #tpu.memory_space<vmem>>
        %dma_wait3A_60 = arith.constant 0 : i32
        %dma_wait3A_61 = arith.constant 0 : i32
        %dma_wait3A_62 = tpu.memref_slice %arg11[%dma_wait3A_60, %dma_wait3A_61] : memref<10240x128xf32, #tpu.memory_space<vmem_shared>> -> memref<10240x128xf32, #tpu.memory_space<vmem_shared>>
        tpu.wait_indirect_dma semaphore(%run_scoped3A_52 : memref<!tpu.dma_semaphore, #tpu.memory_space<semaphore_mem>>) src(%arg9 : memref<128x128xf32, #tpu.memory_space<vmem>>) dst(%dma_wait3A_62 : memref<10240x128xf32, #tpu.memory_space<vmem_shared>>)
        tpu.yield
      }) : () -> ()
      %run_scoped3A_42 = arith.constant 3 : i32
      "tpu.region"() ({
        %run_scoped3A_52 = tpu.sem_alloc : memref<!tpu.dma_semaphore, #tpu.memory_space<semaphore_mem>>
        %dma_start3A = arith.constant 0 : i32
        %dma_start3A_53 = tpu.memref_slice %arg7[%run_scoped3A_42, %dma_start3A] : memref<8x128xi32, #tpu.memory_space<vmem>> -> memref<1x128xi32, #tpu.memory_space<vmem>>
        %dma_start3A_54 = tpu.memref_squeeze %dma_start3A_53 : memref<1x128xi32, #tpu.memory_space<vmem>> -> memref<128xi32, #tpu.memory_space<vmem>>
        %dma_start3A_55 = arith.constant 0 : i32
        %dma_start3A_56 = arith.constant 0 : i32
        %dma_start3A_57 = tpu.memref_slice %arg2[%dma_start3A_55, %dma_start3A_56] : memref<10240x128xf32, #tpu.memory_space<hbm>> -> memref<10240x128xf32, #tpu.memory_space<hbm>>
        tpu.enqueue_indirect_dma source(%dma_start3A_57 : memref<10240x128xf32, #tpu.memory_space<hbm>>) target(%arg10 : memref<128x128xf32, #tpu.memory_space<vmem>>) offsets(%dma_start3A_54 : memref<128xi32, #tpu.memory_space<vmem>>) semaphore(%run_scoped3A_52 : memref<!tpu.dma_semaphore, #tpu.memory_space<semaphore_mem>>)
        %dma_wait3A = arith.constant 0 : i32
        %dma_wait3A_58 = tpu.memref_slice %arg7[%run_scoped3A_42, %dma_wait3A] : memref<8x128xi32, #tpu.memory_space<vmem>> -> memref<1x128xi32, #tpu.memory_space<vmem>>
        %dma_wait3A_59 = tpu.memref_squeeze %dma_wait3A_58 : memref<1x128xi32, #tpu.memory_space<vmem>> -> memref<128xi32, #tpu.memory_space<vmem>>
        %dma_wait3A_60 = arith.constant 0 : i32
        %dma_wait3A_61 = arith.constant 0 : i32
        %dma_wait3A_62 = tpu.memref_slice %arg2[%dma_wait3A_60, %dma_wait3A_61] : memref<10240x128xf32, #tpu.memory_space<hbm>> -> memref<10240x128xf32, #tpu.memory_space<hbm>>
        tpu.wait_indirect_dma semaphore(%run_scoped3A_52 : memref<!tpu.dma_semaphore, #tpu.memory_space<semaphore_mem>>) src(%dma_wait3A_62 : memref<10240x128xf32, #tpu.memory_space<hbm>>) dst(%arg10 : memref<128x128xf32, #tpu.memory_space<vmem>>)
        tpu.yield
      }) : () -> ()
      %run_scoped3A_43 = arith.constant 3 : i32
      "tpu.region"() ({
        %run_scoped3A_52 = tpu.sem_alloc : memref<!tpu.dma_semaphore, #tpu.memory_space<semaphore_mem>>
        %dma_start3A = arith.constant 0 : i32
        %dma_start3A_53 = tpu.memref_slice %arg8[%run_scoped3A_43, %dma_start3A] : memref<8x128xi32, #tpu.memory_space<vmem>> -> memref<1x128xi32, #tpu.memory_space<vmem>>
        %dma_start3A_54 = tpu.memref_squeeze %dma_start3A_53 : memref<1x128xi32, #tpu.memory_space<vmem>> -> memref<128xi32, #tpu.memory_space<vmem>>
        %dma_start3A_55 = arith.constant 0 : i32
        %dma_start3A_56 = arith.constant 0 : i32
        %dma_start3A_57 = tpu.memref_slice %arg11[%dma_start3A_55, %dma_start3A_56] : memref<10240x128xf32, #tpu.memory_space<vmem_shared>> -> memref<10240x128xf32, #tpu.memory_space<vmem_shared>>
        tpu.enqueue_indirect_dma source(%arg10 : memref<128x128xf32, #tpu.memory_space<vmem>>) target(%dma_start3A_57 : memref<10240x128xf32, #tpu.memory_space<vmem_shared>>) offsets(%dma_start3A_54 : memref<128xi32, #tpu.memory_space<vmem>>) semaphore(%run_scoped3A_52 : memref<!tpu.dma_semaphore, #tpu.memory_space<semaphore_mem>>) {add = true}
        %dma_wait3A = arith.constant 0 : i32
        %dma_wait3A_58 = tpu.memref_slice %arg8[%run_scoped3A_43, %dma_wait3A] : memref<8x128xi32, #tpu.memory_space<vmem>> -> memref<1x128xi32, #tpu.memory_space<vmem>>
        %dma_wait3A_59 = tpu.memref_squeeze %dma_wait3A_58 : memref<1x128xi32, #tpu.memory_space<vmem>> -> memref<128xi32, #tpu.memory_space<vmem>>
        %dma_wait3A_60 = arith.constant 0 : i32
        %dma_wait3A_61 = arith.constant 0 : i32
        %dma_wait3A_62 = tpu.memref_slice %arg11[%dma_wait3A_60, %dma_wait3A_61] : memref<10240x128xf32, #tpu.memory_space<vmem_shared>> -> memref<10240x128xf32, #tpu.memory_space<vmem_shared>>
        tpu.wait_indirect_dma semaphore(%run_scoped3A_52 : memref<!tpu.dma_semaphore, #tpu.memory_space<semaphore_mem>>) src(%arg10 : memref<128x128xf32, #tpu.memory_space<vmem>>) dst(%dma_wait3A_62 : memref<10240x128xf32, #tpu.memory_space<vmem_shared>>)
        tpu.yield
      }) : () -> ()
      %run_scoped3A_44 = arith.constant 4 : i32
      "tpu.region"() ({
        %run_scoped3A_52 = tpu.sem_alloc : memref<!tpu.dma_semaphore, #tpu.memory_space<semaphore_mem>>
        %dma_start3A = arith.constant 0 : i32
        %dma_start3A_53 = tpu.memref_slice %arg7[%run_scoped3A_44, %dma_start3A] : memref<8x128xi32, #tpu.memory_space<vmem>> -> memref<1x128xi32, #tpu.memory_space<vmem>>
        %dma_start3A_54 = tpu.memref_squeeze %dma_start3A_53 : memref<1x128xi32, #tpu.memory_space<vmem>> -> memref<128xi32, #tpu.memory_space<vmem>>
        %dma_start3A_55 = arith.constant 0 : i32
        %dma_start3A_56 = arith.constant 0 : i32
        %dma_start3A_57 = tpu.memref_slice %arg2[%dma_start3A_55, %dma_start3A_56] : memref<10240x128xf32, #tpu.memory_space<hbm>> -> memref<10240x128xf32, #tpu.memory_space<hbm>>
        tpu.enqueue_indirect_dma source(%dma_start3A_57 : memref<10240x128xf32, #tpu.memory_space<hbm>>) target(%arg9 : memref<128x128xf32, #tpu.memory_space<vmem>>) offsets(%dma_start3A_54 : memref<128xi32, #tpu.memory_space<vmem>>) semaphore(%run_scoped3A_52 : memref<!tpu.dma_semaphore, #tpu.memory_space<semaphore_mem>>)
        %dma_wait3A = arith.constant 0 : i32
        %dma_wait3A_58 = tpu.memref_slice %arg7[%run_scoped3A_44, %dma_wait3A] : memref<8x128xi32, #tpu.memory_space<vmem>> -> memref<1x128xi32, #tpu.memory_space<vmem>>
        %dma_wait3A_59 = tpu.memref_squeeze %dma_wait3A_58 : memref<1x128xi32, #tpu.memory_space<vmem>> -> memref<128xi32, #tpu.memory_space<vmem>>
        %dma_wait3A_60 = arith.constant 0 : i32
        %dma_wait3A_61 = arith.constant 0 : i32
        %dma_wait3A_62 = tpu.memref_slice %arg2[%dma_wait3A_60, %dma_wait3A_61] : memref<10240x128xf32, #tpu.memory_space<hbm>> -> memref<10240x128xf32, #tpu.memory_space<hbm>>
        tpu.wait_indirect_dma semaphore(%run_scoped3A_52 : memref<!tpu.dma_semaphore, #tpu.memory_space<semaphore_mem>>) src(%dma_wait3A_62 : memref<10240x128xf32, #tpu.memory_space<hbm>>) dst(%arg9 : memref<128x128xf32, #tpu.memory_space<vmem>>)
        tpu.yield
      }) : () -> ()
      %run_scoped3A_45 = arith.constant 4 : i32
      "tpu.region"() ({
        %run_scoped3A_52 = tpu.sem_alloc : memref<!tpu.dma_semaphore, #tpu.memory_space<semaphore_mem>>
        %dma_start3A = arith.constant 0 : i32
        %dma_start3A_53 = tpu.memref_slice %arg8[%run_scoped3A_45, %dma_start3A] : memref<8x128xi32, #tpu.memory_space<vmem>> -> memref<1x128xi32, #tpu.memory_space<vmem>>
        %dma_start3A_54 = tpu.memref_squeeze %dma_start3A_53 : memref<1x128xi32, #tpu.memory_space<vmem>> -> memref<128xi32, #tpu.memory_space<vmem>>
        %dma_start3A_55 = arith.constant 0 : i32
        %dma_start3A_56 = arith.constant 0 : i32
        %dma_start3A_57 = tpu.memref_slice %arg11[%dma_start3A_55, %dma_start3A_56] : memref<10240x128xf32, #tpu.memory_space<vmem_shared>> -> memref<10240x128xf32, #tpu.memory_space<vmem_shared>>
        tpu.enqueue_indirect_dma source(%arg9 : memref<128x128xf32, #tpu.memory_space<vmem>>) target(%dma_start3A_57 : memref<10240x128xf32, #tpu.memory_space<vmem_shared>>) offsets(%dma_start3A_54 : memref<128xi32, #tpu.memory_space<vmem>>) semaphore(%run_scoped3A_52 : memref<!tpu.dma_semaphore, #tpu.memory_space<semaphore_mem>>) {add = true}
        %dma_wait3A = arith.constant 0 : i32
        %dma_wait3A_58 = tpu.memref_slice %arg8[%run_scoped3A_45, %dma_wait3A] : memref<8x128xi32, #tpu.memory_space<vmem>> -> memref<1x128xi32, #tpu.memory_space<vmem>>
        %dma_wait3A_59 = tpu.memref_squeeze %dma_wait3A_58 : memref<1x128xi32, #tpu.memory_space<vmem>> -> memref<128xi32, #tpu.memory_space<vmem>>
        %dma_wait3A_60 = arith.constant 0 : i32
        %dma_wait3A_61 = arith.constant 0 : i32
        %dma_wait3A_62 = tpu.memref_slice %arg11[%dma_wait3A_60, %dma_wait3A_61] : memref<10240x128xf32, #tpu.memory_space<vmem_shared>> -> memref<10240x128xf32, #tpu.memory_space<vmem_shared>>
        tpu.wait_indirect_dma semaphore(%run_scoped3A_52 : memref<!tpu.dma_semaphore, #tpu.memory_space<semaphore_mem>>) src(%arg9 : memref<128x128xf32, #tpu.memory_space<vmem>>) dst(%dma_wait3A_62 : memref<10240x128xf32, #tpu.memory_space<vmem_shared>>)
        tpu.yield
      }) : () -> ()
      %run_scoped3A_46 = arith.constant 5 : i32
      "tpu.region"() ({
        %run_scoped3A_52 = tpu.sem_alloc : memref<!tpu.dma_semaphore, #tpu.memory_space<semaphore_mem>>
        %dma_start3A = arith.constant 0 : i32
        %dma_start3A_53 = tpu.memref_slice %arg7[%run_scoped3A_46, %dma_start3A] : memref<8x128xi32, #tpu.memory_space<vmem>> -> memref<1x128xi32, #tpu.memory_space<vmem>>
        %dma_start3A_54 = tpu.memref_squeeze %dma_start3A_53 : memref<1x128xi32, #tpu.memory_space<vmem>> -> memref<128xi32, #tpu.memory_space<vmem>>
        %dma_start3A_55 = arith.constant 0 : i32
        %dma_start3A_56 = arith.constant 0 : i32
        %dma_start3A_57 = tpu.memref_slice %arg2[%dma_start3A_55, %dma_start3A_56] : memref<10240x128xf32, #tpu.memory_space<hbm>> -> memref<10240x128xf32, #tpu.memory_space<hbm>>
        tpu.enqueue_indirect_dma source(%dma_start3A_57 : memref<10240x128xf32, #tpu.memory_space<hbm>>) target(%arg10 : memref<128x128xf32, #tpu.memory_space<vmem>>) offsets(%dma_start3A_54 : memref<128xi32, #tpu.memory_space<vmem>>) semaphore(%run_scoped3A_52 : memref<!tpu.dma_semaphore, #tpu.memory_space<semaphore_mem>>)
        %dma_wait3A = arith.constant 0 : i32
        %dma_wait3A_58 = tpu.memref_slice %arg7[%run_scoped3A_46, %dma_wait3A] : memref<8x128xi32, #tpu.memory_space<vmem>> -> memref<1x128xi32, #tpu.memory_space<vmem>>
        %dma_wait3A_59 = tpu.memref_squeeze %dma_wait3A_58 : memref<1x128xi32, #tpu.memory_space<vmem>> -> memref<128xi32, #tpu.memory_space<vmem>>
        %dma_wait3A_60 = arith.constant 0 : i32
        %dma_wait3A_61 = arith.constant 0 : i32
        %dma_wait3A_62 = tpu.memref_slice %arg2[%dma_wait3A_60, %dma_wait3A_61] : memref<10240x128xf32, #tpu.memory_space<hbm>> -> memref<10240x128xf32, #tpu.memory_space<hbm>>
        tpu.wait_indirect_dma semaphore(%run_scoped3A_52 : memref<!tpu.dma_semaphore, #tpu.memory_space<semaphore_mem>>) src(%dma_wait3A_62 : memref<10240x128xf32, #tpu.memory_space<hbm>>) dst(%arg10 : memref<128x128xf32, #tpu.memory_space<vmem>>)
        tpu.yield
      }) : () -> ()
      %run_scoped3A_47 = arith.constant 5 : i32
      "tpu.region"() ({
        %run_scoped3A_52 = tpu.sem_alloc : memref<!tpu.dma_semaphore, #tpu.memory_space<semaphore_mem>>
        %dma_start3A = arith.constant 0 : i32
        %dma_start3A_53 = tpu.memref_slice %arg8[%run_scoped3A_47, %dma_start3A] : memref<8x128xi32, #tpu.memory_space<vmem>> -> memref<1x128xi32, #tpu.memory_space<vmem>>
        %dma_start3A_54 = tpu.memref_squeeze %dma_start3A_53 : memref<1x128xi32, #tpu.memory_space<vmem>> -> memref<128xi32, #tpu.memory_space<vmem>>
        %dma_start3A_55 = arith.constant 0 : i32
        %dma_start3A_56 = arith.constant 0 : i32
        %dma_start3A_57 = tpu.memref_slice %arg11[%dma_start3A_55, %dma_start3A_56] : memref<10240x128xf32, #tpu.memory_space<vmem_shared>> -> memref<10240x128xf32, #tpu.memory_space<vmem_shared>>
        tpu.enqueue_indirect_dma source(%arg10 : memref<128x128xf32, #tpu.memory_space<vmem>>) target(%dma_start3A_57 : memref<10240x128xf32, #tpu.memory_space<vmem_shared>>) offsets(%dma_start3A_54 : memref<128xi32, #tpu.memory_space<vmem>>) semaphore(%run_scoped3A_52 : memref<!tpu.dma_semaphore, #tpu.memory_space<semaphore_mem>>) {add = true}
        %dma_wait3A = arith.constant 0 : i32
        %dma_wait3A_58 = tpu.memref_slice %arg8[%run_scoped3A_47, %dma_wait3A] : memref<8x128xi32, #tpu.memory_space<vmem>> -> memref<1x128xi32, #tpu.memory_space<vmem>>
        %dma_wait3A_59 = tpu.memref_squeeze %dma_wait3A_58 : memref<1x128xi32, #tpu.memory_space<vmem>> -> memref<128xi32, #tpu.memory_space<vmem>>
        %dma_wait3A_60 = arith.constant 0 : i32
        %dma_wait3A_61 = arith.constant 0 : i32
        %dma_wait3A_62 = tpu.memref_slice %arg11[%dma_wait3A_60, %dma_wait3A_61] : memref<10240x128xf32, #tpu.memory_space<vmem_shared>> -> memref<10240x128xf32, #tpu.memory_space<vmem_shared>>
        tpu.wait_indirect_dma semaphore(%run_scoped3A_52 : memref<!tpu.dma_semaphore, #tpu.memory_space<semaphore_mem>>) src(%arg10 : memref<128x128xf32, #tpu.memory_space<vmem>>) dst(%dma_wait3A_62 : memref<10240x128xf32, #tpu.memory_space<vmem_shared>>)
        tpu.yield
      }) : () -> ()
      %run_scoped3A_48 = arith.constant 6 : i32
      "tpu.region"() ({
        %run_scoped3A_52 = tpu.sem_alloc : memref<!tpu.dma_semaphore, #tpu.memory_space<semaphore_mem>>
        %dma_start3A = arith.constant 0 : i32
        %dma_start3A_53 = tpu.memref_slice %arg7[%run_scoped3A_48, %dma_start3A] : memref<8x128xi32, #tpu.memory_space<vmem>> -> memref<1x128xi32, #tpu.memory_space<vmem>>
        %dma_start3A_54 = tpu.memref_squeeze %dma_start3A_53 : memref<1x128xi32, #tpu.memory_space<vmem>> -> memref<128xi32, #tpu.memory_space<vmem>>
        %dma_start3A_55 = arith.constant 0 : i32
        %dma_start3A_56 = arith.constant 0 : i32
        %dma_start3A_57 = tpu.memref_slice %arg2[%dma_start3A_55, %dma_start3A_56] : memref<10240x128xf32, #tpu.memory_space<hbm>> -> memref<10240x128xf32, #tpu.memory_space<hbm>>
        tpu.enqueue_indirect_dma source(%dma_start3A_57 : memref<10240x128xf32, #tpu.memory_space<hbm>>) target(%arg9 : memref<128x128xf32, #tpu.memory_space<vmem>>) offsets(%dma_start3A_54 : memref<128xi32, #tpu.memory_space<vmem>>) semaphore(%run_scoped3A_52 : memref<!tpu.dma_semaphore, #tpu.memory_space<semaphore_mem>>)
        %dma_wait3A = arith.constant 0 : i32
        %dma_wait3A_58 = tpu.memref_slice %arg7[%run_scoped3A_48, %dma_wait3A] : memref<8x128xi32, #tpu.memory_space<vmem>> -> memref<1x128xi32, #tpu.memory_space<vmem>>
        %dma_wait3A_59 = tpu.memref_squeeze %dma_wait3A_58 : memref<1x128xi32, #tpu.memory_space<vmem>> -> memref<128xi32, #tpu.memory_space<vmem>>
        %dma_wait3A_60 = arith.constant 0 : i32
        %dma_wait3A_61 = arith.constant 0 : i32
        %dma_wait3A_62 = tpu.memref_slice %arg2[%dma_wait3A_60, %dma_wait3A_61] : memref<10240x128xf32, #tpu.memory_space<hbm>> -> memref<10240x128xf32, #tpu.memory_space<hbm>>
        tpu.wait_indirect_dma semaphore(%run_scoped3A_52 : memref<!tpu.dma_semaphore, #tpu.memory_space<semaphore_mem>>) src(%dma_wait3A_62 : memref<10240x128xf32, #tpu.memory_space<hbm>>) dst(%arg9 : memref<128x128xf32, #tpu.memory_space<vmem>>)
        tpu.yield
      }) : () -> ()
      %run_scoped3A_49 = arith.constant 6 : i32
      "tpu.region"() ({
        %run_scoped3A_52 = tpu.sem_alloc : memref<!tpu.dma_semaphore, #tpu.memory_space<semaphore_mem>>
        %dma_start3A = arith.constant 0 : i32
        %dma_start3A_53 = tpu.memref_slice %arg8[%run_scoped3A_49, %dma_start3A] : memref<8x128xi32, #tpu.memory_space<vmem>> -> memref<1x128xi32, #tpu.memory_space<vmem>>
        %dma_start3A_54 = tpu.memref_squeeze %dma_start3A_53 : memref<1x128xi32, #tpu.memory_space<vmem>> -> memref<128xi32, #tpu.memory_space<vmem>>
        %dma_start3A_55 = arith.constant 0 : i32
        %dma_start3A_56 = arith.constant 0 : i32
        %dma_start3A_57 = tpu.memref_slice %arg11[%dma_start3A_55, %dma_start3A_56] : memref<10240x128xf32, #tpu.memory_space<vmem_shared>> -> memref<10240x128xf32, #tpu.memory_space<vmem_shared>>
        tpu.enqueue_indirect_dma source(%arg9 : memref<128x128xf32, #tpu.memory_space<vmem>>) target(%dma_start3A_57 : memref<10240x128xf32, #tpu.memory_space<vmem_shared>>) offsets(%dma_start3A_54 : memref<128xi32, #tpu.memory_space<vmem>>) semaphore(%run_scoped3A_52 : memref<!tpu.dma_semaphore, #tpu.memory_space<semaphore_mem>>) {add = true}
        %dma_wait3A = arith.constant 0 : i32
        %dma_wait3A_58 = tpu.memref_slice %arg8[%run_scoped3A_49, %dma_wait3A] : memref<8x128xi32, #tpu.memory_space<vmem>> -> memref<1x128xi32, #tpu.memory_space<vmem>>
        %dma_wait3A_59 = tpu.memref_squeeze %dma_wait3A_58 : memref<1x128xi32, #tpu.memory_space<vmem>> -> memref<128xi32, #tpu.memory_space<vmem>>
        %dma_wait3A_60 = arith.constant 0 : i32
        %dma_wait3A_61 = arith.constant 0 : i32
        %dma_wait3A_62 = tpu.memref_slice %arg11[%dma_wait3A_60, %dma_wait3A_61] : memref<10240x128xf32, #tpu.memory_space<vmem_shared>> -> memref<10240x128xf32, #tpu.memory_space<vmem_shared>>
        tpu.wait_indirect_dma semaphore(%run_scoped3A_52 : memref<!tpu.dma_semaphore, #tpu.memory_space<semaphore_mem>>) src(%arg9 : memref<128x128xf32, #tpu.memory_space<vmem>>) dst(%dma_wait3A_62 : memref<10240x128xf32, #tpu.memory_space<vmem_shared>>)
        tpu.yield
      }) : () -> ()
      %run_scoped3A_50 = arith.constant 7 : i32
      "tpu.region"() ({
        %run_scoped3A_52 = tpu.sem_alloc : memref<!tpu.dma_semaphore, #tpu.memory_space<semaphore_mem>>
        %dma_start3A = arith.constant 0 : i32
        %dma_start3A_53 = tpu.memref_slice %arg7[%run_scoped3A_50, %dma_start3A] : memref<8x128xi32, #tpu.memory_space<vmem>> -> memref<1x128xi32, #tpu.memory_space<vmem>>
        %dma_start3A_54 = tpu.memref_squeeze %dma_start3A_53 : memref<1x128xi32, #tpu.memory_space<vmem>> -> memref<128xi32, #tpu.memory_space<vmem>>
        %dma_start3A_55 = arith.constant 0 : i32
        %dma_start3A_56 = arith.constant 0 : i32
        %dma_start3A_57 = tpu.memref_slice %arg2[%dma_start3A_55, %dma_start3A_56] : memref<10240x128xf32, #tpu.memory_space<hbm>> -> memref<10240x128xf32, #tpu.memory_space<hbm>>
        tpu.enqueue_indirect_dma source(%dma_start3A_57 : memref<10240x128xf32, #tpu.memory_space<hbm>>) target(%arg10 : memref<128x128xf32, #tpu.memory_space<vmem>>) offsets(%dma_start3A_54 : memref<128xi32, #tpu.memory_space<vmem>>) semaphore(%run_scoped3A_52 : memref<!tpu.dma_semaphore, #tpu.memory_space<semaphore_mem>>)
        %dma_wait3A = arith.constant 0 : i32
        %dma_wait3A_58 = tpu.memref_slice %arg7[%run_scoped3A_50, %dma_wait3A] : memref<8x128xi32, #tpu.memory_space<vmem>> -> memref<1x128xi32, #tpu.memory_space<vmem>>
        %dma_wait3A_59 = tpu.memref_squeeze %dma_wait3A_58 : memref<1x128xi32, #tpu.memory_space<vmem>> -> memref<128xi32, #tpu.memory_space<vmem>>
        %dma_wait3A_60 = arith.constant 0 : i32
        %dma_wait3A_61 = arith.constant 0 : i32
        %dma_wait3A_62 = tpu.memref_slice %arg2[%dma_wait3A_60, %dma_wait3A_61] : memref<10240x128xf32, #tpu.memory_space<hbm>> -> memref<10240x128xf32, #tpu.memory_space<hbm>>
        tpu.wait_indirect_dma semaphore(%run_scoped3A_52 : memref<!tpu.dma_semaphore, #tpu.memory_space<semaphore_mem>>) src(%dma_wait3A_62 : memref<10240x128xf32, #tpu.memory_space<hbm>>) dst(%arg10 : memref<128x128xf32, #tpu.memory_space<vmem>>)
        tpu.yield
      }) : () -> ()
      %run_scoped3A_51 = arith.constant 7 : i32
      "tpu.region"() ({
        %run_scoped3A_52 = tpu.sem_alloc : memref<!tpu.dma_semaphore, #tpu.memory_space<semaphore_mem>>
        %dma_start3A = arith.constant 0 : i32
        %dma_start3A_53 = tpu.memref_slice %arg8[%run_scoped3A_51, %dma_start3A] : memref<8x128xi32, #tpu.memory_space<vmem>> -> memref<1x128xi32, #tpu.memory_space<vmem>>
        %dma_start3A_54 = tpu.memref_squeeze %dma_start3A_53 : memref<1x128xi32, #tpu.memory_space<vmem>> -> memref<128xi32, #tpu.memory_space<vmem>>
        %dma_start3A_55 = arith.constant 0 : i32
        %dma_start3A_56 = arith.constant 0 : i32
        %dma_start3A_57 = tpu.memref_slice %arg11[%dma_start3A_55, %dma_start3A_56] : memref<10240x128xf32, #tpu.memory_space<vmem_shared>> -> memref<10240x128xf32, #tpu.memory_space<vmem_shared>>
        tpu.enqueue_indirect_dma source(%arg10 : memref<128x128xf32, #tpu.memory_space<vmem>>) target(%dma_start3A_57 : memref<10240x128xf32, #tpu.memory_space<vmem_shared>>) offsets(%dma_start3A_54 : memref<128xi32, #tpu.memory_space<vmem>>) semaphore(%run_scoped3A_52 : memref<!tpu.dma_semaphore, #tpu.memory_space<semaphore_mem>>) {add = true}
        %dma_wait3A = arith.constant 0 : i32
        %dma_wait3A_58 = tpu.memref_slice %arg8[%run_scoped3A_51, %dma_wait3A] : memref<8x128xi32, #tpu.memory_space<vmem>> -> memref<1x128xi32, #tpu.memory_space<vmem>>
        %dma_wait3A_59 = tpu.memref_squeeze %dma_wait3A_58 : memref<1x128xi32, #tpu.memory_space<vmem>> -> memref<128xi32, #tpu.memory_space<vmem>>
        %dma_wait3A_60 = arith.constant 0 : i32
        %dma_wait3A_61 = arith.constant 0 : i32
        %dma_wait3A_62 = tpu.memref_slice %arg11[%dma_wait3A_60, %dma_wait3A_61] : memref<10240x128xf32, #tpu.memory_space<vmem_shared>> -> memref<10240x128xf32, #tpu.memory_space<vmem_shared>>
        tpu.wait_indirect_dma semaphore(%run_scoped3A_52 : memref<!tpu.dma_semaphore, #tpu.memory_space<semaphore_mem>>) src(%arg10 : memref<128x128xf32, #tpu.memory_space<vmem>>) dst(%dma_wait3A_62 : memref<10240x128xf32, #tpu.memory_space<vmem_shared>>)
        tpu.yield
      }) : () -> ()
    }
    %barrier3A_30 = arith.constant 0 : index
    tpu.barrier barrier_id(%barrier3A_30)
    "tpu.region"() ({
      %run_scoped3A = tpu.sem_alloc : memref<!tpu.dma_semaphore, #tpu.memory_space<semaphore_mem>>
      %dma_start3A = arith.constant 0 : i32
      %dma_start3A_31 = tpu.memref_slice %arg6[%arg0, %mul3A_2, %dma_start3A] : memref<2x10240x128xf32, #tpu.memory_space<hbm>> -> memref<1x640x128xf32, #tpu.memory_space<hbm>>
      %dma_start3A_32 = tpu.memref_squeeze %dma_start3A_31 : memref<1x640x128xf32, #tpu.memory_space<hbm>> -> memref<640x128xf32, #tpu.memory_space<hbm>>
      %dma_start3A_33 = arith.constant 0 : i32
      %dma_start3A_34 = tpu.memref_slice %arg11[%mul3A_2, %dma_start3A_33] : memref<10240x128xf32, #tpu.memory_space<vmem_shared>> -> memref<640x128xf32, #tpu.memory_space<vmem_shared>>
      tpu.enqueue_dma source(%dma_start3A_34 : memref<640x128xf32, #tpu.memory_space<vmem_shared>>) target(%dma_start3A_32 : memref<640x128xf32, #tpu.memory_space<hbm>>) target_semaphore(%run_scoped3A : memref<!tpu.dma_semaphore, #tpu.memory_space<semaphore_mem>>)
      %dma_wait3A = arith.constant 0 : i32
      %dma_wait3A_35 = tpu.memref_slice %arg6[%arg0, %mul3A_2, %dma_wait3A] : memref<2x10240x128xf32, #tpu.memory_space<hbm>> -> memref<1x640x128xf32, #tpu.memory_space<hbm>>
      %dma_wait3A_36 = tpu.memref_squeeze %dma_wait3A_35 : memref<1x640x128xf32, #tpu.memory_space<hbm>> -> memref<640x128xf32, #tpu.memory_space<hbm>>
      %dma_wait3A_37 = arith.constant 0 : i32
      %dma_wait3A_38 = tpu.memref_slice %arg11[%mul3A_2, %dma_wait3A_37] : memref<10240x128xf32, #tpu.memory_space<vmem_shared>> -> memref<640x128xf32, #tpu.memory_space<vmem_shared>>
      tpu.wait_dma2 semaphore(%run_scoped3A : memref<!tpu.dma_semaphore, #tpu.memory_space<semaphore_mem>>) src(%dma_wait3A_38 : memref<640x128xf32, #tpu.memory_space<vmem_shared>>) dst(%dma_wait3A_36 : memref<640x128xf32, #tpu.memory_space<hbm>>)
      tpu.yield
    }) : () -> ()
    return
  }
}

module attributes {stable_mosaic.version = 14 : i64} {
  func.func @_proj_body(%arg0: i32, %arg1: memref<1024x128xf32, #tpu.memory_space<vmem>>, %arg2: memref<128x128xf32, #tpu.memory_space<vmem>>, %arg3: memref<1x128xf32, #tpu.memory_space<vmem>>, %arg4: memref<1024x128xf32, #tpu.memory_space<vmem>>) attributes {dimension_semantics = [#tpu.dimension_semantics<arbitrary>], iteration_bounds = array<i64: 10>, scalar_prefetch = 0 : i64, scratch_operands = 0 : i64, tpu.core_type = #tpu.core_type<tc>, window_params = [{transform_indices = @transform_0, window_bounds = array<i64: 1024, 128>}, {pipeline_mode = #tpu.pipeline_mode<synchronous>, transform_indices = @transform_1, window_bounds = array<i64: 128, 128>}, {pipeline_mode = #tpu.pipeline_mode<synchronous>, transform_indices = @transform_2, window_bounds = array<i64: 1, 128>}, {transform_indices = @transform_3, window_bounds = array<i64: 1024, 128>}]} {
    %get3A = arith.constant 0 : index
    %get3A_0 = arith.constant 0 : index
    %get3A_1 = vector.load %arg1[%get3A, %get3A_0] : memref<1024x128xf32, #tpu.memory_space<vmem>>, vector<1024x128xf32>
    %get3A_2 = arith.constant 0 : index
    %get3A_3 = arith.constant 0 : index
    %get3A_4 = vector.load %arg2[%get3A_2, %get3A_3] : memref<128x128xf32, #tpu.memory_space<vmem>>, vector<128x128xf32>
    %dot_general3A = arith.constant dense<0.000000e+00> : vector<1024x128xf32>
    %dot_general3A_5 = tpu.matmul %get3A_1, %get3A_4, %dot_general3A {dimension_numbers = #tpu.dot_dimension_numbers<[1], [1], [0], [0], [0, 0, 1, 0], [], []>, precision = #tpu.contract_precision<fp32>, transpose_lhs_hint = false} : vector<1024x128xf32>, vector<128x128xf32>, vector<1024x128xf32> -> vector<1024x128xf32>
    %get3A_6 = arith.constant 0 : index
    %get3A_7 = arith.constant 0 : index
    %get3A_8 = vector.load %arg3[%get3A_6, %get3A_7] : memref<1x128xf32, #tpu.memory_space<vmem>>, vector<1x128xf32>
    %add3A = vector.broadcast %get3A_8 : vector<1x128xf32> to vector<1024x128xf32>
    %add3A_9 = arith.addf %dot_general3A_5, %add3A : vector<1024x128xf32>
    %max3A = arith.constant 0.000000e+00 : f32
    %max3A_10 = vector.broadcast %max3A : f32 to vector<1024x128xf32>
    %max3A_11 = arith.maximumf %add3A_9, %max3A_10 : vector<1024x128xf32>
    %swap3A = arith.constant 0 : index
    %swap3A_12 = arith.constant 0 : index
    %swap3A_13 = vector.load %arg4[%swap3A, %swap3A_12] : memref<1024x128xf32, #tpu.memory_space<vmem>>, vector<1024x128xf32>
    tpu.vector_store %arg4[%swap3A, %swap3A_12], %max3A_11 {strides = array<i32>} : memref<1024x128xf32, #tpu.memory_space<vmem>>, vector<1024x128xf32>,
    return
  }
  func.func @transform_0(%arg0: i32) -> (i32, i32) {
    %c0_i32 = arith.constant 0 : i32
    %c0_i32_0 = arith.constant 0 : i32
    return %arg0, %c0_i32 : i32, i32
  }
  func.func @transform_1(%arg0: i32) -> (i32, i32) {
    %c0_i32 = arith.constant 0 : i32
    %c0_i32_0 = arith.constant 0 : i32
    %c0_i32_1 = arith.constant 0 : i32
    return %c0_i32, %c0_i32_0 : i32, i32
  }
  func.func @transform_2(%arg0: i32) -> (i32, i32) {
    %c0_i32 = arith.constant 0 : i32
    %c0_i32_0 = arith.constant 0 : i32
    %c0_i32_1 = arith.constant 0 : i32
    return %c0_i32, %c0_i32_0 : i32, i32
  }
  func.func @transform_3(%arg0: i32) -> (i32, i32) {
    %c0_i32 = arith.constant 0 : i32
    %c0_i32_0 = arith.constant 0 : i32
    return %arg0, %c0_i32 : i32, i32
  }
}

module attributes {stable_mosaic.version = 14 : i64} {
  func.func @_mid_body(%arg0: i32, %arg1: memref<2x1024x128xf32, #tpu.memory_space<vmem>>, %arg2: memref<32x1024xf32, #tpu.memory_space<vmem>>, %arg3: memref<1024x128xf32, #tpu.memory_space<vmem>>, %arg4: memref<128x128xf32, #tpu.memory_space<vmem>>, %arg5: memref<1x128xf32, #tpu.memory_space<vmem>>, %arg6: memref<128x128xf32, #tpu.memory_space<vmem>>, %arg7: memref<1x128xf32, #tpu.memory_space<vmem>>, %arg8: memref<1x128xf32, #tpu.memory_space<vmem>>, %arg9: memref<128x128xf32, #tpu.memory_space<vmem>>, %arg10: memref<1x128xf32, #tpu.memory_space<vmem>>, %arg11: memref<1024x128xf32, #tpu.memory_space<vmem>>, %arg12: memref<1024x128xf32, #tpu.memory_space<vmem>>) attributes {dimension_semantics = [#tpu.dimension_semantics<arbitrary>], iteration_bounds = array<i64: 10>, scalar_prefetch = 0 : i64, scratch_operands = 0 : i64, tpu.core_type = #tpu.core_type<tc>, window_params = [{transform_indices = @transform_0, window_bounds = array<i64: 2, 1024, 128>}, {transform_indices = @transform_1, window_bounds = array<i64: 32, 1024>}, {transform_indices = @transform_2, window_bounds = array<i64: 1024, 128>}, {pipeline_mode = #tpu.pipeline_mode<synchronous>, transform_indices = @transform_3, window_bounds = array<i64: 128, 128>}, {pipeline_mode = #tpu.pipeline_mode<synchronous>, transform_indices = @transform_4, window_bounds = array<i64: 1, 128>}, {pipeline_mode = #tpu.pipeline_mode<synchronous>, transform_indices = @transform_5, window_bounds = array<i64: 128, 128>}, {pipeline_mode = #tpu.pipeline_mode<synchronous>, transform_indices = @transform_6, window_bounds = array<i64: 1, 128>}, {pipeline_mode = #tpu.pipeline_mode<synchronous>, transform_indices = @transform_7, window_bounds = array<i64: 1, 128>}, {pipeline_mode = #tpu.pipeline_mode<synchronous>, transform_indices = @transform_8, window_bounds = array<i64: 128, 128>}, {pipeline_mode = #tpu.pipeline_mode<synchronous>, transform_indices = @transform_9, window_bounds = array<i64: 1, 128>}, {transform_indices = @transform_10, window_bounds = array<i64: 1024, 128>}, {transform_indices = @transform_11, window_bounds = array<i64: 1024, 128>}]} {
    %get3A = arith.constant 0 : index
    %get3A_0 = arith.constant 0 : index
    %get3A_1 = arith.constant 0 : index
    %get3A_2 = vector.load %arg1[%get3A, %get3A_0, %get3A_1] : memref<2x1024x128xf32, #tpu.memory_space<vmem>>, vector<1x1024x128xf32>
    %get3A_3 = vector.shape_cast %get3A_2 : vector<1x1024x128xf32> to vector<1024x128xf32>
    %get3A_4 = arith.constant 1 : index
    %get3A_5 = arith.constant 0 : index
    %get3A_6 = arith.constant 0 : index
    %get3A_7 = vector.load %arg1[%get3A_4, %get3A_5, %get3A_6] : memref<2x1024x128xf32, #tpu.memory_space<vmem>>, vector<1x1024x128xf32>
    %get3A_8 = vector.shape_cast %get3A_7 : vector<1x1024x128xf32> to vector<1024x128xf32>
    %add3A = arith.addf %get3A_3, %get3A_8 : vector<1024x128xf32>
    %get3A_9 = arith.constant 0 : index
    %get3A_10 = arith.constant 0 : index
    %get3A_11 = vector.load %arg2[%get3A_9, %get3A_10] : memref<32x1024xf32, #tpu.memory_space<vmem>>, vector<32x1024xf32>
    %reduce_sum3A = arith.constant dense<0.000000e+00> : vector<1024xf32>
    %reduce_sum3A_12 = vector.multi_reduction <add>, %get3A_11, %reduce_sum3A [0] : vector<32x1024xf32> to vector<1024xf32>
    %broadcast_in_dim3A = vector.shape_cast %reduce_sum3A_12 : vector<1024xf32> to vector<1024x1xf32>
    %max3A = arith.constant 1.000000e+00 : f32
    %max3A_13 = vector.broadcast %max3A : f32 to vector<1024x1xf32>
    %max3A_14 = arith.maximumf %broadcast_in_dim3A, %max3A_13 : vector<1024x1xf32>
    %div3A = vector.broadcast %max3A_14 : vector<1024x1xf32> to vector<1024x128xf32>
    %div3A_15 = arith.divf %add3A, %div3A : vector<1024x128xf32>
    %get3A_16 = arith.constant 0 : index
    %get3A_17 = arith.constant 0 : index
    %get3A_18 = vector.load %arg4[%get3A_16, %get3A_17] : memref<128x128xf32, #tpu.memory_space<vmem>>, vector<128x128xf32>
    %dot_general3A = arith.constant dense<0.000000e+00> : vector<1024x128xf32>
    %dot_general3A_19 = tpu.matmul %div3A_15, %get3A_18, %dot_general3A {dimension_numbers = #tpu.dot_dimension_numbers<[1], [1], [0], [0], [0, 0, 1, 0], [], []>, precision = #tpu.contract_precision<fp32>, transpose_lhs_hint = false} : vector<1024x128xf32>, vector<128x128xf32>, vector<1024x128xf32> -> vector<1024x128xf32>
    %get3A_20 = arith.constant 0 : index
    %get3A_21 = arith.constant 0 : index
    %get3A_22 = vector.load %arg5[%get3A_20, %get3A_21] : memref<1x128xf32, #tpu.memory_space<vmem>>, vector<1x128xf32>
    %add3A_23 = vector.broadcast %get3A_22 : vector<1x128xf32> to vector<1024x128xf32>
    %add3A_24 = arith.addf %dot_general3A_19, %add3A_23 : vector<1024x128xf32>
    %get3A_25 = arith.constant 0 : index
    %get3A_26 = arith.constant 0 : index
    %get3A_27 = vector.load %arg3[%get3A_25, %get3A_26] : memref<1024x128xf32, #tpu.memory_space<vmem>>, vector<1024x128xf32>
    %get3A_28 = arith.constant 0 : index
    %get3A_29 = arith.constant 0 : index
    %get3A_30 = vector.load %arg6[%get3A_28, %get3A_29] : memref<128x128xf32, #tpu.memory_space<vmem>>, vector<128x128xf32>
    %dot_general3A_31 = arith.constant dense<0.000000e+00> : vector<1024x128xf32>
    %dot_general3A_32 = tpu.matmul %get3A_27, %get3A_30, %dot_general3A_31 {dimension_numbers = #tpu.dot_dimension_numbers<[1], [1], [0], [0], [0, 0, 1, 0], [], []>, precision = #tpu.contract_precision<fp32>, transpose_lhs_hint = false} : vector<1024x128xf32>, vector<128x128xf32>, vector<1024x128xf32> -> vector<1024x128xf32>
    %add3A_33 = arith.addf %add3A_24, %dot_general3A_32 : vector<1024x128xf32>
    %reduce_sum3A_34 = arith.constant dense<0.000000e+00> : vector<1024xf32>
    %reduce_sum3A_35 = vector.multi_reduction <add>, %add3A_33, %reduce_sum3A_34 [1] : vector<1024x128xf32> to vector<1024xf32>
    %broadcast_in_dim3A_36 = vector.shape_cast %reduce_sum3A_35 : vector<1024xf32> to vector<1024x1xf32>
    %div3A_37 = arith.constant 1.280000e+02 : f32
    %div3A_38 = vector.broadcast %div3A_37 : f32 to vector<1024x1xf32>
    %div3A_39 = arith.divf %broadcast_in_dim3A_36, %div3A_38 : vector<1024x1xf32>
    %sub3A = vector.broadcast %div3A_39 : vector<1024x1xf32> to vector<1024x128xf32>
    %sub3A_40 = arith.subf %add3A_33, %sub3A : vector<1024x128xf32>
    %mul3A = arith.mulf %sub3A_40, %sub3A_40 : vector<1024x128xf32>
    %reduce_sum3A_41 = arith.constant dense<0.000000e+00> : vector<1024xf32>
    %reduce_sum3A_42 = vector.multi_reduction <add>, %mul3A, %reduce_sum3A_41 [1] : vector<1024x128xf32> to vector<1024xf32>
    %broadcast_in_dim3A_43 = vector.shape_cast %reduce_sum3A_42 : vector<1024xf32> to vector<1024x1xf32>
    %div3A_44 = arith.constant 1.280000e+02 : f32
    %div3A_45 = vector.broadcast %div3A_44 : f32 to vector<1024x1xf32>
    %div3A_46 = arith.divf %broadcast_in_dim3A_43, %div3A_45 : vector<1024x1xf32>
    %add3A_47 = arith.constant 9.99999974E-6 : f32
    %add3A_48 = vector.broadcast %add3A_47 : f32 to vector<1024x1xf32>
    %add3A_49 = arith.addf %div3A_46, %add3A_48 : vector<1024x1xf32>
    %sqrt3A = math.sqrt %add3A_49 : vector<1024x1xf32>
    %div3A_50 = vector.broadcast %sqrt3A : vector<1024x1xf32> to vector<1024x128xf32>
    %div3A_51 = arith.divf %sub3A_40, %div3A_50 : vector<1024x128xf32>
    %get3A_52 = arith.constant 0 : index
    %get3A_53 = arith.constant 0 : index
    %get3A_54 = vector.load %arg7[%get3A_52, %get3A_53] : memref<1x128xf32, #tpu.memory_space<vmem>>, vector<1x128xf32>
    %mul3A_55 = vector.broadcast %get3A_54 : vector<1x128xf32> to vector<1024x128xf32>
    %mul3A_56 = arith.mulf %div3A_51, %mul3A_55 : vector<1024x128xf32>
    %get3A_57 = arith.constant 0 : index
    %get3A_58 = arith.constant 0 : index
    %get3A_59 = vector.load %arg8[%get3A_57, %get3A_58] : memref<1x128xf32, #tpu.memory_space<vmem>>, vector<1x128xf32>
    %add3A_60 = vector.broadcast %get3A_59 : vector<1x128xf32> to vector<1024x128xf32>
    %add3A_61 = arith.addf %mul3A_56, %add3A_60 : vector<1024x128xf32>
    %swap3A = arith.constant 0 : index
    %swap3A_62 = arith.constant 0 : index
    %swap3A_63 = vector.load %arg11[%swap3A, %swap3A_62] : memref<1024x128xf32, #tpu.memory_space<vmem>>, vector<1024x128xf32>
    tpu.vector_store %arg11[%swap3A, %swap3A_62], %add3A_61 {strides = array<i32>} : memref<1024x128xf32, #tpu.memory_space<vmem>>, vector<1024x128xf32>,
    %get3A_64 = arith.constant 0 : index
    %get3A_65 = arith.constant 0 : index
    %get3A_66 = vector.load %arg9[%get3A_64, %get3A_65] : memref<128x128xf32, #tpu.memory_space<vmem>>, vector<128x128xf32>
    %dot_general3A_67 = arith.constant dense<0.000000e+00> : vector<1024x128xf32>
    %dot_general3A_68 = tpu.matmul %add3A_61, %get3A_66, %dot_general3A_67 {dimension_numbers = #tpu.dot_dimension_numbers<[1], [1], [0], [0], [0, 0, 1, 0], [], []>, precision = #tpu.contract_precision<fp32>, transpose_lhs_hint = false} : vector<1024x128xf32>, vector<128x128xf32>, vector<1024x128xf32> -> vector<1024x128xf32>
    %get3A_69 = arith.constant 0 : index
    %get3A_70 = arith.constant 0 : index
    %get3A_71 = vector.load %arg10[%get3A_69, %get3A_70] : memref<1x128xf32, #tpu.memory_space<vmem>>, vector<1x128xf32>
    %add3A_72 = vector.broadcast %get3A_71 : vector<1x128xf32> to vector<1024x128xf32>
    %add3A_73 = arith.addf %dot_general3A_68, %add3A_72 : vector<1024x128xf32>
    %max3A_74 = arith.constant 0.000000e+00 : f32
    %max3A_75 = vector.broadcast %max3A_74 : f32 to vector<1024x128xf32>
    %max3A_76 = arith.maximumf %add3A_73, %max3A_75 : vector<1024x128xf32>
    %swap3A_77 = arith.constant 0 : index
    %swap3A_78 = arith.constant 0 : index
    %swap3A_79 = vector.load %arg12[%swap3A_77, %swap3A_78] : memref<1024x128xf32, #tpu.memory_space<vmem>>, vector<1024x128xf32>
    tpu.vector_store %arg12[%swap3A_77, %swap3A_78], %max3A_76 {strides = array<i32>} : memref<1024x128xf32, #tpu.memory_space<vmem>>, vector<1024x128xf32>,
    return
  }
  func.func @transform_0(%arg0: i32) -> (i32, i32, i32) {
    %c0_i32 = arith.constant 0 : i32
    %c0_i32_0 = arith.constant 0 : i32
    %c0_i32_1 = arith.constant 0 : i32
    return %c0_i32, %arg0, %c0_i32_0 : i32, i32, i32
  }
  func.func @transform_1(%arg0: i32) -> (i32, i32) {
    %c0_i32 = arith.constant 0 : i32
    %c0_i32_0 = arith.constant 0 : i32
    return %c0_i32, %arg0 : i32, i32
  }
  func.func @transform_2(%arg0: i32) -> (i32, i32) {
    %c0_i32 = arith.constant 0 : i32
    %c0_i32_0 = arith.constant 0 : i32
    return %arg0, %c0_i32 : i32, i32
  }
  func.func @transform_3(%arg0: i32) -> (i32, i32) {
    %c0_i32 = arith.constant 0 : i32
    %c0_i32_0 = arith.constant 0 : i32
    %c0_i32_1 = arith.constant 0 : i32
    return %c0_i32, %c0_i32_0 : i32, i32
  }
  func.func @transform_4(%arg0: i32) -> (i32, i32) {
    %c0_i32 = arith.constant 0 : i32
    %c0_i32_0 = arith.constant 0 : i32
    %c0_i32_1 = arith.constant 0 : i32
    return %c0_i32, %c0_i32_0 : i32, i32
  }
  func.func @transform_5(%arg0: i32) -> (i32, i32) {
    %c0_i32 = arith.constant 0 : i32
    %c0_i32_0 = arith.constant 0 : i32
    %c0_i32_1 = arith.constant 0 : i32
    return %c0_i32, %c0_i32_0 : i32, i32
  }
  func.func @transform_6(%arg0: i32) -> (i32, i32) {
    %c0_i32 = arith.constant 0 : i32
    %c0_i32_0 = arith.constant 0 : i32
    %c0_i32_1 = arith.constant 0 : i32
    return %c0_i32, %c0_i32_0 : i32, i32
  }
  func.func @transform_7(%arg0: i32) -> (i32, i32) {
    %c0_i32 = arith.constant 0 : i32
    %c0_i32_0 = arith.constant 0 : i32
    %c0_i32_1 = arith.constant 0 : i32
    return %c0_i32, %c0_i32_0 : i32, i32
  }
  func.func @transform_8(%arg0: i32) -> (i32, i32) {
    %c0_i32 = arith.constant 0 : i32
    %c0_i32_0 = arith.constant 0 : i32
    %c0_i32_1 = arith.constant 0 : i32
    return %c0_i32, %c0_i32_0 : i32, i32
  }
  func.func @transform_9(%arg0: i32) -> (i32, i32) {
    %c0_i32 = arith.constant 0 : i32
    %c0_i32_0 = arith.constant 0 : i32
    %c0_i32_1 = arith.constant 0 : i32
    return %c0_i32, %c0_i32_0 : i32, i32
  }
  func.func @transform_10(%arg0: i32) -> (i32, i32) {
    %c0_i32 = arith.constant 0 : i32
    %c0_i32_0 = arith.constant 0 : i32
    return %arg0, %c0_i32 : i32, i32
  }
  func.func @transform_11(%arg0: i32) -> (i32, i32) {
    %c0_i32 = arith.constant 0 : i32
    %c0_i32_0 = arith.constant 0 : i32
    return %arg0, %c0_i32 : i32, i32
  }
}

module attributes {stable_mosaic.version = 14 : i64} {
  func.func @_final_body(%arg0: i32, %arg1: memref<2x1024x128xf32, #tpu.memory_space<vmem>>, %arg2: memref<32x1024xf32, #tpu.memory_space<vmem>>, %arg3: memref<1024x128xf32, #tpu.memory_space<vmem>>, %arg4: memref<128x128xf32, #tpu.memory_space<vmem>>, %arg5: memref<1x128xf32, #tpu.memory_space<vmem>>, %arg6: memref<128x128xf32, #tpu.memory_space<vmem>>, %arg7: memref<1x128xf32, #tpu.memory_space<vmem>>, %arg8: memref<1x128xf32, #tpu.memory_space<vmem>>, %arg9: memref<1024x128xf32, #tpu.memory_space<vmem>>) attributes {dimension_semantics = [#tpu.dimension_semantics<arbitrary>], iteration_bounds = array<i64: 10>, scalar_prefetch = 0 : i64, scratch_operands = 0 : i64, tpu.core_type = #tpu.core_type<tc>, window_params = [{transform_indices = @transform_0, window_bounds = array<i64: 2, 1024, 128>}, {transform_indices = @transform_1, window_bounds = array<i64: 32, 1024>}, {transform_indices = @transform_2, window_bounds = array<i64: 1024, 128>}, {pipeline_mode = #tpu.pipeline_mode<synchronous>, transform_indices = @transform_3, window_bounds = array<i64: 128, 128>}, {pipeline_mode = #tpu.pipeline_mode<synchronous>, transform_indices = @transform_4, window_bounds = array<i64: 1, 128>}, {pipeline_mode = #tpu.pipeline_mode<synchronous>, transform_indices = @transform_5, window_bounds = array<i64: 128, 128>}, {pipeline_mode = #tpu.pipeline_mode<synchronous>, transform_indices = @transform_6, window_bounds = array<i64: 1, 128>}, {pipeline_mode = #tpu.pipeline_mode<synchronous>, transform_indices = @transform_7, window_bounds = array<i64: 1, 128>}, {transform_indices = @transform_8, window_bounds = array<i64: 1024, 128>}]} {
    %get3A = arith.constant 0 : index
    %get3A_0 = arith.constant 0 : index
    %get3A_1 = arith.constant 0 : index
    %get3A_2 = vector.load %arg1[%get3A, %get3A_0, %get3A_1] : memref<2x1024x128xf32, #tpu.memory_space<vmem>>, vector<1x1024x128xf32>
    %get3A_3 = vector.shape_cast %get3A_2 : vector<1x1024x128xf32> to vector<1024x128xf32>
    %get3A_4 = arith.constant 1 : index
    %get3A_5 = arith.constant 0 : index
    %get3A_6 = arith.constant 0 : index
    %get3A_7 = vector.load %arg1[%get3A_4, %get3A_5, %get3A_6] : memref<2x1024x128xf32, #tpu.memory_space<vmem>>, vector<1x1024x128xf32>
    %get3A_8 = vector.shape_cast %get3A_7 : vector<1x1024x128xf32> to vector<1024x128xf32>
    %add3A = arith.addf %get3A_3, %get3A_8 : vector<1024x128xf32>
    %get3A_9 = arith.constant 0 : index
    %get3A_10 = arith.constant 0 : index
    %get3A_11 = vector.load %arg2[%get3A_9, %get3A_10] : memref<32x1024xf32, #tpu.memory_space<vmem>>, vector<32x1024xf32>
    %reduce_sum3A = arith.constant dense<0.000000e+00> : vector<1024xf32>
    %reduce_sum3A_12 = vector.multi_reduction <add>, %get3A_11, %reduce_sum3A [0] : vector<32x1024xf32> to vector<1024xf32>
    %broadcast_in_dim3A = vector.shape_cast %reduce_sum3A_12 : vector<1024xf32> to vector<1024x1xf32>
    %max3A = arith.constant 1.000000e+00 : f32
    %max3A_13 = vector.broadcast %max3A : f32 to vector<1024x1xf32>
    %max3A_14 = arith.maximumf %broadcast_in_dim3A, %max3A_13 : vector<1024x1xf32>
    %div3A = vector.broadcast %max3A_14 : vector<1024x1xf32> to vector<1024x128xf32>
    %div3A_15 = arith.divf %add3A, %div3A : vector<1024x128xf32>
    %get3A_16 = arith.constant 0 : index
    %get3A_17 = arith.constant 0 : index
    %get3A_18 = vector.load %arg4[%get3A_16, %get3A_17] : memref<128x128xf32, #tpu.memory_space<vmem>>, vector<128x128xf32>
    %dot_general3A = arith.constant dense<0.000000e+00> : vector<1024x128xf32>
    %dot_general3A_19 = tpu.matmul %div3A_15, %get3A_18, %dot_general3A {dimension_numbers = #tpu.dot_dimension_numbers<[1], [1], [0], [0], [0, 0, 1, 0], [], []>, precision = #tpu.contract_precision<fp32>, transpose_lhs_hint = false} : vector<1024x128xf32>, vector<128x128xf32>, vector<1024x128xf32> -> vector<1024x128xf32>
    %get3A_20 = arith.constant 0 : index
    %get3A_21 = arith.constant 0 : index
    %get3A_22 = vector.load %arg5[%get3A_20, %get3A_21] : memref<1x128xf32, #tpu.memory_space<vmem>>, vector<1x128xf32>
    %add3A_23 = vector.broadcast %get3A_22 : vector<1x128xf32> to vector<1024x128xf32>
    %add3A_24 = arith.addf %dot_general3A_19, %add3A_23 : vector<1024x128xf32>
    %get3A_25 = arith.constant 0 : index
    %get3A_26 = arith.constant 0 : index
    %get3A_27 = vector.load %arg3[%get3A_25, %get3A_26] : memref<1024x128xf32, #tpu.memory_space<vmem>>, vector<1024x128xf32>
    %get3A_28 = arith.constant 0 : index
    %get3A_29 = arith.constant 0 : index
    %get3A_30 = vector.load %arg6[%get3A_28, %get3A_29] : memref<128x128xf32, #tpu.memory_space<vmem>>, vector<128x128xf32>
    %dot_general3A_31 = arith.constant dense<0.000000e+00> : vector<1024x128xf32>
    %dot_general3A_32 = tpu.matmul %get3A_27, %get3A_30, %dot_general3A_31 {dimension_numbers = #tpu.dot_dimension_numbers<[1], [1], [0], [0], [0, 0, 1, 0], [], []>, precision = #tpu.contract_precision<fp32>, transpose_lhs_hint = false} : vector<1024x128xf32>, vector<128x128xf32>, vector<1024x128xf32> -> vector<1024x128xf32>
    %add3A_33 = arith.addf %add3A_24, %dot_general3A_32 : vector<1024x128xf32>
    %reduce_sum3A_34 = arith.constant dense<0.000000e+00> : vector<1024xf32>
    %reduce_sum3A_35 = vector.multi_reduction <add>, %add3A_33, %reduce_sum3A_34 [1] : vector<1024x128xf32> to vector<1024xf32>
    %broadcast_in_dim3A_36 = vector.shape_cast %reduce_sum3A_35 : vector<1024xf32> to vector<1024x1xf32>
    %div3A_37 = arith.constant 1.280000e+02 : f32
    %div3A_38 = vector.broadcast %div3A_37 : f32 to vector<1024x1xf32>
    %div3A_39 = arith.divf %broadcast_in_dim3A_36, %div3A_38 : vector<1024x1xf32>
    %sub3A = vector.broadcast %div3A_39 : vector<1024x1xf32> to vector<1024x128xf32>
    %sub3A_40 = arith.subf %add3A_33, %sub3A : vector<1024x128xf32>
    %mul3A = arith.mulf %sub3A_40, %sub3A_40 : vector<1024x128xf32>
    %reduce_sum3A_41 = arith.constant dense<0.000000e+00> : vector<1024xf32>
    %reduce_sum3A_42 = vector.multi_reduction <add>, %mul3A, %reduce_sum3A_41 [1] : vector<1024x128xf32> to vector<1024xf32>
    %broadcast_in_dim3A_43 = vector.shape_cast %reduce_sum3A_42 : vector<1024xf32> to vector<1024x1xf32>
    %div3A_44 = arith.constant 1.280000e+02 : f32
    %div3A_45 = vector.broadcast %div3A_44 : f32 to vector<1024x1xf32>
    %div3A_46 = arith.divf %broadcast_in_dim3A_43, %div3A_45 : vector<1024x1xf32>
    %add3A_47 = arith.constant 9.99999974E-6 : f32
    %add3A_48 = vector.broadcast %add3A_47 : f32 to vector<1024x1xf32>
    %add3A_49 = arith.addf %div3A_46, %add3A_48 : vector<1024x1xf32>
    %sqrt3A = math.sqrt %add3A_49 : vector<1024x1xf32>
    %div3A_50 = vector.broadcast %sqrt3A : vector<1024x1xf32> to vector<1024x128xf32>
    %div3A_51 = arith.divf %sub3A_40, %div3A_50 : vector<1024x128xf32>
    %get3A_52 = arith.constant 0 : index
    %get3A_53 = arith.constant 0 : index
    %get3A_54 = vector.load %arg7[%get3A_52, %get3A_53] : memref<1x128xf32, #tpu.memory_space<vmem>>, vector<1x128xf32>
    %mul3A_55 = vector.broadcast %get3A_54 : vector<1x128xf32> to vector<1024x128xf32>
    %mul3A_56 = arith.mulf %div3A_51, %mul3A_55 : vector<1024x128xf32>
    %get3A_57 = arith.constant 0 : index
    %get3A_58 = arith.constant 0 : index
    %get3A_59 = vector.load %arg8[%get3A_57, %get3A_58] : memref<1x128xf32, #tpu.memory_space<vmem>>, vector<1x128xf32>
    %add3A_60 = vector.broadcast %get3A_59 : vector<1x128xf32> to vector<1024x128xf32>
    %add3A_61 = arith.addf %mul3A_56, %add3A_60 : vector<1024x128xf32>
    %swap3A = arith.constant 0 : index
    %swap3A_62 = arith.constant 0 : index
    %swap3A_63 = vector.load %arg9[%swap3A, %swap3A_62] : memref<1024x128xf32, #tpu.memory_space<vmem>>, vector<1024x128xf32>
    tpu.vector_store %arg9[%swap3A, %swap3A_62], %add3A_61 {strides = array<i32>} : memref<1024x128xf32, #tpu.memory_space<vmem>>, vector<1024x128xf32>,
    return
  }
  func.func @transform_0(%arg0: i32) -> (i32, i32, i32) {
    %c0_i32 = arith.constant 0 : i32
    %c0_i32_0 = arith.constant 0 : i32
    %c0_i32_1 = arith.constant 0 : i32
    return %c0_i32, %arg0, %c0_i32_0 : i32, i32, i32
  }
  func.func @transform_1(%arg0: i32) -> (i32, i32) {
    %c0_i32 = arith.constant 0 : i32
    %c0_i32_0 = arith.constant 0 : i32
    return %c0_i32, %arg0 : i32, i32
  }
  func.func @transform_2(%arg0: i32) -> (i32, i32) {
    %c0_i32 = arith.constant 0 : i32
    %c0_i32_0 = arith.constant 0 : i32
    return %arg0, %c0_i32 : i32, i32
  }
  func.func @transform_3(%arg0: i32) -> (i32, i32) {
    %c0_i32 = arith.constant 0 : i32
    %c0_i32_0 = arith.constant 0 : i32
    %c0_i32_1 = arith.constant 0 : i32
    return %c0_i32, %c0_i32_0 : i32, i32
  }
  func.func @transform_4(%arg0: i32) -> (i32, i32) {
    %c0_i32 = arith.constant 0 : i32
    %c0_i32_0 = arith.constant 0 : i32
    %c0_i32_1 = arith.constant 0 : i32
    return %c0_i32, %c0_i32_0 : i32, i32
  }
  func.func @transform_5(%arg0: i32) -> (i32, i32) {
    %c0_i32 = arith.constant 0 : i32
    %c0_i32_0 = arith.constant 0 : i32
    %c0_i32_1 = arith.constant 0 : i32
    return %c0_i32, %c0_i32_0 : i32, i32
  }
  func.func @transform_6(%arg0: i32) -> (i32, i32) {
    %c0_i32 = arith.constant 0 : i32
    %c0_i32_0 = arith.constant 0 : i32
    %c0_i32_1 = arith.constant 0 : i32
    return %c0_i32, %c0_i32_0 : i32, i32
  }
  func.func @transform_7(%arg0: i32) -> (i32, i32) {
    %c0_i32 = arith.constant 0 : i32
    %c0_i32_0 = arith.constant 0 : i32
    %c0_i32_1 = arith.constant 0 : i32
    return %c0_i32, %c0_i32_0 : i32, i32
  }
  func.func @transform_8(%arg0: i32) -> (i32, i32) {
    %c0_i32 = arith.constant 0 : i32
    %c0_i32_0 = arith.constant 0 : i32
    return %arg0, %c0_i32 : i32, i32
  }
}

</mosaic_0001>

<sc_bundles>
// kernel: kernel.10.cloned.1.call-start
scs
__scs_entry_jumppad:
0x0: {  	(pc) =	sbr.rel $0x88, $3  }
0x1: {  	(tag) =	ssettag $0x0;
	lr =	simm.s32 $0x1  }
0x2: {  	[smem:$0x3F91] =	sst lr;
	_ =	strace $0xD0000000  }
0x3: {  	_ = 	snop  }
0x4: {  	_ = 	snop  }
0x5: {  	_ = 	snop  }
0x6: {  	_ = 	snop  }
0x7: {  	_ = 	snop  }
__scs_overlays_trampoline_lowered:
0x8: {  	[smem:$0x3FA0] =	sst s0  }
0x9: {  	[smem:$0x3FA1] =	sst s1  }
0xa: {  	[smem:$0x3FA2] =	sst s2  }
0xb: {  	[smem:$0x3FA3] =	sst s3  }
0xc: {  	[smem:$0x3FA4] =	sst s4  }
0xd: {  	[smem:$0x3FA5] =	sst s5  }
0xe: {  	[smem:$0x3FA6] =	sst s6  }
0xf: {  	[smem:$0x3FA7] =	sst s7  }
0x10: {  	[smem:$0x3FA8] =	sst s8  }
0x11: {  	[smem:$0x3FA9] =	sst s9;
	s0 =	simm.s32 @!p0 $0x0  }
0x12: {  	s1 =	sld [smem:$0x3F8F];
	s0 =	simm.s32 @p0 $0x1  }
0x13: {  	[smem:$0x3FAA] =	sst s0;
	s0 =	simm.s32 @!p1 $0x0  }
0x14: {  	s2 =	sld [smem:$0x3F8E];
	s0 =	simm.s32 @p1 $0x1  }
0x15: {  	[smem:$0x3FAB] =	sst s0;
	s0 =	simm.s32 @!p2 $0x0  }
0x16: {  	s3 =	sld [smem:$0x3FDB];
	s0 =	simm.s32 @p2 $0x1  }
0x17: {  	s4 =	simm.s32 $0x1BF5;
	[smem:$0x3FAD] =	sst s0  }
0x18: {  	s0 =	sld [smem:$0x3F90];
	_ =	swait.ge [sflag:s4], $0x0  }
0x19: {  	s7 =	sld [smem:$0x3F91]  }
0x1a: {  	s8 =	sadd.s32 $0xFFFFE003, lr  }
0x1b: {  	s9 =	sadd.s32 $0xFFFFFEF7, lr;
	s5 =	simm.s32 $0xFFFFFFFF;
	p2 =	slt.u32 s8, $0xFFFFF086  }
0x1c: {  	p1 =	slt.u32 s9, $0xF7A;
	s5 =	simm.s32 @!p2 $0x0  }
0x1d: {  	s5 =	simm.s32 @p1 $0x1;
	p0 =	seq.s32 s7, s2  }
0x1e: {  	s7 =	smul.u32 @!p0 $0xF7A, s2;
	p2 =	seq.s32 @!p0 s5, $0x0  }
0x1f: {  	s9 =	smul.u32 $0xF7A, s1;
	s8 =	simm.s32 @!p0 $0x1BF5;
	p2 =	por !p2, p0  }
0x20: {  	[sflag:s8] =	ssyncset.s32 @!p0 $0xFFFFF086;
	s6 =	sadd.s32 @!p0 s3, s7;
	s7 =	simm.s32 @!p0 $0x108  }
0x21: {  	s3 =	sadd.s32 s3, s9;
	s6 =	sadd.s32 @!p0 $0x88, s6;
	s7 =	simm.s32 @p2 $0x1082  }
0x22: {  	[simem:s7], [sflag:s8] =	dma.local @!p0 [hbm:s6], $0xF7A  }
0x23: {  	s9 =	sor.u32 $0xD0000000, s2;
	s6 =	simm.s32 $0x108;
	_ =	swait.ge @!p0 [sflag:s8], $0x0  }
0x24: {  	s3 =	sadd.s32 $0x88, s3;
	s6 =	simm.s32 @!p1 $0x1082;
	[sflag:s4] =	ssyncset.s32 $0xFFFFF086  }
0x25: {  	[simem:s6], [sflag:s4] =	dma.local [hbm:s3], $0xF7A  }
0x26: {  	[smem:$0x3F91] =	sst s1;
	(tag) =	ssettag s2;
	_ =	strace s9  }
0x27: {  	s1 =	sld [smem:$0x3FA1]  }
0x28: {  	s2 =	sld [smem:$0x3FA2]  }
0x29: {  	s4 =	sld [smem:$0x3FA4]  }
0x2a: {  	p0 =	seq.s32 s5, $0x0;
	s5 =	sld [smem:$0x3FA5]  }
0x2b: {  	s6 =	sld [smem:$0x3FA6]  }
0x2c: {  	s7 =	sld [smem:$0x3FA7]  }
0x2d: {  	s3 =	simm.s32 $0x108;
	s8 =	sld [smem:$0x3FA8]  }
0x2e: {  	s3 =	simm.s32 @!p0 $0x1082;
	s9 =	sld [smem:$0x3FA9]  }
0x2f: {  	lr =	sadd.s32 s0, s3;
	s0 =	sld [smem:$0x3FA0]  }
0x30: {  	s3 =	sld [smem:$0x3FA3]  }
0x31: {  	[smem:$0x3FAC] =	sst s10  }
0x32: {  	s10 =	sld [smem:$0x3FAA];
	_ =	sdelay $0x3  }
0x33: {  	p0 =	seq.s32 s10, $0x1;
	s10 =	sld [smem:$0x3FAC];
	_ =	sdelay $0x3  }
0x34: {  	[smem:$0x3FAC] =	sst s10  }
0x35: {  	s10 =	sld [smem:$0x3FAB];
	_ =	sdelay $0x3  }
0x36: {  	p1 =	seq.s32 s10, $0x1;
	s10 =	sld [smem:$0x3FAC];
	_ =	sdelay $0x3  }
0x37: {  	[smem:$0x3FAC] =	sst s10  }
0x38: {  	s10 =	sld [smem:$0x3FAD]  }
0x39: {  	_ = 	snop;
	(pc) =	sbr.ind lr, $3  }
0x3a: {  	_ = 	snop  }
0x3b: {  	_ = 	snop  }
0x3c: {  	p2 =	seq.s32 s10, $0x1;
	s10 =	sld [smem:$0x3FAC]  }
0x3d: {  	_ =	shalt  }
0x3e: {  	_ =	shalt  }
0x3f: {  	_ =	shalt  }
0x40: {  	_ =	shalt  }
0x41: {  	_ =	shalt  }
0x42: {  	_ =	shalt  }
0x43: {  	_ =	shalt  }
0x44: {  	_ =	shalt  }
0x45: {  	_ =	shalt  }
0x46: {  	_ =	shalt  }
0x47: {  	_ =	shalt  }
0x48: {  	_ =	shalt  }
0x49: {  	_ =	shalt  }
0x4a: {  	_ =	shalt  }
0x4b: {  	_ =	shalt  }
0x4c: {  	_ =	shalt  }
0x4d: {  	_ =	shalt  }
0x4e: {  	_ =	shalt  }
0x4f: {  	_ =	shalt  }
0x50: {  	_ =	shalt  }
0x51: {  	_ =	shalt  }
0x52: {  	_ =	shalt  }
0x53: {  	_ =	shalt  }
0x54: {  	_ =	shalt  }
0x55: {  	_ =	shalt  }
0x56: {  	_ =	shalt  }
0x57: {  	_ =	shalt  }
0x58: {  	_ =	shalt  }
0x59: {  	_ =	shalt  }
0x5a: {  	_ =	shalt  }
0x5b: {  	_ =	shalt  }
0x5c: {  	_ =	shalt  }
0x5d: {  	_ =	shalt  }
0x5e: {  	_ =	shalt  }
0x5f: {  	_ =	shalt  }
0x60: {  	_ =	shalt  }
0x61: {  	_ =	shalt  }
0x62: {  	_ =	shalt  }
0x63: {  	_ =	shalt  }
0x64: {  	_ =	shalt  }
0x65: {  	_ =	shalt  }
0x66: {  	_ =	shalt  }
0x67: {  	_ =	shalt  }
0x68: {  	_ =	shalt  }
0x69: {  	_ =	shalt  }
0x6a: {  	_ =	shalt  }
0x6b: {  	_ =	shalt  }
0x6c: {  	_ =	shalt  }
0x6d: {  	_ =	shalt  }
0x6e: {  	_ =	shalt  }
0x6f: {  	_ =	shalt  }
0x70: {  	_ =	shalt  }
0x71: {  	_ =	shalt  }
0x72: {  	_ =	shalt  }
0x73: {  	_ =	shalt  }
0x74: {  	_ =	shalt  }
0x75: {  	_ =	shalt  }
0x76: {  	_ =	shalt  }
0x77: {  	_ =	shalt  }
0x78: {  	_ =	shalt  }
0x79: {  	_ =	shalt  }
0x7a: {  	_ =	shalt  }
0x7b: {  	_ =	shalt  }
0x7c: {  	_ =	shalt  }
0x7d: {  	_ =	shalt  }
0x7e: {  	_ =	shalt  }
0x7f: {  	_ =	shalt  }
0x80: {  	_ =	shalt  }
0x81: {  	_ =	shalt  }
0x82: {  	_ =	shalt  }
0x83: {  	_ =	shalt  }
0x84: {  	_ =	shalt  }
0x85: {  	_ =	shalt  }
0x86: {  	_ =	shalt  }
0x87: {  	_ =	shalt  }
.Lfunc_end0:
.L_simem_size_0:
called_computation.1_lowered:
.L_overlay_start_0:
0x88: {  	s2 =	sld [smem:$0x3FD9]  }
0x89: {  	s3 =	sld [smem:$0x3FFE];
	_ =	sdelay $0x1  }
0x8a: {  	s1 =	srdreg.scid  }
0x8b: {  	s0 =	sand.u32 $0x1, s1  }
0x8c: {  	s17 =	sshll.u32 s0, $0xA;
	s2 =	sadd.s32 s3, s2  }
0x8d: {  	s2 =	sadd.s32 s2, s17  }
0x8e: {  	[smem:$0x3FB8] =	sst s2  }
0x8f: {  	_ = 	snop  }
0x90: {  	s2 =	sld [smem:$0x3FD0];
	(tm) =	ssettm $0x1  }
0x91: {  	s18 =	sld [smem:$0x3FFB];
	_ =	sdelay $0x3  }
0x92: {  	_ =	strace s18  }
0x93: {  	s3 =	sld [smem:$0x3FFC];
	_ =	sdelay $0x3  }
0x94: {  	_ =	strace s3  }
0x95: {  	s3 =	sld [smem:$0x3FFD];
	_ =	sdelay $0x3  }
0x96: {  	_ =	strace s3  }
0x97: {  	_ =	strace $0x8FFFFFFF  }
0x98: {  	s19 =	sld [smem:$0x3FDB];
	_ =	sdelay $0x1  }
0x99: {  	s4 =	simm.s32 $_scs_section_size  }
0x9a: {  	s5 =	simm.s32 $_size__tile_overlayer_lowered;
	s6 =	simm.s32 $_tile_overlayer_lowered  }
0x9b: {  	s22 =	simm.s32 $0x1BFF;
	s21 =	sshll.u32 s6, $0x1;
	s3 =	sadd.s32 s4, s19  }
0x9c: {  	s7 =	simm.s32 $0x0;
	s20 =	sshll.u32 s5, $0x1;
	s5 =	sadd.s32 s21, s3  }
0x9d: {  	[timem:s7], [sflag:s22] =	dma.local [hbm:s5], s20  }
0x9e: {  	_ =	swait.ge [sflag:s22], s20  }
0x9f: {  	s4 =	ssub.s32 $0x0, s20;
	[sflag:s22] =	ssyncset.done $0x0  }
0xa0: {  	[sflag:s22] =	ssyncadd.s32 s4;
	_ =	sdelay $0x1  }
0xa1: {  	s23 =	simm.s32 $0x1B8B  }
0xa2: {  	_ =	swait.ge [sflag:s23], $0x1  }
0xa3: {  	[sflag:s23] =	ssyncset.done $0x0  }
0xa4: {  	s25 =	simm.s32 $0x1B8E;
	s24 =	sld [smem:$0x3FFE];
	[sflag:s23] =	ssyncadd.s32 $0xFFFFFFFF  }
0xa5: {  	s26 =	simm.s32 $execute0_lowered;
	[smem:$0x3FD2] =	sst s25  }
0xa6: {  	s5 =	sshll.u32 s26, $0x1;
	_ =	strace $0x80000049;
	[dreg:$0x1] =	wrdreg $0xFFFFFFFF  }
0xa7: {  	s28 =	simm.s32 $_size_execute0_lowered;
	s3 =	sadd.s32 s3, s5;
	[dreg:$0x0] =	wrdreg $0x0  }
0xa8: {  	s5 =	sshll.u32 s28, $0x1;
	[dreg:$0x2] =	wrdreg s3  }
0xa9: {  	[dreg:$0x3] =	wrdreg s5  }
0xaa: {  	[dreg:$0x4] =	wrdreg $0xC0  }
0xab: {  	_ =	task [dreg:s7], $0x5FFFF  }
0xac: {  	[dreg:$0x1] =	wrdreg $0xFFFFFFFF  }
0xad: {  	[dreg:$0x0] =	wrdreg $0x60  }
0xae: {  	[dreg:$0x2] =	wrdreg s24  }
0xaf: {  	[dreg:$0x3] =	wrdreg s2  }
0xb0: {  	[dreg:$0x4] =	wrdreg $0x88000  }
0xb1: {  	[dreg:$0x5] =	wrdreg $0x9  }
0xb2: {  	_ =	task.clear_ibuf [dreg:s7], $0x6FFFF;
	_ =	strace $0x90000049  }
0xb3: {  	s29 =	simm.s32 $0x9;
	_ =	strace $0x8000004B  }
0xb4: {  	_ =	swait.ge [sflag:s29], $0x1  }
0xb5: {  	[sflag:s29] =	ssyncadd.s32 $0xFFFFFFFF  }
0xb6: {  	_ =	strace $0x9000004B  }
0xb7: {  	_ =	sfence  }
0xb8: {  	s30 =	sld [smem:$0x0];
	_ =	sdelay $0x2  }
0xb9: {  	s31 =	sshll.u32 s1, $0xD;
	s1 =	sshrl.u32 s1, $0x2  }
0xba: {  	s3 =	sand.u32 $0x4000, s31;
	s1 =	sadd.s32 s1, s30  }
0xbb: {  	s0 =	sor.u32 s3, s0;
	s1 =	sshll.u32 s1, $0x11  }
0xbc: {  	s0 =	sor.u32 s1, s0  }
0xbd: {  	s0 =	sadd.s32 $0x8F2B, s0  }
0xbe: {  	[sflag:s0] =	ssyncadd.remote.s32 $0x1  }
0xbf: {  	_ =	sfence.sel $0xFFFF  }
0xc0: {  	[dreg:$0x0] =	wrdreg $0xFFFFFFFF;
	(pc) =	sbr.abs _section_cstart, $3  }
0xc1: {  	[dreg:$0x1] =	wrdreg $0xFFFFFFFF  }
0xc2: {  	_ =	task.clear_ibuf [dreg:s7], $0x2FFFF;
	_ =	strace $0x9FFFFFFF  }
0xc3: {  	(tm) =	ssettm $0x7FFFFFFF  }
tec
execute0_lowered:
.L_overlay_start_1:
0x0: {  	(tag) =	ssettag $0x1  }
0x1: {  	s0 =	rddreg [dreg:$0x0]  }
0x2: {  	s1 =	rddreg [dreg:$0x1]  }
0x3: {  	s2 =	rddreg [dreg:$0x2]  }
0x4: {  	s13 =	stileid.u32;
	s4 =	srdreg.scid;
	s3 =	simm.s32 $0x0  }
0x5: {  	s14 =	simm.s32 $0x80;
	s15 =	simm.s32 $0x800;
	s16 =	simm.s32 $0x4800  }
0x6: {  	s17 =	simm.s32 $0x480;
	s18 =	simm.s32 $0x100;
	s19 =	simm.s32 $0x500  }
0x7: {  	s20 =	simm.s32 $0x180;
	s21 =	simm.s32 $0x580;
	s22 =	simm.s32 $0x200  }
0x8: {  	s23 =	simm.s32 $0x600;
	s28 =	simm.s32 $0x700;
	s29 =	simm.s32 $0x380  }
0x9: {  	s30 =	simm.s32 $0x780;
	s31 =	simm.s32 $0x0;
	s5 =	smul.u32 $0xA00, s13  }
0xa: {  	s6 =	smul.u32 $0x14000, s13;
	s11 =	sand.u32 $0x1, s4;
	[smem:$0x7FF] =	sst s3  }
0xb: {  	s4 =	sadd.s32 $0xCE00, s0;
	s24 =	smul.u32 $0x50000, s13;
	s26 =	sshll.u32 s13, $0x6  }
0xc: {  	s13 =	simm.s32 $0x400;
	s7 =	smul.u32 $0x140000, s11;
	_ =	strace $0x8000004A  }
0xd: {  	s9 =	ssub.s32 $0x2, s11;
	p0 =	sne.s32 s11, $0x0;
	s10 =	sadd.s32 s5, s0  }
0xe: {  	s8 =	sshrl.u32 s6, $0x3;
	s25 =	sshrl.u32 s9, $0x1;
	s6 =	sadd.s32 s6, s7  }
0xf: {  	s8 =	sadd.s32 s8, s0;
	s7 =	sshrl.u32 s24, $0x2;
	s9 =	ssub.s32 s9, s25  }
0x10: {  	s10 =	sadd.s32 $0x2E00, s10;
	s24 =	simm.s32 $0x280;
	s25 =	simm.s32 $0x680  }
.Ltmp0:
0x11: {  	s6 =	sshrl.u32 s6, $0x3;
	s12 =	sadd.s32 s7, s2;
	(pc) =	sbr.rel .LBB2_1-.Ltmp0, $4  }
0x12: {  	s7 =	sadd.s32 $0x35400, s8;
	s8 =	smax.u32 s9, $0x1;
	s9 =	sadd.s32 s5, s1  }
0x13: {  	s0 =	sadd.s32 s6, s0;
	s6 =	sor.u32 $0x1C01, s26;
	[dreg:$0x4] =	wrdreg s7  }
0x14: {  	s11 =	sshrl.u32 s12, $0x3;
	[dreg:$0x6] =	wrdreg s8;
	s0 =	sadd.s32 $0x5D400, s0  }
0x15: {  	s12 =	simm.s32 $0x1;
	s26 =	simm.s32 $0x300;
	[dreg:$0x5] =	wrdreg s0  }
.LBB2_4:
0x16: {  	s1 =	sadd.s32 s0, s10;
	[sflag:s12] =	ssyncadd.s32 $0xFFFFC000  }
0x17: {  	[tilespmem:s3], [sflag:$0x1] =	stream.linear.gather [hbm4b:s1+s3], $0x400, $0x38;
	[tilespmem:$0x1C800] =	vst v63  }
0x18: {  	_ =	swait.ge [sflag:s12], $0x400  }
0x19: {  	[sflag:s12] =	ssyncset.done $0x0  }
0x1a: {  	s8 =	sadd.s32 s0, s9;
	[sflag:s12] =	ssyncadd.s32 $0xFFFFFC00  }
0x1b: {  	[tilespmem:s13], [sflag:$0x1] =	stream.linear.gather [hbm4b:s8+s3], $0x400, $0x38;
	[tilespmem:$0x1C800] =	vst v63  }
0x1c: {  	_ =	swait.ge [sflag:s12], $0x400  }
0x1d: {  	[sflag:s12] =	ssyncset.done $0x0  }
0x1e: {  	[sflag:s12] =	ssyncadd.s32 $0xFFFFFC00  }
0x1f: {  	[tilespmem:s15], [sflag:$0x1] =	stream.indirect.gather [hbm4b:s4+s14], $0x80, s3, s14, $0xb8;
	[tilespmem:$0x1C800] =	vst v63  }
0x20: {  	_ =	swait.ge [sflag:s12], $0x4000  }
0x21: {  	[sflag:s12] =	ssyncset.done $0x0  }
0x22: {  	[sflag:s12] =	ssyncadd.s32 $0xFFFFC000  }
0x23: {  	[spmem:s2] =	stream.indirect.scatter.add.f32 [tilespmem:s15], [sflag:$0x1], $0x80, s13, s14, $0xb8;
	[tilespmem:$0x1C800] =	vst v63  }
0x24: {  	_ =	swait.ge [sflag:s12], $0x4000  }
0x25: {  	[sflag:s12] =	ssyncset.done $0x0  }
0x26: {  	[sflag:s12] =	ssyncadd.s32 $0xFFFFC000  }
0x27: {  	[tilespmem:s16], [sflag:$0x1] =	stream.indirect.gather [hbm4b:s4+s14], $0x80, s14, s14, $0xb8;
	[tilespmem:$0x1C800] =	vst v63  }
0x28: {  	_ =	swait.ge [sflag:s12], $0x4000  }
0x29: {  	[sflag:s12] =	ssyncset.done $0x0  }
0x2a: {  	[sflag:s12] =	ssyncadd.s32 $0xFFFFC000  }
0x2b: {  	[spmem:s2] =	stream.indirect.scatter.add.f32 [tilespmem:s16], [sflag:$0x1], $0x80, s17, s14, $0xb8;
	[tilespmem:$0x1C800] =	vst v63  }
0x2c: {  	_ =	swait.ge [sflag:s12], $0x4000  }
0x2d: {  	[sflag:s12] =	ssyncset.done $0x0  }
0x2e: {  	[sflag:s12] =	ssyncadd.s32 $0xFFFFC000  }
0x2f: {  	[tilespmem:s15], [sflag:$0x1] =	stream.indirect.gather [hbm4b:s4+s14], $0x80, s18, s14, $0xb8;
	[tilespmem:$0x1C800] =	vst v63  }
0x30: {  	_ =	swait.ge [sflag:s12], $0x4000  }
0x31: {  	[sflag:s12] =	ssyncset.done $0x0  }
0x32: {  	[sflag:s12] =	ssyncadd.s32 $0xFFFFC000  }
0x33: {  	[spmem:s2] =	stream.indirect.scatter.add.f32 [tilespmem:s15], [sflag:$0x1], $0x80, s19, s14, $0xb8;
	[tilespmem:$0x1C800] =	vst v63  }
0x34: {  	_ =	swait.ge [sflag:s12], $0x4000  }
0x35: {  	[sflag:s12] =	ssyncset.done $0x0  }
0x36: {  	[sflag:s12] =	ssyncadd.s32 $0xFFFFC000  }
0x37: {  	[tilespmem:s16], [sflag:$0x1] =	stream.indirect.gather [hbm4b:s4+s14], $0x80, s20, s14, $0xb8;
	[tilespmem:$0x1C800] =	vst v63  }
0x38: {  	_ =	swait.ge [sflag:s12], $0x4000  }
0x39: {  	[sflag:s12] =	ssyncset.done $0x0  }
0x3a: {  	[sflag:s12] =	ssyncadd.s32 $0xFFFFC000  }
0x3b: {  	[spmem:s2] =	stream.indirect.scatter.add.f32 [tilespmem:s16], [sflag:$0x1], $0x80, s21, s14, $0xb8;
	[tilespmem:$0x1C800] =	vst v63  }
0x3c: {  	_ =	swait.ge [sflag:s12], $0x4000  }
0x3d: {  	[sflag:s12] =	ssyncset.done $0x0  }
0x3e: {  	[sflag:s12] =	ssyncadd.s32 $0xFFFFC000  }
0x3f: {  	[tilespmem:s15], [sflag:$0x1] =	stream.indirect.gather [hbm4b:s4+s14], $0x80, s22, s14, $0xb8;
	[tilespmem:$0x1C800] =	vst v63  }
0x40: {  	_ =	swait.ge [sflag:s12], $0x4000  }
0x41: {  	[sflag:s12] =	ssyncset.done $0x0  }
0x42: {  	[sflag:s12] =	ssyncadd.s32 $0xFFFFC000  }
0x43: {  	[spmem:s2] =	stream.indirect.scatter.add.f32 [tilespmem:s15], [sflag:$0x1], $0x80, s23, s14, $0xb8;
	[tilespmem:$0x1C800] =	vst v63  }
0x44: {  	_ =	swait.ge [sflag:s12], $0x4000  }
0x45: {  	[sflag:s12] =	ssyncset.done $0x0  }
0x46: {  	[sflag:s12] =	ssyncadd.s32 $0xFFFFC000  }
0x47: {  	[tilespmem:s16], [sflag:$0x1] =	stream.indirect.gather [hbm4b:s4+s14], $0x80, s24, s14, $0xb8;
	[tilespmem:$0x1C800] =	vst v63  }
0x48: {  	_ =	swait.ge [sflag:s12], $0x4000  }
0x49: {  	[sflag:s12] =	ssyncset.done $0x0  }
0x4a: {  	[sflag:s12] =	ssyncadd.s32 $0xFFFFC000  }
0x4b: {  	[spmem:s2] =	stream.indirect.scatter.add.f32 [tilespmem:s16], [sflag:$0x1], $0x80, s25, s14, $0xb8;
	[tilespmem:$0x1C800] =	vst v63  }
0x4c: {  	_ =	swait.ge [sflag:s12], $0x4000  }
0x4d: {  	[sflag:s12] =	ssyncset.done $0x0  }
0x4e: {  	[sflag:s12] =	ssyncadd.s32 $0xFFFFC000  }
0x4f: {  	[tilespmem:s15], [sflag:$0x1] =	stream.indirect.gather [hbm4b:s4+s14], $0x80, s26, s14, $0xb8;
	[tilespmem:$0x1C800] =	vst v63  }
0x50: {  	_ =	swait.ge [sflag:s12], $0x4000  }
0x51: {  	[sflag:s12] =	ssyncset.done $0x0  }
0x52: {  	[sflag:s12] =	ssyncadd.s32 $0xFFFFC000  }
0x53: {  	[spmem:s2] =	stream.indirect.scatter.add.f32 [tilespmem:s15], [sflag:$0x1], $0x80, s28, s14, $0xb8;
	[tilespmem:$0x1C800] =	vst v63  }
0x54: {  	_ =	swait.ge [sflag:s12], $0x4000  }
0x55: {  	[sflag:s12] =	ssyncset.done $0x0  }
0x56: {  	[sflag:s12] =	ssyncadd.s32 $0xFFFFC000  }
0x57: {  	[tilespmem:s16], [sflag:$0x1] =	stream.indirect.gather [hbm4b:s4+s14], $0x80, s29, s14, $0xb8;
	[tilespmem:$0x1C800] =	vst v63  }
0x58: {  	_ =	swait.ge [sflag:s12], $0x4000  }
0x59: {  	[sflag:s12] =	ssyncset.done $0x0  }
0x5a: {  	[sflag:s12] =	ssyncadd.s32 $0xFFFFC000  }
0x5b: {  	[spmem:s2] =	stream.indirect.scatter.add.f32 [tilespmem:s16], [sflag:$0x1], $0x80, s30, s14, $0xb8;
	[tilespmem:$0x1C800] =	vst v63  }
0x5c: {  	_ =	swait.ge [sflag:s12], $0x4000  }
0x5d: {  	s7 =	rddreg [dreg:$0x4]  }
0x5e: {  	[sflag:s12] =	ssyncset.done $0x0;
	s0 =	rddreg [dreg:$0x5]  }
0x5f: {  	s8 =	rddreg [dreg:$0x6];
	[sflag:s12] =	ssyncadd.s32 $0xFFFFC000  }
.LBB2_5:
0x60: {  	s31 =	sadd.s32 $0x1, s31  }
0x61: {  	p1 =	sne.s32 s31, s8  }
.Ltmp1:
0x62: {  	[bflag:$0x0] =	sbarrier.arrive $0xFFFF;
	(pc) =	sbr.rel @!p1 .LBB2_6-.Ltmp1, $4  }
0x63: {  	[hbm:s0], [sflag:s6] =	dma.local [spmem:s11], $0x2800  }
0x64: {  	_ =	swait.ge [sflag:s12], $0x2800  }
0x65: {  	[sflag:s12] =	ssyncset.done $0x0  }
0x66: {  	[sflag:s12] =	ssyncadd.s32 $0xFFFFD800  }
.LBB2_1:
0x67: {  	[spmem:s11], [sflag:s6] =	dma.local [hbm:s7], $0x2800  }
.Ltmp2:
0x68: {  	_ =	swait.ge [sflag:s12], $0x2800;
	(pc) =	sbr.rel @p0 .LBB2_5-.Ltmp2, $3  }
0x69: {  	[sflag:s12] =	ssyncset.done $0x0  }
0x6a: {  	[sflag:s12] =	ssyncadd.s32 $0xFFFFD800  }
0x6b: {  	[bflag:$0x0] =	sbarrier.arrive $0xFFFF;
	_ =	sdelay $0x1  }
0x6c: {  	s0 =	sadd.s32 $0x0, s10  }
0x6d: {  	[tilespmem:s3], [sflag:$0x1] =	stream.linear.gather [hbm4b:s0+s3], $0x400, $0x38;
	[tilespmem:$0x1C800] =	vst v63  }
0x6e: {  	_ =	swait.ge [sflag:s12], $0x400  }
0x6f: {  	[sflag:s12] =	ssyncset.done $0x0  }
0x70: {  	s8 =	sadd.s32 $0x0, s9;
	[sflag:s12] =	ssyncadd.s32 $0xFFFFFC00  }
0x71: {  	[tilespmem:s13], [sflag:$0x1] =	stream.linear.gather [hbm4b:s8+s3], $0x400, $0x38;
	[tilespmem:$0x1C800] =	vst v63  }
0x72: {  	_ =	swait.ge [sflag:s12], $0x400  }
0x73: {  	[sflag:s12] =	ssyncset.done $0x0  }
0x74: {  	[sflag:s12] =	ssyncadd.s32 $0xFFFFFC00  }
0x75: {  	[tilespmem:s15], [sflag:$0x1] =	stream.indirect.gather [hbm4b:s4+s14], $0x80, s3, s14, $0xb8;
	[tilespmem:$0x1C800] =	vst v63  }
0x76: {  	_ =	swait.ge [sflag:s12], $0x4000  }
0x77: {  	[sflag:s12] =	ssyncset.done $0x0  }
0x78: {  	[sflag:s12] =	ssyncadd.s32 $0xFFFFC000  }
0x79: {  	[spmem:s2] =	stream.indirect.scatter.add.f32 [tilespmem:s15], [sflag:$0x1], $0x80, s13, s14, $0xb8;
	[tilespmem:$0x1C800] =	vst v63  }
0x7a: {  	_ =	swait.ge [sflag:s12], $0x4000  }
0x7b: {  	[sflag:s12] =	ssyncset.done $0x0  }
0x7c: {  	[sflag:s12] =	ssyncadd.s32 $0xFFFFC000  }
0x7d: {  	[tilespmem:s16], [sflag:$0x1] =	stream.indirect.gather [hbm4b:s4+s14], $0x80, s14, s14, $0xb8;
	[tilespmem:$0x1C800] =	vst v63  }
0x7e: {  	_ =	swait.ge [sflag:s12], $0x4000  }
0x7f: {  	[sflag:s12] =	ssyncset.done $0x0  }
0x80: {  	[sflag:s12] =	ssyncadd.s32 $0xFFFFC000  }
0x81: {  	[spmem:s2] =	stream.indirect.scatter.add.f32 [tilespmem:s16], [sflag:$0x1], $0x80, s17, s14, $0xb8;
	[tilespmem:$0x1C800] =	vst v63  }
0x82: {  	_ =	swait.ge [sflag:s12], $0x4000  }
0x83: {  	[sflag:s12] =	ssyncset.done $0x0  }
0x84: {  	[sflag:s12] =	ssyncadd.s32 $0xFFFFC000  }
0x85: {  	[tilespmem:s15], [sflag:$0x1] =	stream.indirect.gather [hbm4b:s4+s14], $0x80, s18, s14, $0xb8;
	[tilespmem:$0x1C800] =	vst v63  }
0x86: {  	_ =	swait.ge [sflag:s12], $0x4000  }
0x87: {  	[sflag:s12] =	ssyncset.done $0x0  }
0x88: {  	[sflag:s12] =	ssyncadd.s32 $0xFFFFC000  }
0x89: {  	[spmem:s2] =	stream.indirect.scatter.add.f32 [tilespmem:s15], [sflag:$0x1], $0x80, s19, s14, $0xb8;
	[tilespmem:$0x1C800] =	vst v63  }
0x8a: {  	_ =	swait.ge [sflag:s12], $0x4000  }
0x8b: {  	[sflag:s12] =	ssyncset.done $0x0  }
0x8c: {  	[sflag:s12] =	ssyncadd.s32 $0xFFFFC000  }
0x8d: {  	[tilespmem:s16], [sflag:$0x1] =	stream.indirect.gather [hbm4b:s4+s14], $0x80, s20, s14, $0xb8;
	[tilespmem:$0x1C800] =	vst v63  }
0x8e: {  	_ =	swait.ge [sflag:s12], $0x4000  }
0x8f: {  	[sflag:s12] =	ssyncset.done $0x0  }
0x90: {  	[sflag:s12] =	ssyncadd.s32 $0xFFFFC000  }
0x91: {  	[spmem:s2] =	stream.indirect.scatter.add.f32 [tilespmem:s16], [sflag:$0x1], $0x80, s21, s14, $0xb8;
	[tilespmem:$0x1C800] =	vst v63  }
0x92: {  	_ =	swait.ge [sflag:s12], $0x4000  }
0x93: {  	[sflag:s12] =	ssyncset.done $0x0  }
0x94: {  	[sflag:s12] =	ssyncadd.s32 $0xFFFFC000  }
0x95: {  	[tilespmem:s15], [sflag:$0x1] =	stream.indirect.gather [hbm4b:s4+s14], $0x80, s22, s14, $0xb8;
	[tilespmem:$0x1C800] =	vst v63  }
0x96: {  	_ =	swait.ge [sflag:s12], $0x4000  }
0x97: {  	[sflag:s12] =	ssyncset.done $0x0  }
0x98: {  	[sflag:s12] =	ssyncadd.s32 $0xFFFFC000  }
0x99: {  	[spmem:s2] =	stream.indirect.scatter.add.f32 [tilespmem:s15], [sflag:$0x1], $0x80, s23, s14, $0xb8;
	[tilespmem:$0x1C800] =	vst v63  }
0x9a: {  	_ =	swait.ge [sflag:s12], $0x4000  }
0x9b: {  	[sflag:s12] =	ssyncset.done $0x0  }
0x9c: {  	[sflag:s12] =	ssyncadd.s32 $0xFFFFC000  }
0x9d: {  	[tilespmem:s16], [sflag:$0x1] =	stream.indirect.gather [hbm4b:s4+s14], $0x80, s24, s14, $0xb8;
	[tilespmem:$0x1C800] =	vst v63  }
0x9e: {  	_ =	swait.ge [sflag:s12], $0x4000  }
0x9f: {  	[sflag:s12] =	ssyncset.done $0x0  }
0xa0: {  	[sflag:s12] =	ssyncadd.s32 $0xFFFFC000  }
0xa1: {  	[spmem:s2] =	stream.indirect.scatter.add.f32 [tilespmem:s16], [sflag:$0x1], $0x80, s25, s14, $0xb8;
	[tilespmem:$0x1C800] =	vst v63  }
0xa2: {  	_ =	swait.ge [sflag:s12], $0x4000  }
0xa3: {  	[sflag:s12] =	ssyncset.done $0x0  }
0xa4: {  	[sflag:s12] =	ssyncadd.s32 $0xFFFFC000  }
0xa5: {  	[tilespmem:s15], [sflag:$0x1] =	stream.indirect.gather [hbm4b:s4+s14], $0x80, s26, s14, $0xb8;
	[tilespmem:$0x1C800] =	vst v63  }
0xa6: {  	_ =	swait.ge [sflag:s12], $0x4000  }
0xa7: {  	[sflag:s12] =	ssyncset.done $0x0  }
0xa8: {  	[sflag:s12] =	ssyncadd.s32 $0xFFFFC000  }
0xa9: {  	[spmem:s2] =	stream.indirect.scatter.add.f32 [tilespmem:s15], [sflag:$0x1], $0x80, s28, s14, $0xb8;
	[tilespmem:$0x1C800] =	vst v63  }
0xaa: {  	_ =	swait.ge [sflag:s12], $0x4000  }
0xab: {  	[sflag:s12] =	ssyncset.done $0x0  }
0xac: {  	[sflag:s12] =	ssyncadd.s32 $0xFFFFC000  }
0xad: {  	[tilespmem:s16], [sflag:$0x1] =	stream.indirect.gather [hbm4b:s4+s14], $0x80, s29, s14, $0xb8;
	[tilespmem:$0x1C800] =	vst v63  }
0xae: {  	_ =	swait.ge [sflag:s12], $0x4000  }
0xaf: {  	[sflag:s12] =	ssyncset.done $0x0  }
0xb0: {  	[sflag:s12] =	ssyncadd.s32 $0xFFFFC000  }
0xb1: {  	[spmem:s2] =	stream.indirect.scatter.add.f32 [tilespmem:s16], [sflag:$0x1], $0x80, s30, s14, $0xb8;
	[tilespmem:$0x1C800] =	vst v63  }
0xb2: {  	_ =	swait.ge [sflag:s12], $0x4000  }
0xb3: {  	s1 =	simm.s32 $0x100;
	s0 =	simm.s32 $0x80;
	[sflag:s12] =	ssyncset.done $0x0  }
.LBB2_3:
0xb4: {  	s7 =	sadd.s32 s0, s10  }
0xb5: {  	[sflag:s12] =	ssyncadd.s32 $0xFFFFC000;
	s8 =	smov.u32 s1;
	s5 =	sadd.s32 $0x80, s1  }
0xb6: {  	[tilespmem:s3], [sflag:$0x1] =	stream.linear.gather [hbm4b:s7+s3], $0x400, $0x38;
	[tilespmem:$0x1C800] =	vst v63  }
0xb7: {  	p1 =	sne.s32 s1, $0x980;
	_ =	swait.ge [sflag:s12], $0x400  }
0xb8: {  	[sflag:s12] =	ssyncset.done $0x0  }
0xb9: {  	s1 =	sadd.s32 s0, s9;
	s0 =	smov.u32 s8;
	[sflag:s12] =	ssyncadd.s32 $0xFFFFFC00  }
0xba: {  	[tilespmem:s13], [sflag:$0x1] =	stream.linear.gather [hbm4b:s1+s3], $0x400, $0x38;
	[tilespmem:$0x1C800] =	vst v63  }
0xbb: {  	_ =	swait.ge [sflag:s12], $0x400  }
0xbc: {  	[sflag:s12] =	ssyncset.done $0x0  }
0xbd: {  	[sflag:s12] =	ssyncadd.s32 $0xFFFFFC00  }
0xbe: {  	[tilespmem:s15], [sflag:$0x1] =	stream.indirect.gather [hbm4b:s4+s14], $0x80, s3, s14, $0xb8;
	[tilespmem:$0x1C800] =	vst v63  }
0xbf: {  	_ =	swait.ge [sflag:s12], $0x4000  }
0xc0: {  	[sflag:s12] =	ssyncset.done $0x0  }
0xc1: {  	[sflag:s12] =	ssyncadd.s32 $0xFFFFC000  }
0xc2: {  	[spmem:s2] =	stream.indirect.scatter.add.f32 [tilespmem:s15], [sflag:$0x1], $0x80, s13, s14, $0xb8;
	[tilespmem:$0x1C800] =	vst v63  }
0xc3: {  	_ =	swait.ge [sflag:s12], $0x4000  }
0xc4: {  	[sflag:s12] =	ssyncset.done $0x0  }
0xc5: {  	[sflag:s12] =	ssyncadd.s32 $0xFFFFC000  }
0xc6: {  	[tilespmem:s16], [sflag:$0x1] =	stream.indirect.gather [hbm4b:s4+s14], $0x80, s14, s14, $0xb8;
	[tilespmem:$0x1C800] =	vst v63  }
0xc7: {  	_ =	swait.ge [sflag:s12], $0x4000  }
0xc8: {  	[sflag:s12] =	ssyncset.done $0x0  }
0xc9: {  	[sflag:s12] =	ssyncadd.s32 $0xFFFFC000  }
0xca: {  	[spmem:s2] =	stream.indirect.scatter.add.f32 [tilespmem:s16], [sflag:$0x1], $0x80, s17, s14, $0xb8;
	[tilespmem:$0x1C800] =	vst v63  }
0xcb: {  	_ =	swait.ge [sflag:s12], $0x4000  }
0xcc: {  	[sflag:s12] =	ssyncset.done $0x0  }
0xcd: {  	[sflag:s12] =	ssyncadd.s32 $0xFFFFC000  }
0xce: {  	[tilespmem:s15], [sflag:$0x1] =	stream.indirect.gather [hbm4b:s4+s14], $0x80, s18, s14, $0xb8;
	[tilespmem:$0x1C800] =	vst v63  }
0xcf: {  	_ =	swait.ge [sflag:s12], $0x4000  }
0xd0: {  	[sflag:s12] =	ssyncset.done $0x0  }
0xd1: {  	[sflag:s12] =	ssyncadd.s32 $0xFFFFC000  }
0xd2: {  	[spmem:s2] =	stream.indirect.scatter.add.f32 [tilespmem:s15], [sflag:$0x1], $0x80, s19, s14, $0xb8;
	[tilespmem:$0x1C800] =	vst v63  }
0xd3: {  	_ =	swait.ge [sflag:s12], $0x4000  }
0xd4: {  	[sflag:s12] =	ssyncset.done $0x0  }
0xd5: {  	[sflag:s12] =	ssyncadd.s32 $0xFFFFC000  }
0xd6: {  	[tilespmem:s16], [sflag:$0x1] =	stream.indirect.gather [hbm4b:s4+s14], $0x80, s20, s14, $0xb8;
	[tilespmem:$0x1C800] =	vst v63  }
0xd7: {  	_ =	swait.ge [sflag:s12], $0x4000  }
0xd8: {  	[sflag:s12] =	ssyncset.done $0x0  }
0xd9: {  	[sflag:s12] =	ssyncadd.s32 $0xFFFFC000  }
0xda: {  	[spmem:s2] =	stream.indirect.scatter.add.f32 [tilespmem:s16], [sflag:$0x1], $0x80, s21, s14, $0xb8;
	[tilespmem:$0x1C800] =	vst v63  }
0xdb: {  	_ =	swait.ge [sflag:s12], $0x4000  }
0xdc: {  	[sflag:s12] =	ssyncset.done $0x0  }
0xdd: {  	[sflag:s12] =	ssyncadd.s32 $0xFFFFC000  }
0xde: {  	[tilespmem:s15], [sflag:$0x1] =	stream.indirect.gather [hbm4b:s4+s14], $0x80, s22, s14, $0xb8;
	[tilespmem:$0x1C800] =	vst v63  }
0xdf: {  	_ =	swait.ge [sflag:s12], $0x4000  }
0xe0: {  	[sflag:s12] =	ssyncset.done $0x0  }
0xe1: {  	[sflag:s12] =	ssyncadd.s32 $0xFFFFC000  }
0xe2: {  	[spmem:s2] =	stream.indirect.scatter.add.f32 [tilespmem:s15], [sflag:$0x1], $0x80, s23, s14, $0xb8;
	[tilespmem:$0x1C800] =	vst v63  }
0xe3: {  	_ =	swait.ge [sflag:s12], $0x4000  }
0xe4: {  	[sflag:s12] =	ssyncset.done $0x0  }
0xe5: {  	[sflag:s12] =	ssyncadd.s32 $0xFFFFC000  }
0xe6: {  	[tilespmem:s16], [sflag:$0x1] =	stream.indirect.gather [hbm4b:s4+s14], $0x80, s24, s14, $0xb8;
	[tilespmem:$0x1C800] =	vst v63  }
0xe7: {  	_ =	swait.ge [sflag:s12], $0x4000  }
0xe8: {  	[sflag:s12] =	ssyncset.done $0x0  }
0xe9: {  	[sflag:s12] =	ssyncadd.s32 $0xFFFFC000  }
0xea: {  	[spmem:s2] =	stream.indirect.scatter.add.f32 [tilespmem:s16], [sflag:$0x1], $0x80, s25, s14, $0xb8;
	[tilespmem:$0x1C800] =	vst v63  }
0xeb: {  	_ =	swait.ge [sflag:s12], $0x4000  }
0xec: {  	[sflag:s12] =	ssyncset.done $0x0  }
0xed: {  	[sflag:s12] =	ssyncadd.s32 $0xFFFFC000  }
0xee: {  	[tilespmem:s15], [sflag:$0x1] =	stream.indirect.gather [hbm4b:s4+s14], $0x80, s26, s14, $0xb8;
	[tilespmem:$0x1C800] =	vst v63  }
0xef: {  	_ =	swait.ge [sflag:s12], $0x4000  }
0xf0: {  	[sflag:s12] =	ssyncset.done $0x0  }
0xf1: {  	[sflag:s12] =	ssyncadd.s32 $0xFFFFC000  }
0xf2: {  	[spmem:s2] =	stream.indirect.scatter.add.f32 [tilespmem:s15], [sflag:$0x1], $0x80, s28, s14, $0xb8;
	[tilespmem:$0x1C800] =	vst v63  }
0xf3: {  	_ =	swait.ge [sflag:s12], $0x4000  }
0xf4: {  	[sflag:s12] =	ssyncset.done $0x0  }
0xf5: {  	[sflag:s12] =	ssyncadd.s32 $0xFFFFC000  }
0xf6: {  	[tilespmem:s16], [sflag:$0x1] =	stream.indirect.gather [hbm4b:s4+s14], $0x80, s29, s14, $0xb8;
	[tilespmem:$0x1C800] =	vst v63  }
0xf7: {  	_ =	swait.ge [sflag:s12], $0x4000  }
.Ltmp3:
0xf8: {  	[sflag:s12] =	ssyncset.done $0x0;
	(pc) =	sbr.rel @p1 .LBB2_3-.Ltmp3, $4  }
0xf9: {  	[sflag:s12] =	ssyncadd.s32 $0xFFFFC000  }
0xfa: {  	[spmem:s2] =	stream.indirect.scatter.add.f32 [tilespmem:s16], [sflag:$0x1], $0x80, s30, s14, $0xb8;
	[tilespmem:$0x1C800] =	vst v63  }
0xfb: {  	_ =	swait.ge [sflag:s12], $0x4000  }
0xfc: {  	s1 =	smov.u32 s5;
	[sflag:s12] =	ssyncset.done $0x0  }
.Ltmp4:
0xfd: {  	_ = 	snop;
	(pc) =	sbr.rel .LBB2_4-.Ltmp4, $1  }
0xfe: {  	_ =	sdelay $0x3  }
.LBB2_6:
0xff: {  	_ =	sfence.sel $0x180000  }
0x100: {  	[bflag:$0x0] =	sbarrier.arrive $0xFFFF  }
0x101: {  	_ =	strace $0x9000004A  }
0x102: {  	s0 =	stileid.u32;
	[bflag:$0x2] =	sbarrier.arrive $0xFFFF  }
0x103: {  	p0 =	sne.s32 s0, $0x0;
	s0 =	rddreg [dreg:$0x3]  }
0x104: {  	s0 =	sadd.s32 @!p0 $0x100000, s0  }
0x105: {  	[sflag:s0] =	ssyncadd.tile.s32 @!p0 $0x1;
	_ =	shalt  }
.Lfunc_end2:
_tile_overlayer_lowered:
.L_overlay_start_2:
0x106: {  	(tag) =	ssettag $0x2  }
0x107: {  	s0 =	rddreg [dreg:$0x0];
	s2 =	stileid.u32  }
0x108: {  	s1 =	rddreg [dreg:$0x1];
	p0 =	sne.s32 s2, $0x0  }
0x109: {  	s3 =	rddreg [dreg:$0x2];
	[bflag:$0x3] =	sbarrier.arrive $0xFFFF;
	s2 =	simm.s32 @!p0 $0x1C01  }
0x10a: {  	[timem:s3], [sflag:s2] =	dma.local @!p0 [hbm:s0], s1  }
0x10b: {  	s0 =	simm.s32 @!p0 $0x1  }
0x10c: {  	_ =	swait.ge @!p0 [sflag:s0], s1  }
0x10d: {  	s1 =	ssub.s32 @!p0 $0x0, s1;
	[sflag:s0] =	ssyncset.done @!p0 $0x0  }
0x10e: {  	[sflag:s0] =	ssyncadd.s32 @!p0 s1  }
0x10f: {  	[bflag:$0x3] =	sbarrier.arrive $0xFFFF  }
0x110: {  	_ =	shalt  }

// kernel: kernel.7.cloned.1.call-start
scs
__scs_entry_jumppad:
0x0: {  	(pc) =	sbr.rel $0x88, $3  }
0x1: {  	(tag) =	ssettag $0x0;
	lr =	simm.s32 $0x1  }
0x2: {  	[smem:$0x3F91] =	sst lr;
	_ =	strace $0xD0000000  }
0x3: {  	_ = 	snop  }
0x4: {  	_ = 	snop  }
0x5: {  	_ = 	snop  }
0x6: {  	_ = 	snop  }
0x7: {  	_ = 	snop  }
__scs_overlays_trampoline_lowered:
0x8: {  	[smem:$0x3FA0] =	sst s0  }
0x9: {  	[smem:$0x3FA1] =	sst s1  }
0xa: {  	[smem:$0x3FA2] =	sst s2  }
0xb: {  	[smem:$0x3FA3] =	sst s3  }
0xc: {  	[smem:$0x3FA4] =	sst s4  }
0xd: {  	[smem:$0x3FA5] =	sst s5  }
0xe: {  	[smem:$0x3FA6] =	sst s6  }
0xf: {  	[smem:$0x3FA7] =	sst s7  }
0x10: {  	[smem:$0x3FA8] =	sst s8  }
0x11: {  	[smem:$0x3FA9] =	sst s9;
	s0 =	simm.s32 @!p0 $0x0  }
0x12: {  	s1 =	sld [smem:$0x3F8F];
	s0 =	simm.s32 @p0 $0x1  }
0x13: {  	[smem:$0x3FAA] =	sst s0;
	s0 =	simm.s32 @!p1 $0x0  }
0x14: {  	s2 =	sld [smem:$0x3F8E];
	s0 =	simm.s32 @p1 $0x1  }
0x15: {  	[smem:$0x3FAB] =	sst s0;
	s0 =	simm.s32 @!p2 $0x0  }
0x16: {  	s3 =	sld [smem:$0x3FDB];
	s0 =	simm.s32 @p2 $0x1  }
0x17: {  	s4 =	simm.s32 $0x1BF5;
	[smem:$0x3FAD] =	sst s0  }
0x18: {  	s0 =	sld [smem:$0x3F90];
	_ =	swait.ge [sflag:s4], $0x0  }
0x19: {  	s7 =	sld [smem:$0x3F91]  }
0x1a: {  	s8 =	sadd.s32 $0xFFFFE003, lr  }
0x1b: {  	s9 =	sadd.s32 $0xFFFFFEF7, lr;
	s5 =	simm.s32 $0xFFFFFFFF;
	p2 =	slt.u32 s8, $0xFFFFF086  }
0x1c: {  	p1 =	slt.u32 s9, $0xF7A;
	s5 =	simm.s32 @!p2 $0x0  }
0x1d: {  	s5 =	simm.s32 @p1 $0x1;
	p0 =	seq.s32 s7, s2  }
0x1e: {  	s7 =	smul.u32 @!p0 $0xF7A, s2;
	p2 =	seq.s32 @!p0 s5, $0x0  }
0x1f: {  	s9 =	smul.u32 $0xF7A, s1;
	s8 =	simm.s32 @!p0 $0x1BF5;
	p2 =	por !p2, p0  }
0x20: {  	[sflag:s8] =	ssyncset.s32 @!p0 $0xFFFFF086;
	s6 =	sadd.s32 @!p0 s3, s7;
	s7 =	simm.s32 @!p0 $0x108  }
0x21: {  	s3 =	sadd.s32 s3, s9;
	s6 =	sadd.s32 @!p0 $0x88, s6;
	s7 =	simm.s32 @p2 $0x1082  }
0x22: {  	[simem:s7], [sflag:s8] =	dma.local @!p0 [hbm:s6], $0xF7A  }
0x23: {  	s9 =	sor.u32 $0xD0000000, s2;
	s6 =	simm.s32 $0x108;
	_ =	swait.ge @!p0 [sflag:s8], $0x0  }
0x24: {  	s3 =	sadd.s32 $0x88, s3;
	s6 =	simm.s32 @!p1 $0x1082;
	[sflag:s4] =	ssyncset.s32 $0xFFFFF086  }
0x25: {  	[simem:s6], [sflag:s4] =	dma.local [hbm:s3], $0xF7A  }
0x26: {  	[smem:$0x3F91] =	sst s1;
	(tag) =	ssettag s2;
	_ =	strace s9  }
0x27: {  	s1 =	sld [smem:$0x3FA1]  }
0x28: {  	s2 =	sld [smem:$0x3FA2]  }
0x29: {  	s4 =	sld [smem:$0x3FA4]  }
0x2a: {  	p0 =	seq.s32 s5, $0x0;
	s5 =	sld [smem:$0x3FA5]  }
0x2b: {  	s6 =	sld [smem:$0x3FA6]  }
0x2c: {  	s7 =	sld [smem:$0x3FA7]  }
0x2d: {  	s3 =	simm.s32 $0x108;
	s8 =	sld [smem:$0x3FA8]  }
0x2e: {  	s3 =	simm.s32 @!p0 $0x1082;
	s9 =	sld [smem:$0x3FA9]  }
0x2f: {  	lr =	sadd.s32 s0, s3;
	s0 =	sld [smem:$0x3FA0]  }
0x30: {  	s3 =	sld [smem:$0x3FA3]  }
0x31: {  	[smem:$0x3FAC] =	sst s10  }
0x32: {  	s10 =	sld [smem:$0x3FAA];
	_ =	sdelay $0x3  }
0x33: {  	p0 =	seq.s32 s10, $0x1;
	s10 =	sld [smem:$0x3FAC];
	_ =	sdelay $0x3  }
0x34: {  	[smem:$0x3FAC] =	sst s10  }
0x35: {  	s10 =	sld [smem:$0x3FAB];
	_ =	sdelay $0x3  }
0x36: {  	p1 =	seq.s32 s10, $0x1;
	s10 =	sld [smem:$0x3FAC];
	_ =	sdelay $0x3  }
0x37: {  	[smem:$0x3FAC] =	sst s10  }
0x38: {  	s10 =	sld [smem:$0x3FAD]  }
0x39: {  	_ = 	snop;
	(pc) =	sbr.ind lr, $3  }
0x3a: {  	_ = 	snop  }
0x3b: {  	_ = 	snop  }
0x3c: {  	p2 =	seq.s32 s10, $0x1;
	s10 =	sld [smem:$0x3FAC]  }
0x3d: {  	_ =	shalt  }
0x3e: {  	_ =	shalt  }
0x3f: {  	_ =	shalt  }
0x40: {  	_ =	shalt  }
0x41: {  	_ =	shalt  }
0x42: {  	_ =	shalt  }
0x43: {  	_ =	shalt  }
0x44: {  	_ =	shalt  }
0x45: {  	_ =	shalt  }
0x46: {  	_ =	shalt  }
0x47: {  	_ =	shalt  }
0x48: {  	_ =	shalt  }
0x49: {  	_ =	shalt  }
0x4a: {  	_ =	shalt  }
0x4b: {  	_ =	shalt  }
0x4c: {  	_ =	shalt  }
0x4d: {  	_ =	shalt  }
0x4e: {  	_ =	shalt  }
0x4f: {  	_ =	shalt  }
0x50: {  	_ =	shalt  }
0x51: {  	_ =	shalt  }
0x52: {  	_ =	shalt  }
0x53: {  	_ =	shalt  }
0x54: {  	_ =	shalt  }
0x55: {  	_ =	shalt  }
0x56: {  	_ =	shalt  }
0x57: {  	_ =	shalt  }
0x58: {  	_ =	shalt  }
0x59: {  	_ =	shalt  }
0x5a: {  	_ =	shalt  }
0x5b: {  	_ =	shalt  }
0x5c: {  	_ =	shalt  }
0x5d: {  	_ =	shalt  }
0x5e: {  	_ =	shalt  }
0x5f: {  	_ =	shalt  }
0x60: {  	_ =	shalt  }
0x61: {  	_ =	shalt  }
0x62: {  	_ =	shalt  }
0x63: {  	_ =	shalt  }
0x64: {  	_ =	shalt  }
0x65: {  	_ =	shalt  }
0x66: {  	_ =	shalt  }
0x67: {  	_ =	shalt  }
0x68: {  	_ =	shalt  }
0x69: {  	_ =	shalt  }
0x6a: {  	_ =	shalt  }
0x6b: {  	_ =	shalt  }
0x6c: {  	_ =	shalt  }
0x6d: {  	_ =	shalt  }
0x6e: {  	_ =	shalt  }
0x6f: {  	_ =	shalt  }
0x70: {  	_ =	shalt  }
0x71: {  	_ =	shalt  }
0x72: {  	_ =	shalt  }
0x73: {  	_ =	shalt  }
0x74: {  	_ =	shalt  }
0x75: {  	_ =	shalt  }
0x76: {  	_ =	shalt  }
0x77: {  	_ =	shalt  }
0x78: {  	_ =	shalt  }
0x79: {  	_ =	shalt  }
0x7a: {  	_ =	shalt  }
0x7b: {  	_ =	shalt  }
0x7c: {  	_ =	shalt  }
0x7d: {  	_ =	shalt  }
0x7e: {  	_ =	shalt  }
0x7f: {  	_ =	shalt  }
0x80: {  	_ =	shalt  }
0x81: {  	_ =	shalt  }
0x82: {  	_ =	shalt  }
0x83: {  	_ =	shalt  }
0x84: {  	_ =	shalt  }
0x85: {  	_ =	shalt  }
0x86: {  	_ =	shalt  }
0x87: {  	_ =	shalt  }
.Lfunc_end0:
.L_simem_size_0:
called_computation_lowered:
.L_overlay_start_0:
0x88: {  	s2 =	sld [smem:$0x3FD9]  }
0x89: {  	s3 =	sld [smem:$0x3FFE];
	_ =	sdelay $0x1  }
0x8a: {  	s1 =	srdreg.scid  }
0x8b: {  	s0 =	sand.u32 $0x1, s1  }
0x8c: {  	s17 =	sshll.u32 s0, $0xA;
	s2 =	sadd.s32 s3, s2  }
0x8d: {  	s2 =	sadd.s32 s2, s17  }
0x8e: {  	[smem:$0x3FB8] =	sst s2  }
0x8f: {  	_ = 	snop  }
0x90: {  	s2 =	sld [smem:$0x3FD0];
	(tm) =	ssettm $0x1  }
0x91: {  	s18 =	sld [smem:$0x3FFB];
	_ =	sdelay $0x3  }
0x92: {  	_ =	strace s18  }
0x93: {  	s3 =	sld [smem:$0x3FFC];
	_ =	sdelay $0x3  }
0x94: {  	_ =	strace s3  }
0x95: {  	s3 =	sld [smem:$0x3FFD];
	_ =	sdelay $0x3  }
0x96: {  	_ =	strace s3  }
0x97: {  	_ =	strace $0x8FFFFFFF  }
0x98: {  	s19 =	sld [smem:$0x3FDB];
	_ =	sdelay $0x1  }
0x99: {  	s4 =	simm.s32 $_scs_section_size  }
0x9a: {  	s5 =	simm.s32 $_size__tile_overlayer_lowered;
	s6 =	simm.s32 $_tile_overlayer_lowered  }
0x9b: {  	s22 =	simm.s32 $0x1BFF;
	s21 =	sshll.u32 s6, $0x1;
	s3 =	sadd.s32 s4, s19  }
0x9c: {  	s7 =	simm.s32 $0x0;
	s20 =	sshll.u32 s5, $0x1;
	s5 =	sadd.s32 s21, s3  }
0x9d: {  	[timem:s7], [sflag:s22] =	dma.local [hbm:s5], s20  }
0x9e: {  	_ =	swait.ge [sflag:s22], s20  }
0x9f: {  	s4 =	ssub.s32 $0x0, s20;
	[sflag:s22] =	ssyncset.done $0x0  }
0xa0: {  	[sflag:s22] =	ssyncadd.s32 s4;
	_ =	sdelay $0x1  }
0xa1: {  	s23 =	simm.s32 $0x1B8B  }
0xa2: {  	_ =	swait.ge [sflag:s23], $0x1  }
0xa3: {  	[sflag:s23] =	ssyncset.done $0x0  }
0xa4: {  	s25 =	simm.s32 $0x1B8E;
	s24 =	sld [smem:$0x3FFE];
	[sflag:s23] =	ssyncadd.s32 $0xFFFFFFFF  }
0xa5: {  	s26 =	simm.s32 $execute0_lowered;
	[smem:$0x3FD2] =	sst s25  }
0xa6: {  	s5 =	sshll.u32 s26, $0x1;
	_ =	strace $0x80000046;
	[dreg:$0x1] =	wrdreg $0xFFFFFFFF  }
0xa7: {  	s28 =	simm.s32 $_size_execute0_lowered;
	s3 =	sadd.s32 s3, s5;
	[dreg:$0x0] =	wrdreg $0x0  }
0xa8: {  	s5 =	sshll.u32 s28, $0x1;
	[dreg:$0x2] =	wrdreg s3  }
0xa9: {  	[dreg:$0x3] =	wrdreg s5  }
0xaa: {  	[dreg:$0x4] =	wrdreg $0xC0  }
0xab: {  	_ =	task [dreg:s7], $0x5FFFF  }
0xac: {  	[dreg:$0x1] =	wrdreg $0xFFFFFFFF  }
0xad: {  	[dreg:$0x0] =	wrdreg $0x60  }
0xae: {  	[dreg:$0x2] =	wrdreg s24  }
0xaf: {  	[dreg:$0x3] =	wrdreg s2  }
0xb0: {  	[dreg:$0x4] =	wrdreg $0xB0000  }
0xb1: {  	[dreg:$0x5] =	wrdreg $0x9  }
0xb2: {  	_ =	task.clear_ibuf [dreg:s7], $0x6FFFF;
	_ =	strace $0x90000046  }
0xb3: {  	s29 =	simm.s32 $0x9;
	_ =	strace $0x80000048  }
0xb4: {  	_ =	swait.ge [sflag:s29], $0x1  }
0xb5: {  	[sflag:s29] =	ssyncadd.s32 $0xFFFFFFFF  }
0xb6: {  	_ =	strace $0x90000048  }
0xb7: {  	_ =	sfence  }
0xb8: {  	s30 =	sld [smem:$0x0];
	_ =	sdelay $0x2  }
0xb9: {  	s31 =	sshll.u32 s1, $0xD;
	s1 =	sshrl.u32 s1, $0x2  }
0xba: {  	s3 =	sand.u32 $0x4000, s31;
	s1 =	sadd.s32 s1, s30  }
0xbb: {  	s0 =	sor.u32 s3, s0;
	s1 =	sshll.u32 s1, $0x11  }
0xbc: {  	s0 =	sor.u32 s1, s0  }
0xbd: {  	s0 =	sadd.s32 $0x8F2B, s0  }
0xbe: {  	[sflag:s0] =	ssyncadd.remote.s32 $0x1  }
0xbf: {  	_ =	sfence.sel $0xFFFF  }
0xc0: {  	[dreg:$0x0] =	wrdreg $0xFFFFFFFF;
	(pc) =	sbr.abs _section_cstart, $3  }
0xc1: {  	[dreg:$0x1] =	wrdreg $0xFFFFFFFF  }
0xc2: {  	_ =	task.clear_ibuf [dreg:s7], $0x2FFFF;
	_ =	strace $0x9FFFFFFF  }
0xc3: {  	(tm) =	ssettm $0x7FFFFFFF  }
tec
execute0_lowered:
.L_overlay_start_1:
0x0: {  	(tag) =	ssettag $0x1  }
0x1: {  	s0 =	rddreg [dreg:$0x0]  }
0x2: {  	s1 =	rddreg [dreg:$0x1]  }
0x3: {  	s2 =	rddreg [dreg:$0x2]  }
0x4: {  	s14 =	stileid.u32;
	s3 =	simm.s32 $0x0;
	s7 =	srdreg.scid  }
0x5: {  	s15 =	simm.s32 $0x8800;
	s16 =	simm.s32 $0x400;
	s28 =	simm.s32 $0x280  }
0x6: {  	s29 =	simm.s32 $0x680;
	s30 =	simm.s32 $0x300;
	s5 =	smul.u32 $0xA00, s14  }
0x7: {  	s31 =	simm.s32 $0x700;
	[smem:$0x7FF] =	sst s3;
	s6 =	smul.u32 $0x14000, s14  }
0x8: {  	s4 =	sadd.s32 $0xCE00, s0;
	s13 =	sand.u32 $0x1, s7;
	s9 =	sshrl.u32 s14, $0x2  }
0x9: {  	s10 =	sshll.u32 s14, $0x8;
	s18 =	sadd.s32 $0x34E00, s0;
	s20 =	smul.u32 $0x50000, s14  }
0xa: {  	s24 =	sshll.u32 s14, $0x6;
	s14 =	simm.s32 $0x1;
	s7 =	smul.u32 $0x140000, s13  }
0xb: {  	_ =	strace $0x80000047;
	s9 =	smul.u32 $0x14000, s9;
	s11 =	sshll.u32 s13, $0x7  }
0xc: {  	s10 =	sand.u32 $0x300, s10;
	[dreg:$0x4] =	wrdreg s18;
	s19 =	ssub.s32 $0x2, s13  }
0xd: {  	p0 =	sne.s32 s13, $0x0;
	s18 =	simm.s32 $0x800;
	s12 =	sadd.s32 s5, s0  }
0xe: {  	s8 =	sshrl.u32 s6, $0x3;
	s17 =	sor.u32 s11, s10;
	s21 =	sshrl.u32 s19, $0x1  }
0xf: {  	s23 =	sshrl.u32 s20, $0x2;
	s11 =	sadd.s32 s5, s1;
	s20 =	simm.s32 $0x480  }
0x10: {  	s1 =	simm.s32 $0x780;
	s5 =	simm.s32 $0x0;
	s8 =	sadd.s32 s8, s0  }
0x11: {  	s6 =	sadd.s32 s6, s7;
	s7 =	sor.u32 s9, s17;
	s22 =	ssub.s32 s19, s21  }
0x12: {  	s25 =	sadd.s32 s23, s2;
	s12 =	sadd.s32 $0x2E00, s12;
	s17 =	simm.s32 $0x80  }
0x13: {  	s19 =	simm.s32 $0x4800;
	s21 =	simm.s32 $0x100;
	s23 =	simm.s32 $0x180  }
0x14: {  	s6 =	sshrl.u32 s6, $0x3;
	s7 =	sshrl.u32 s7, $0x3;
	s26 =	sadd.s32 $0x35400, s8  }
.Ltmp0:
0x15: {  	s10 =	smax.u32 s22, $0x1;
	s13 =	sshrl.u32 s25, $0x3;
	(pc) =	sbr.rel .LBB2_1-.Ltmp0, $4  }
0x16: {  	s22 =	simm.s32 $0x500;
	s25 =	simm.s32 $0x200;
	s6 =	sadd.s32 s6, s0  }
0x17: {  	s0 =	sadd.s32 s7, s0;
	[dreg:$0x5] =	wrdreg s26;
	s7 =	sor.u32 $0x1C01, s24  }
0x18: {  	s24 =	simm.s32 $0x580;
	s26 =	simm.s32 $0x600;
	s6 =	sadd.s32 $0x67400, s6  }
0x19: {  	v0 =	vimm.f32 $1.000000000e+00;
	s9 =	sadd.s32 $0x5D400, s0;
	s0 =	simm.s32 $0x380;
	[dreg:$0x6] =	wrdreg s6  }
.LBB2_3:
0x1a: {  	[bflag:$0x0] =	sbarrier.arrive $0xFFFF  }
0x1b: {  	s6 =	rddreg [dreg:$0x6]  }
0x1c: {  	[hbm:s6], [sflag:s7] =	dma.local [spmem:s13], $0x2800  }
0x1d: {  	s5 =	sadd.s32 $0x1, s5;
	_ =	swait.ge [sflag:s14], $0x2800  }
0x1e: {  	p1 =	sne.s32 s5, s10;
	[sflag:s14] =	ssyncset.done $0x0  }
.Ltmp1:
0x1f: {  	[sflag:s14] =	ssyncadd.s32 $0xFFFFD800;
	(pc) =	sbr.rel @!p1 .LBB2_4-.Ltmp1, $4  }
0x20: {  	[hbm4b:s9+s17] =	stream.strided.scatter [tilespmem:s15], [sflag:$0x1], $0x2800, s16, s17, $0x38;
	[tilespmem:$0x1F000] =	vst v63  }
0x21: {  	_ =	swait.ge [sflag:s14], $0x2800  }
0x22: {  	[sflag:s14] =	ssyncset.done $0x0  }
0x23: {  	[sflag:s14] =	ssyncadd.s32 $0xFFFFD800  }
.LBB2_1:
0x24: {  	s6 =	rddreg [dreg:$0x5]  }
0x25: {  	[spmem:s13], [sflag:s7] =	dma.local [hbm:s6], $0x2800  }
0x26: {  	_ =	swait.ge [sflag:s14], $0x2800  }
0x27: {  	[sflag:s14] =	ssyncset.done $0x0  }
0x28: {  	s8 =	rddreg [dreg:$0x4];
	[sflag:s14] =	ssyncadd.s32 $0xFFFFD800  }
0x29: {  	[tilespmem:s15], [sflag:$0x1] =	stream.linear.gather [hbm4b:s8+s3], $0x2800, $0x38;
	[tilespmem:$0x1F000] =	vst v63  }
.Ltmp2:
0x2a: {  	_ =	swait.ge [sflag:s14], $0x2800;
	(pc) =	sbr.rel @p0 .LBB2_3-.Ltmp2, $4  }
0x2b: {  	[sflag:s14] =	ssyncset.done $0x0  }
0x2c: {  	[sflag:s14] =	ssyncadd.s32 $0xFFFFD800  }
0x2d: {  	[bflag:$0x0] =	sbarrier.arrive $0xFFFF  }
0x2e: {  	s6 =	simm.s32 $0x0  }
.LBB2_2:
0x2f: {  	s8 =	sadd.s32 s6, s12  }
0x30: {  	[tilespmem:s3], [sflag:$0x1] =	stream.linear.gather [hbm4b:s8+s3], $0x400, $0x38;
	[tilespmem:$0x1F000] =	vst v63  }
0x31: {  	_ =	swait.ge [sflag:s14], $0x400  }
0x32: {  	[sflag:s14] =	ssyncset.done $0x0  }
0x33: {  	s8 =	sadd.s32 s6, s11;
	[sflag:s14] =	ssyncadd.s32 $0xFFFFFC00  }
0x34: {  	[tilespmem:s16], [sflag:$0x1] =	stream.linear.gather [hbm4b:s8+s3], $0x400, $0x38;
	[tilespmem:$0x1F000] =	vst v63  }
0x35: {  	_ =	swait.ge [sflag:s14], $0x400  }
0x36: {  	[sflag:s14] =	ssyncset.done $0x0  }
0x37: {  	[sflag:s14] =	ssyncadd.s32 $0xFFFFFC00  }
0x38: {  	[tilespmem:s18], [sflag:$0x1] =	stream.indirect.gather [hbm4b:s4+s17], $0x80, s3, s17, $0xb8;
	[tilespmem:$0x1F000] =	vst v63  }
0x39: {  	_ =	swait.ge [sflag:s14], $0x4000  }
0x3a: {  	[sflag:s14] =	ssyncset.done $0x0  }
0x3b: {  	[sflag:s14] =	ssyncadd.s32 $0xFFFFC000  }
0x3c: {  	[spmem:s2] =	stream.indirect.scatter.add.f32 [tilespmem:s18], [sflag:$0x1], $0x80, s16, s17, $0xb8;
	[tilespmem:$0x1F000] =	vst v63  }
0x3d: {  	_ =	swait.ge [sflag:s14], $0x4000  }
0x3e: {  	[sflag:s14] =	ssyncset.done $0x0  }
0x3f: {  	[sflag:s14] =	ssyncadd.s32 $0xFFFFC000  }
0x40: {  	[tilespmem:s19], [sflag:$0x1] =	stream.indirect.gather [hbm4b:s4+s17], $0x80, s17, s17, $0xb8;
	[tilespmem:$0x1F000] =	vst v63  }
0x41: {  	_ =	swait.ge [sflag:s14], $0x4000  }
0x42: {  	[sflag:s14] =	ssyncset.done $0x0  }
0x43: {  	[sflag:s14] =	ssyncadd.s32 $0xFFFFC000  }
0x44: {  	[spmem:s2] =	stream.indirect.scatter.add.f32 [tilespmem:s19], [sflag:$0x1], $0x80, s20, s17, $0xb8;
	[tilespmem:$0x1F000] =	vst v63  }
0x45: {  	_ =	swait.ge [sflag:s14], $0x4000  }
0x46: {  	[sflag:s14] =	ssyncset.done $0x0  }
0x47: {  	[sflag:s14] =	ssyncadd.s32 $0xFFFFC000  }
0x48: {  	[tilespmem:s18], [sflag:$0x1] =	stream.indirect.gather [hbm4b:s4+s17], $0x80, s21, s17, $0xb8;
	[tilespmem:$0x1F000] =	vst v63  }
0x49: {  	_ =	swait.ge [sflag:s14], $0x4000  }
0x4a: {  	[sflag:s14] =	ssyncset.done $0x0  }
0x4b: {  	[sflag:s14] =	ssyncadd.s32 $0xFFFFC000  }
0x4c: {  	[spmem:s2] =	stream.indirect.scatter.add.f32 [tilespmem:s18], [sflag:$0x1], $0x80, s22, s17, $0xb8;
	[tilespmem:$0x1F000] =	vst v63  }
0x4d: {  	_ =	swait.ge [sflag:s14], $0x4000  }
0x4e: {  	[sflag:s14] =	ssyncset.done $0x0  }
0x4f: {  	[sflag:s14] =	ssyncadd.s32 $0xFFFFC000  }
0x50: {  	[tilespmem:s19], [sflag:$0x1] =	stream.indirect.gather [hbm4b:s4+s17], $0x80, s23, s17, $0xb8;
	[tilespmem:$0x1F000] =	vst v63  }
0x51: {  	_ =	swait.ge [sflag:s14], $0x4000  }
0x52: {  	[sflag:s14] =	ssyncset.done $0x0  }
0x53: {  	[sflag:s14] =	ssyncadd.s32 $0xFFFFC000  }
0x54: {  	[spmem:s2] =	stream.indirect.scatter.add.f32 [tilespmem:s19], [sflag:$0x1], $0x80, s24, s17, $0xb8;
	[tilespmem:$0x1F000] =	vst v63  }
0x55: {  	_ =	swait.ge [sflag:s14], $0x4000  }
0x56: {  	[sflag:s14] =	ssyncset.done $0x0  }
0x57: {  	[sflag:s14] =	ssyncadd.s32 $0xFFFFC000  }
0x58: {  	[tilespmem:s18], [sflag:$0x1] =	stream.indirect.gather [hbm4b:s4+s17], $0x80, s25, s17, $0xb8;
	[tilespmem:$0x1F000] =	vst v63  }
0x59: {  	_ =	swait.ge [sflag:s14], $0x4000  }
0x5a: {  	[sflag:s14] =	ssyncset.done $0x0  }
0x5b: {  	[sflag:s14] =	ssyncadd.s32 $0xFFFFC000  }
0x5c: {  	[spmem:s2] =	stream.indirect.scatter.add.f32 [tilespmem:s18], [sflag:$0x1], $0x80, s26, s17, $0xb8;
	[tilespmem:$0x1F000] =	vst v63  }
0x5d: {  	_ =	swait.ge [sflag:s14], $0x4000  }
0x5e: {  	[sflag:s14] =	ssyncset.done $0x0  }
0x5f: {  	[sflag:s14] =	ssyncadd.s32 $0xFFFFC000  }
0x60: {  	[tilespmem:s19], [sflag:$0x1] =	stream.indirect.gather [hbm4b:s4+s17], $0x80, s28, s17, $0xb8;
	[tilespmem:$0x1F000] =	vst v63  }
0x61: {  	_ =	swait.ge [sflag:s14], $0x4000  }
0x62: {  	[sflag:s14] =	ssyncset.done $0x0  }
0x63: {  	[sflag:s14] =	ssyncadd.s32 $0xFFFFC000  }
0x64: {  	[spmem:s2] =	stream.indirect.scatter.add.f32 [tilespmem:s19], [sflag:$0x1], $0x80, s29, s17, $0xb8;
	[tilespmem:$0x1F000] =	vst v63  }
0x65: {  	_ =	swait.ge [sflag:s14], $0x4000  }
0x66: {  	[sflag:s14] =	ssyncset.done $0x0  }
0x67: {  	[sflag:s14] =	ssyncadd.s32 $0xFFFFC000  }
0x68: {  	[tilespmem:s18], [sflag:$0x1] =	stream.indirect.gather [hbm4b:s4+s17], $0x80, s30, s17, $0xb8;
	[tilespmem:$0x1F000] =	vst v63  }
0x69: {  	_ =	swait.ge [sflag:s14], $0x4000  }
0x6a: {  	[sflag:s14] =	ssyncset.done $0x0  }
0x6b: {  	[sflag:s14] =	ssyncadd.s32 $0xFFFFC000  }
0x6c: {  	[spmem:s2] =	stream.indirect.scatter.add.f32 [tilespmem:s18], [sflag:$0x1], $0x80, s31, s17, $0xb8;
	[tilespmem:$0x1F000] =	vst v63  }
0x6d: {  	_ =	swait.ge [sflag:s14], $0x4000  }
0x6e: {  	[sflag:s14] =	ssyncset.done $0x0  }
0x6f: {  	[sflag:s14] =	ssyncadd.s32 $0xFFFFC000  }
0x70: {  	[tilespmem:s19], [sflag:$0x1] =	stream.indirect.gather [hbm4b:s4+s17], $0x80, s0, s17, $0xb8;
	[tilespmem:$0x1F000] =	vst v63  }
0x71: {  	_ =	swait.ge [sflag:s14], $0x4000  }
0x72: {  	[sflag:s14] =	ssyncset.done $0x0  }
0x73: {  	[sflag:s14] =	ssyncadd.s32 $0xFFFFC000  }
0x74: {  	[spmem:s2] =	stream.indirect.scatter.add.f32 [tilespmem:s19], [sflag:$0x1], $0x80, s1, s17, $0xb8;
	[tilespmem:$0x1F000] =	vst v63  }
0x75: {  	_ =	swait.ge [sflag:s14], $0x4000  }
0x76: {  	[sflag:s14] =	ssyncset.done $0x0  }
0x77: {  	[sflag:s14] =	ssyncadd.s32 $0xFFFFC000  }
0x78: {  	v1 =	vld [tilespmem:$0x400];
	_ =	sdelay $0x7  }
0x79: {  	[tilespmem:v1+s15+$0x0] =	vst.idx.add.f32.msk $0xffff, v0  }
0x7a: {  	v1 =	vld [tilespmem:$0x410];
	_ =	sdelay $0x7  }
0x7b: {  	[tilespmem:v1+s15+$0x0] =	vst.idx.add.f32.msk $0xffff, v0  }
0x7c: {  	v1 =	vld [tilespmem:$0x420];
	_ =	sdelay $0x7  }
0x7d: {  	[tilespmem:v1+s15+$0x0] =	vst.idx.add.f32.msk $0xffff, v0  }
0x7e: {  	v1 =	vld [tilespmem:$0x430];
	_ =	sdelay $0x7  }
0x7f: {  	[tilespmem:v1+s15+$0x0] =	vst.idx.add.f32.msk $0xffff, v0  }
0x80: {  	v1 =	vld [tilespmem:$0x440];
	_ =	sdelay $0x7  }
0x81: {  	[tilespmem:v1+s15+$0x0] =	vst.idx.add.f32.msk $0xffff, v0  }
0x82: {  	v1 =	vld [tilespmem:$0x450];
	_ =	sdelay $0x7  }
0x83: {  	[tilespmem:v1+s15+$0x0] =	vst.idx.add.f32.msk $0xffff, v0  }
0x84: {  	v1 =	vld [tilespmem:$0x460];
	_ =	sdelay $0x7  }
0x85: {  	[tilespmem:v1+s15+$0x0] =	vst.idx.add.f32.msk $0xffff, v0  }
0x86: {  	v1 =	vld [tilespmem:$0x470];
	_ =	sdelay $0x7  }
0x87: {  	[tilespmem:v1+s15+$0x0] =	vst.idx.add.f32.msk $0xffff, v0  }
0x88: {  	v1 =	vld [tilespmem:$0x480];
	_ =	sdelay $0x7  }
0x89: {  	[tilespmem:v1+s15+$0x0] =	vst.idx.add.f32.msk $0xffff, v0  }
0x8a: {  	v1 =	vld [tilespmem:$0x490];
	_ =	sdelay $0x7  }
0x8b: {  	[tilespmem:v1+s15+$0x0] =	vst.idx.add.f32.msk $0xffff, v0  }
0x8c: {  	v1 =	vld [tilespmem:$0x4A0];
	_ =	sdelay $0x7  }
0x8d: {  	[tilespmem:v1+s15+$0x0] =	vst.idx.add.f32.msk $0xffff, v0  }
0x8e: {  	v1 =	vld [tilespmem:$0x4B0];
	_ =	sdelay $0x7  }
0x8f: {  	[tilespmem:v1+s15+$0x0] =	vst.idx.add.f32.msk $0xffff, v0  }
0x90: {  	v1 =	vld [tilespmem:$0x4C0];
	_ =	sdelay $0x7  }
0x91: {  	[tilespmem:v1+s15+$0x0] =	vst.idx.add.f32.msk $0xffff, v0  }
0x92: {  	v1 =	vld [tilespmem:$0x4D0];
	_ =	sdelay $0x7  }
0x93: {  	[tilespmem:v1+s15+$0x0] =	vst.idx.add.f32.msk $0xffff, v0  }
0x94: {  	v1 =	vld [tilespmem:$0x4E0];
	_ =	sdelay $0x7  }
0x95: {  	[tilespmem:v1+s15+$0x0] =	vst.idx.add.f32.msk $0xffff, v0  }
0x96: {  	v1 =	vld [tilespmem:$0x4F0];
	_ =	sdelay $0x7  }
0x97: {  	[tilespmem:v1+s15+$0x0] =	vst.idx.add.f32.msk $0xffff, v0  }
0x98: {  	v1 =	vld [tilespmem:$0x500];
	_ =	sdelay $0x7  }
0x99: {  	[tilespmem:v1+s15+$0x0] =	vst.idx.add.f32.msk $0xffff, v0  }
0x9a: {  	v1 =	vld [tilespmem:$0x510];
	_ =	sdelay $0x7  }
0x9b: {  	[tilespmem:v1+s15+$0x0] =	vst.idx.add.f32.msk $0xffff, v0  }
0x9c: {  	v1 =	vld [tilespmem:$0x520];
	_ =	sdelay $0x7  }
0x9d: {  	[tilespmem:v1+s15+$0x0] =	vst.idx.add.f32.msk $0xffff, v0  }
0x9e: {  	v1 =	vld [tilespmem:$0x530];
	_ =	sdelay $0x7  }
0x9f: {  	[tilespmem:v1+s15+$0x0] =	vst.idx.add.f32.msk $0xffff, v0  }
0xa0: {  	v1 =	vld [tilespmem:$0x540];
	_ =	sdelay $0x7  }
0xa1: {  	[tilespmem:v1+s15+$0x0] =	vst.idx.add.f32.msk $0xffff, v0  }
0xa2: {  	v1 =	vld [tilespmem:$0x550];
	_ =	sdelay $0x7  }
0xa3: {  	[tilespmem:v1+s15+$0x0] =	vst.idx.add.f32.msk $0xffff, v0  }
0xa4: {  	v1 =	vld [tilespmem:$0x560];
	_ =	sdelay $0x7  }
0xa5: {  	[tilespmem:v1+s15+$0x0] =	vst.idx.add.f32.msk $0xffff, v0  }
0xa6: {  	v1 =	vld [tilespmem:$0x570];
	_ =	sdelay $0x7  }
0xa7: {  	[tilespmem:v1+s15+$0x0] =	vst.idx.add.f32.msk $0xffff, v0  }
0xa8: {  	v1 =	vld [tilespmem:$0x580];
	_ =	sdelay $0x7  }
0xa9: {  	[tilespmem:v1+s15+$0x0] =	vst.idx.add.f32.msk $0xffff, v0  }
0xaa: {  	v1 =	vld [tilespmem:$0x590];
	_ =	sdelay $0x7  }
0xab: {  	[tilespmem:v1+s15+$0x0] =	vst.idx.add.f32.msk $0xffff, v0  }
0xac: {  	v1 =	vld [tilespmem:$0x5A0];
	_ =	sdelay $0x7  }
0xad: {  	[tilespmem:v1+s15+$0x0] =	vst.idx.add.f32.msk $0xffff, v0  }
0xae: {  	v1 =	vld [tilespmem:$0x5B0];
	_ =	sdelay $0x7  }
0xaf: {  	[tilespmem:v1+s15+$0x0] =	vst.idx.add.f32.msk $0xffff, v0  }
0xb0: {  	v1 =	vld [tilespmem:$0x5C0];
	_ =	sdelay $0x7  }
0xb1: {  	[tilespmem:v1+s15+$0x0] =	vst.idx.add.f32.msk $0xffff, v0  }
0xb2: {  	v1 =	vld [tilespmem:$0x5D0];
	_ =	sdelay $0x7  }
0xb3: {  	[tilespmem:v1+s15+$0x0] =	vst.idx.add.f32.msk $0xffff, v0  }
0xb4: {  	v1 =	vld [tilespmem:$0x5E0];
	_ =	sdelay $0x7  }
0xb5: {  	[tilespmem:v1+s15+$0x0] =	vst.idx.add.f32.msk $0xffff, v0  }
0xb6: {  	v1 =	vld [tilespmem:$0x5F0];
	_ =	sdelay $0x7  }
0xb7: {  	[tilespmem:v1+s15+$0x0] =	vst.idx.add.f32.msk $0xffff, v0  }
0xb8: {  	v1 =	vld [tilespmem:$0x600];
	_ =	sdelay $0x7  }
0xb9: {  	[tilespmem:v1+s15+$0x0] =	vst.idx.add.f32.msk $0xffff, v0  }
0xba: {  	v1 =	vld [tilespmem:$0x610];
	_ =	sdelay $0x7  }
0xbb: {  	[tilespmem:v1+s15+$0x0] =	vst.idx.add.f32.msk $0xffff, v0  }
0xbc: {  	v1 =	vld [tilespmem:$0x620];
	_ =	sdelay $0x7  }
0xbd: {  	[tilespmem:v1+s15+$0x0] =	vst.idx.add.f32.msk $0xffff, v0  }
0xbe: {  	v1 =	vld [tilespmem:$0x630];
	_ =	sdelay $0x7  }
0xbf: {  	[tilespmem:v1+s15+$0x0] =	vst.idx.add.f32.msk $0xffff, v0  }
0xc0: {  	v1 =	vld [tilespmem:$0x640];
	_ =	sdelay $0x7  }
0xc1: {  	[tilespmem:v1+s15+$0x0] =	vst.idx.add.f32.msk $0xffff, v0  }
0xc2: {  	v1 =	vld [tilespmem:$0x650];
	_ =	sdelay $0x7  }
0xc3: {  	[tilespmem:v1+s15+$0x0] =	vst.idx.add.f32.msk $0xffff, v0  }
0xc4: {  	v1 =	vld [tilespmem:$0x660];
	_ =	sdelay $0x7  }
0xc5: {  	[tilespmem:v1+s15+$0x0] =	vst.idx.add.f32.msk $0xffff, v0  }
0xc6: {  	v1 =	vld [tilespmem:$0x670];
	_ =	sdelay $0x7  }
0xc7: {  	[tilespmem:v1+s15+$0x0] =	vst.idx.add.f32.msk $0xffff, v0  }
0xc8: {  	v1 =	vld [tilespmem:$0x680];
	_ =	sdelay $0x7  }
0xc9: {  	[tilespmem:v1+s15+$0x0] =	vst.idx.add.f32.msk $0xffff, v0  }
0xca: {  	v1 =	vld [tilespmem:$0x690];
	_ =	sdelay $0x7  }
0xcb: {  	[tilespmem:v1+s15+$0x0] =	vst.idx.add.f32.msk $0xffff, v0  }
0xcc: {  	v1 =	vld [tilespmem:$0x6A0];
	_ =	sdelay $0x7  }
0xcd: {  	[tilespmem:v1+s15+$0x0] =	vst.idx.add.f32.msk $0xffff, v0  }
0xce: {  	v1 =	vld [tilespmem:$0x6B0];
	_ =	sdelay $0x7  }
0xcf: {  	[tilespmem:v1+s15+$0x0] =	vst.idx.add.f32.msk $0xffff, v0  }
0xd0: {  	v1 =	vld [tilespmem:$0x6C0];
	_ =	sdelay $0x7  }
0xd1: {  	[tilespmem:v1+s15+$0x0] =	vst.idx.add.f32.msk $0xffff, v0  }
0xd2: {  	v1 =	vld [tilespmem:$0x6D0];
	_ =	sdelay $0x7  }
0xd3: {  	[tilespmem:v1+s15+$0x0] =	vst.idx.add.f32.msk $0xffff, v0  }
0xd4: {  	v1 =	vld [tilespmem:$0x6E0];
	_ =	sdelay $0x7  }
0xd5: {  	[tilespmem:v1+s15+$0x0] =	vst.idx.add.f32.msk $0xffff, v0  }
0xd6: {  	v1 =	vld [tilespmem:$0x6F0];
	_ =	sdelay $0x7  }
0xd7: {  	[tilespmem:v1+s15+$0x0] =	vst.idx.add.f32.msk $0xffff, v0  }
0xd8: {  	v1 =	vld [tilespmem:$0x700];
	_ =	sdelay $0x7  }
0xd9: {  	[tilespmem:v1+s15+$0x0] =	vst.idx.add.f32.msk $0xffff, v0  }
0xda: {  	v1 =	vld [tilespmem:$0x710];
	_ =	sdelay $0x7  }
0xdb: {  	[tilespmem:v1+s15+$0x0] =	vst.idx.add.f32.msk $0xffff, v0  }
0xdc: {  	v1 =	vld [tilespmem:$0x720];
	_ =	sdelay $0x7  }
0xdd: {  	[tilespmem:v1+s15+$0x0] =	vst.idx.add.f32.msk $0xffff, v0  }
0xde: {  	v1 =	vld [tilespmem:$0x730];
	_ =	sdelay $0x7  }
0xdf: {  	[tilespmem:v1+s15+$0x0] =	vst.idx.add.f32.msk $0xffff, v0  }
0xe0: {  	v1 =	vld [tilespmem:$0x740];
	_ =	sdelay $0x7  }
0xe1: {  	[tilespmem:v1+s15+$0x0] =	vst.idx.add.f32.msk $0xffff, v0  }
0xe2: {  	v1 =	vld [tilespmem:$0x750];
	_ =	sdelay $0x7  }
0xe3: {  	[tilespmem:v1+s15+$0x0] =	vst.idx.add.f32.msk $0xffff, v0  }
0xe4: {  	v1 =	vld [tilespmem:$0x760];
	_ =	sdelay $0x7  }
0xe5: {  	[tilespmem:v1+s15+$0x0] =	vst.idx.add.f32.msk $0xffff, v0  }
0xe6: {  	v1 =	vld [tilespmem:$0x770];
	_ =	sdelay $0x7  }
0xe7: {  	[tilespmem:v1+s15+$0x0] =	vst.idx.add.f32.msk $0xffff, v0  }
0xe8: {  	v1 =	vld [tilespmem:$0x780];
	_ =	sdelay $0x7  }
0xe9: {  	[tilespmem:v1+s15+$0x0] =	vst.idx.add.f32.msk $0xffff, v0  }
0xea: {  	v1 =	vld [tilespmem:$0x790];
	_ =	sdelay $0x7  }
0xeb: {  	[tilespmem:v1+s15+$0x0] =	vst.idx.add.f32.msk $0xffff, v0  }
0xec: {  	v1 =	vld [tilespmem:$0x7A0];
	_ =	sdelay $0x7  }
0xed: {  	[tilespmem:v1+s15+$0x0] =	vst.idx.add.f32.msk $0xffff, v0  }
0xee: {  	v1 =	vld [tilespmem:$0x7B0];
	_ =	sdelay $0x7  }
0xef: {  	[tilespmem:v1+s15+$0x0] =	vst.idx.add.f32.msk $0xffff, v0  }
0xf0: {  	v1 =	vld [tilespmem:$0x7C0];
	_ =	sdelay $0x7  }
0xf1: {  	[tilespmem:v1+s15+$0x0] =	vst.idx.add.f32.msk $0xffff, v0  }
0xf2: {  	v1 =	vld [tilespmem:$0x7D0];
	_ =	sdelay $0x7  }
0xf3: {  	[tilespmem:v1+s15+$0x0] =	vst.idx.add.f32.msk $0xffff, v0  }
0xf4: {  	v1 =	vld [tilespmem:$0x7E0];
	_ =	sdelay $0x7  }
0xf5: {  	[tilespmem:v1+s15+$0x0] =	vst.idx.add.f32.msk $0xffff, v0  }
0xf6: {  	v1 =	vld [tilespmem:$0x7F0];
	_ =	sdelay $0x2  }
0xf7: {  	p1 =	sne.s32 s6, $0x980  }
.Ltmp3:
0xf8: {  	_ = 	snop;
	(pc) =	sbr.rel @p1 .LBB2_2-.Ltmp3, $2  }
0xf9: {  	_ =	sdelay $0x2  }
0xfa: {  	s6 =	sadd.s32 $0x80, s6;
	[tilespmem:v1+s15+$0x0] =	vst.idx.add.f32.msk $0xffff, v0  }
.Ltmp4:
0xfb: {  	_ = 	snop;
	(pc) =	sbr.rel .LBB2_3-.Ltmp4, $1  }
0xfc: {  	_ =	sdelay $0x3  }
.LBB2_4:
0xfd: {  	_ =	sfence.sel $0x180000  }
0xfe: {  	[bflag:$0x0] =	sbarrier.arrive $0xFFFF  }
0xff: {  	_ =	strace $0x90000047  }
0x100: {  	s0 =	stileid.u32;
	[bflag:$0x2] =	sbarrier.arrive $0xFFFF  }
0x101: {  	p0 =	sne.s32 s0, $0x0;
	s0 =	rddreg [dreg:$0x3]  }
0x102: {  	s0 =	sadd.s32 @!p0 $0x100000, s0  }
0x103: {  	[sflag:s0] =	ssyncadd.tile.s32 @!p0 $0x1;
	_ =	shalt  }
.Lfunc_end2:
_tile_overlayer_lowered:
.L_overlay_start_2:
0x104: {  	(tag) =	ssettag $0x2  }
0x105: {  	s0 =	rddreg [dreg:$0x0];
	s2 =	stileid.u32  }
0x106: {  	s1 =	rddreg [dreg:$0x1];
	p0 =	sne.s32 s2, $0x0  }
0x107: {  	s3 =	rddreg [dreg:$0x2];
	[bflag:$0x3] =	sbarrier.arrive $0xFFFF;
	s2 =	simm.s32 @!p0 $0x1C01  }
0x108: {  	[timem:s3], [sflag:s2] =	dma.local @!p0 [hbm:s0], s1  }
0x109: {  	s0 =	simm.s32 @!p0 $0x1  }
0x10a: {  	_ =	swait.ge @!p0 [sflag:s0], s1  }
0x10b: {  	s1 =	ssub.s32 @!p0 $0x0, s1;
	[sflag:s0] =	ssyncset.done @!p0 $0x0  }
0x10c: {  	[sflag:s0] =	ssyncadd.s32 @!p0 s1  }
0x10d: {  	[bflag:$0x3] =	sbarrier.arrive $0xFFFF  }
0x10e: {  	_ =	shalt  }

</sc_bundles>
